<compile_context>
chip_gen: v7x
topology: tpu7x:2x2x1
jax: 0.10.2.dev20260603
libtpu: 0.0.44.dev20260713+nightly
codegen_flags: <defaults>
</compile_context>

<pallas_src>
import functools

import jax
import jax.numpy as jnp
from jax import lax
from jax.experimental import pallas as pl
from jax.experimental.pallas import tpu as pltpu
from jax.experimental.pallas import tpu_sc as plsc

_C = 1000
_B = 16384
_S = 0.1
_COEF_B = _S / (_C - 1)
_COEF_A = 1.0 - _S - _COEF_B

_B_SC = 1024
_B_TC = _B - _B_SC

_BLOCK_ROWS = 512
_NW = 32
_ROWS_PER_W = _B_SC // _NW
_GRP = 16
_NGRP = _ROWS_PER_W // _GRP
_LANES = 16
_NCHUNK = _C // _LANES
_TAIL = _C - _NCHUNK * _LANES

_LN2 = 0.6931471805599453


def _tc_body(x_ref, t_ref, out_ref):
    x = x_ref[...]
    t = t_ref[...]
    m = jnp.max(x, axis=1, keepdims=True)
    e = jnp.exp(x - m)
    s = jnp.sum(e, axis=1, keepdims=True)
    lse = m + jnp.log(s)
    rowsum = jnp.sum(x, axis=1, keepdims=True)
    cols = jax.lax.broadcasted_iota(jnp.int32, x.shape, 1)
    tgt = jnp.sum(jnp.where(cols == t, x, 0.0), axis=1, keepdims=True)
    part = lse - _COEF_A * tgt - _COEF_B * rowsum
    out_ref[0] = jnp.sum(part, axis=0, keepdims=True)


def _ln_vec(s):
    bits = lax.bitcast_convert_type(s, jnp.int32)
    e = ((bits >> 23) & 0xFF) - 127
    mbits = (bits & 0x7FFFFF) | 0x3F800000
    m = lax.bitcast_convert_type(mbits, jnp.float32)
    t = (m - 1.0) / (m + 1.0)
    t2 = t * t
    p = 1.0 / 9.0
    p = p * t2 + 1.0 / 7.0
    p = p * t2 + 1.0 / 5.0
    p = p * t2 + 1.0 / 3.0
    p = p * t2 + 1.0
    return e.astype(jnp.float32) * _LN2 + 2.0 * t * p




_NPAIR = _NGRP // 2


def _sc_body(logits_hbm, target_hbm, out_hbm, rows0, rows1, se_buf, rs_buf,
             tgt_ref, acc_ref, sem0, sem1):
    wid = lax.axis_index("s") * 2 + lax.axis_index("c")
    row0 = _B_TC + wid * _ROWS_PER_W
    lane = lax.iota(jnp.int32, _LANES)
    zero = jnp.zeros((_LANES,), jnp.float32)
    zi = jnp.zeros((_LANES,), jnp.int32)

    def src(g):
        return logits_hbm.at[pl.ds(row0 + g * _GRP, _GRP)]

    def dst(buf):
        return buf

    def compute(buf, se_buf, rs_buf, g, acc):
        tailmask = lane >= (_LANES - _TAIL)

        def row(j, _):
            na = 4
            evs = [jnp.zeros((_LANES,), jnp.float32) for _ in range(na)]
            rvs = [jnp.zeros((_LANES,), jnp.float32) for _ in range(na)]
            for k in range(_NCHUNK):
                x = buf[j, pl.ds(k * _LANES, _LANES)]
                evs[k % na] = evs[k % na] + jnp.exp(x)
                rvs[k % na] = rvs[k % na] + x
            xt = buf[j, pl.ds(_C - _LANES, _LANES)]
            evs[0] = evs[0] + jnp.where(tailmask, jnp.exp(xt), 0.0)
            rvs[0] = rvs[0] + jnp.where(tailmask, xt, 0.0)
            se_buf[j, pl.ds(0, _LANES)] = (evs[0] + evs[1]) + (evs[2] + evs[3])
            rs_buf[j, pl.ds(0, _LANES)] = (rvs[0] + rvs[1]) + (rvs[2] + rvs[3])
            return 0

        lax.fori_loop(0, _GRP, row, 0)

        sv = plsc.load_gather(se_buf, [lane, zi])
        rv = plsc.load_gather(rs_buf, [lane, zi])
        for t in range(1, _LANES):
            ct = jnp.full((_LANES,), t, jnp.int32)
            sv = sv + plsc.load_gather(se_buf, [lane, ct])
            rv = rv + plsc.load_gather(rs_buf, [lane, ct])
        tvec = tgt_ref[pl.ds(g * _GRP, _GRP)]
        tg = plsc.load_gather(buf, [lane, tvec])
        lse = _ln_vec(sv)
        return acc + (lse - _COEF_A * tg - _COEF_B * rv)

    pltpu.sync_copy(target_hbm.at[pl.ds(row0, _ROWS_PER_W)], tgt_ref)
    pltpu.async_copy(src(0), dst(rows0), sem0)

    def pair(p, acc):
        g0 = 2 * p
        pltpu.async_copy(src(g0 + 1), dst(rows1), sem1)
        pltpu.make_async_copy(src(g0), dst(rows0), sem0).wait()
        acc = compute(rows0, se_buf, rs_buf, g0, acc)

        @pl.when(p + 1 < _NPAIR)
        def _():
            pltpu.async_copy(src(g0 + 2), dst(rows0), sem0)

        pltpu.make_async_copy(src(g0 + 1), dst(rows1), sem1).wait()
        return compute(rows1, se_buf, rs_buf, g0 + 1, acc)

    acc = lax.fori_loop(0, _NPAIR, pair, zero)
    acc_ref[...] = acc
    pltpu.sync_copy(acc_ref, out_hbm.at[wid])


@functools.partial(jax.jit, static_argnames=("interpret",))
def _loss(logits, target, interpret=False):
    t2d = target.reshape(_B, 1)

    sc_call = pl.kernel(
        _sc_body,
        mesh=plsc.VectorSubcoreMesh(core_axis_name="c", subcore_axis_name="s"),
        out_type=jax.ShapeDtypeStruct((_NW, _LANES), jnp.float32),
        scratch_types=[
            pltpu.VMEM((_GRP, _C), jnp.float32),
            pltpu.VMEM((_GRP, _C), jnp.float32),
            pltpu.VMEM((_GRP, _LANES), jnp.float32),
            pltpu.VMEM((_GRP, _LANES), jnp.float32),
            pltpu.VMEM((_ROWS_PER_W,), jnp.int32),
            pltpu.VMEM((_LANES,), jnp.float32),
            pltpu.SemaphoreType.DMA,
            pltpu.SemaphoreType.DMA,
        ],
        compiler_params=pltpu.CompilerParams(
            needs_layout_passes=False, use_tc_tiling_on_sc=False
        ),
    )
    sc_part = sc_call(logits, target)

    grid = _B_TC // _BLOCK_ROWS
    tc_part = pl.pallas_call(
        _tc_body,
        grid=(grid,),
        in_specs=[
            pl.BlockSpec((_BLOCK_ROWS, _C), lambda i: (i, 0)),
            pl.BlockSpec((_BLOCK_ROWS, 1), lambda i: (i, 0)),
        ],
        out_specs=pl.BlockSpec((1, 1, 1), lambda i: (i, 0, 0)),
        out_shape=jax.ShapeDtypeStruct((grid, 1, 1), jnp.float32),
        compiler_params=pltpu.CompilerParams(
            dimension_semantics=("parallel",),
        ),
        interpret=interpret,
    )(logits, t2d)

    return (jnp.sum(tc_part) + jnp.sum(sc_part)) * (1.0 / _B)


def kernel(logits, target):
    return _loss(logits, target)

# --- scband reference (transcript-rebuilt; emitter-appended) ---
"""Pipeline reference for scband-cross-entropy-loss-mod-51049981280712 (READ-ONLY COPY).

The authoritative reference and input builder live on the scoring server;
editing this copy changes nothing except your own understanding.
"""

import jax, jax.numpy as jnp
import numpy as np

CLASSES = 1000
SMOOTHING = 0.1
BATCH = 16384

def setup_inputs(seed: int = 0) -> dict:
    key = jax.random.key(seed)
    k1, k2 = jax.random.split(key)
    logits = jax.random.normal(k1, (BATCH, CLASSES), dtype=jnp.float32)
    target = jax.random.randint(k2, (BATCH,), 0, CLASSES, dtype=jnp.int32)
    return {"logits": logits, "target": target}

def _onehot_and_smooth(target, classes, smoothing, dtype):
    b = target.shape[0]
    onehot = jnp.full((b, classes), smoothing / (classes - 1), dtype=dtype)
    onehot = onehot.at[jnp.arange(b), target].set(1.0 - smoothing)
    return onehot

def reference(logits, target):
    pred = jax.nn.log_softmax(logits, axis=-1)
    smooth_target = _onehot_and_smooth(target, CLASSES, SMOOTHING, logits.dtype)
    return (-smooth_target * pred).sum(axis=-1).mean()

if __name__ == "__main__":
    import jax
    _d = setup_inputs()
    print(jax.jit(kernel)(*tuple(_d.values())))

</pallas_src>

<mosaic_0001>
#map = affine_map<(d0, d1) -> (0, 0)>
#map1 = affine_map<(d0, d1) -> (0)>
module attributes {stable_mosaic.version = 14 : i64} {
  func.func @_sc_body(%arg0: i32, %arg1: i32, %arg2: memref<16384x1000xf32, #tpu.memory_space<hbm>>, %arg3: memref<16384xi32, #tpu.memory_space<hbm>>, %arg4: memref<32x16xf32, #tpu.memory_space<hbm>>, %arg5: memref<16x1000xf32, #tpu.memory_space<vmem>>, %arg6: memref<16x1000xf32, #tpu.memory_space<vmem>>, %arg7: memref<16x16xf32, #tpu.memory_space<vmem>>, %arg8: memref<16x16xf32, #tpu.memory_space<vmem>>, %arg9: memref<32xi32, #tpu.memory_space<vmem>>, %arg10: memref<16xf32, #tpu.memory_space<vmem>>, %arg11: memref<!tpu.dma_semaphore, #tpu.memory_space<semaphore_mem>>, %arg12: memref<!tpu.dma_semaphore, #tpu.memory_space<semaphore_mem>>) attributes {dimension_semantics = [#tpu.dimension_semantics<core_parallel>, #tpu.dimension_semantics<subcore_parallel>], iteration_bounds = array<i64: 2, 16>, scalar_prefetch = 0 : i64, scratch_operands = 8 : i64, tpu.core_type = #tpu.core_type<sc_vector_subcore>, window_params = [{transform_indices = #map}, {transform_indices = #map1}, {transform_indices = #map}]} {
    %mul3A = arith.constant 2 : i32
    %mul3A_0 = arith.muli %arg1, %mul3A : i32
    %add3A = arith.addi %mul3A_0, %arg0 : i32
    %mul3A_1 = arith.constant 32 : i32
    %mul3A_2 = arith.muli %add3A, %mul3A_1 : i32
    %add3A_3 = arith.constant 15360 : i32
    %add3A_4 = arith.addi %add3A_3, %mul3A_2 : i32
    %iota3A = tpu.iota {dimensions = array<i32: 0>} : vector<16xi32>
    %broadcast_in_dim3A = arith.constant 0.000000e+00 : f32
    %broadcast_in_dim3A_5 = vector.broadcast %broadcast_in_dim3A : f32 to vector<16xf32>
    %broadcast_in_dim3A_6 = arith.constant 0 : i32
    %broadcast_in_dim3A_7 = vector.broadcast %broadcast_in_dim3A_6 : i32 to vector<16xi32>
    "tpu.region"() ({
      %run_scoped3A = tpu.sem_alloc : memref<!tpu.dma_semaphore, #tpu.memory_space<semaphore_mem>>
      %dma_start3A_374 = tpu.memref_slice %arg3[%add3A_4] : memref<16384xi32, #tpu.memory_space<hbm>> -> memref<32xi32, #tpu.memory_space<hbm>>
      %dma_start3A_375 = tpu.memref_slice %arg3[%add3A_4] : memref<16384xi32, #tpu.memory_space<hbm>> -> memref<32xi32, #tpu.memory_space<hbm>>
      tpu.enqueue_dma source(%dma_start3A_375 : memref<32xi32, #tpu.memory_space<hbm>>) target(%arg9 : memref<32xi32, #tpu.memory_space<vmem>>) target_semaphore(%run_scoped3A : memref<!tpu.dma_semaphore, #tpu.memory_space<semaphore_mem>>)
      %dma_wait3A_376 = tpu.memref_slice %arg3[%add3A_4] : memref<16384xi32, #tpu.memory_space<hbm>> -> memref<32xi32, #tpu.memory_space<hbm>>
      %dma_wait3A_377 = tpu.memref_slice %arg3[%add3A_4] : memref<16384xi32, #tpu.memory_space<hbm>> -> memref<32xi32, #tpu.memory_space<hbm>>
      tpu.wait_dma2 semaphore(%run_scoped3A : memref<!tpu.dma_semaphore, #tpu.memory_space<semaphore_mem>>) src(%dma_wait3A_377 : memref<32xi32, #tpu.memory_space<hbm>>) dst(%arg9 : memref<32xi32, #tpu.memory_space<vmem>>)
      tpu.yield
    }) : () -> ()
    %add3A_8 = arith.constant 0 : i32
    %add3A_9 = arith.addi %add3A_4, %add3A_8 : i32
    %dma_start3A = arith.constant 0 : i32
    %dma_start3A_10 = tpu.memref_slice %arg2[%add3A_9, %dma_start3A] : memref<16384x1000xf32, #tpu.memory_space<hbm>> -> memref<16x1000xf32, #tpu.memory_space<hbm>>
    %dma_start3A_11 = arith.constant 0 : i32
    %dma_start3A_12 = tpu.memref_slice %arg2[%add3A_9, %dma_start3A_11] : memref<16384x1000xf32, #tpu.memory_space<hbm>> -> memref<16x1000xf32, #tpu.memory_space<hbm>>
    tpu.enqueue_dma source(%dma_start3A_12 : memref<16x1000xf32, #tpu.memory_space<hbm>>) target(%arg5 : memref<16x1000xf32, #tpu.memory_space<vmem>>) target_semaphore(%arg11 : memref<!tpu.dma_semaphore, #tpu.memory_space<semaphore_mem>>)
    %scan3A = arith.constant 0 : i32
    %mul3A_13 = arith.constant 2 : i32
    %mul3A_14 = arith.muli %mul3A_13, %scan3A : i32
    %add3A_15 = arith.constant 1 : i32
    %add3A_16 = arith.addi %mul3A_14, %add3A_15 : i32
    %mul3A_17 = arith.constant 16 : i32
    %mul3A_18 = arith.muli %add3A_16, %mul3A_17 : i32
    %add3A_19 = arith.addi %add3A_4, %mul3A_18 : i32
    %dma_start3A_20 = arith.constant 0 : i32
    %dma_start3A_21 = tpu.memref_slice %arg2[%add3A_19, %dma_start3A_20] : memref<16384x1000xf32, #tpu.memory_space<hbm>> -> memref<16x1000xf32, #tpu.memory_space<hbm>>
    %dma_start3A_22 = arith.constant 0 : i32
    %dma_start3A_23 = tpu.memref_slice %arg2[%add3A_19, %dma_start3A_22] : memref<16384x1000xf32, #tpu.memory_space<hbm>> -> memref<16x1000xf32, #tpu.memory_space<hbm>>
    tpu.enqueue_dma source(%dma_start3A_23 : memref<16x1000xf32, #tpu.memory_space<hbm>>) target(%arg6 : memref<16x1000xf32, #tpu.memory_space<vmem>>) target_semaphore(%arg12 : memref<!tpu.dma_semaphore, #tpu.memory_space<semaphore_mem>>)
    %mul3A_24 = arith.constant 16 : i32
    %mul3A_25 = arith.muli %mul3A_14, %mul3A_24 : i32
    %add3A_26 = arith.addi %add3A_4, %mul3A_25 : i32
    %dma_wait3A = arith.constant 0 : i32
    %dma_wait3A_27 = tpu.memref_slice %arg2[%add3A_26, %dma_wait3A] : memref<16384x1000xf32, #tpu.memory_space<hbm>> -> memref<16x1000xf32, #tpu.memory_space<hbm>>
    %dma_wait3A_28 = arith.constant 0 : i32
    %dma_wait3A_29 = tpu.memref_slice %arg2[%add3A_26, %dma_wait3A_28] : memref<16384x1000xf32, #tpu.memory_space<hbm>> -> memref<16x1000xf32, #tpu.memory_space<hbm>>
    tpu.wait_dma2 semaphore(%arg11 : memref<!tpu.dma_semaphore, #tpu.memory_space<semaphore_mem>>) src(%dma_wait3A_29 : memref<16x1000xf32, #tpu.memory_space<hbm>>) dst(%arg5 : memref<16x1000xf32, #tpu.memory_space<vmem>>)
    %ge3A = arith.constant 8 : i32
    %ge3A_30 = vector.broadcast %ge3A : i32 to vector<16xi32>
    %ge3A_31 = arith.cmpi sge, %iota3A, %ge3A_30 : vector<16xi32>
    %scan3A_32 = arith.constant 0 : i32
    %scan3A_33 = arith.constant 0 : i32
    %scan3A_34 = arith.constant 16 : i32
    %scan3A_35 = arith.addi %scan3A_33, %scan3A_34 : i32
    %scan3A_36 = arith.constant 1 : i32
    %scan3A_37 = scf.for %scan3A_374 = %scan3A_33 to %scan3A_35 step %scan3A_36 iter_args(%scan3A_375 = %scan3A_32) -> (i32)  : i32 {
      %broadcast_in_dim3A_376 = arith.constant 0.000000e+00 : f32
      %broadcast_in_dim3A_377 = vector.broadcast %broadcast_in_dim3A_376 : f32 to vector<16xf32>
      %broadcast_in_dim3A_378 = arith.constant 0.000000e+00 : f32
      %broadcast_in_dim3A_379 = vector.broadcast %broadcast_in_dim3A_378 : f32 to vector<16xf32>
      %broadcast_in_dim3A_380 = arith.constant 0.000000e+00 : f32
      %broadcast_in_dim3A_381 = vector.broadcast %broadcast_in_dim3A_380 : f32 to vector<16xf32>
      %broadcast_in_dim3A_382 = arith.constant 0.000000e+00 : f32
      %broadcast_in_dim3A_383 = vector.broadcast %broadcast_in_dim3A_382 : f32 to vector<16xf32>
      %broadcast_in_dim3A_384 = arith.constant 0.000000e+00 : f32
      %broadcast_in_dim3A_385 = vector.broadcast %broadcast_in_dim3A_384 : f32 to vector<16xf32>
      %broadcast_in_dim3A_386 = arith.constant 0.000000e+00 : f32
      %broadcast_in_dim3A_387 = vector.broadcast %broadcast_in_dim3A_386 : f32 to vector<16xf32>
      %broadcast_in_dim3A_388 = arith.constant 0.000000e+00 : f32
      %broadcast_in_dim3A_389 = vector.broadcast %broadcast_in_dim3A_388 : f32 to vector<16xf32>
      %broadcast_in_dim3A_390 = arith.constant 0.000000e+00 : f32
      %broadcast_in_dim3A_391 = vector.broadcast %broadcast_in_dim3A_390 : f32 to vector<16xf32>
      %get3A_392 = arith.index_cast %scan3A_374 : i32 to index
      %get3A_393 = arith.constant 0 : index
      %get3A_394 = tpu.vector_load %arg5[%get3A_392, %get3A_393] {strides = array<i32>} : memref<16x1000xf32, #tpu.memory_space<vmem>>, vector<16xf32>,
      %exp3A = math.exp %get3A_394 : vector<16xf32>
      %add3A_395 = arith.addf %broadcast_in_dim3A_377, %exp3A : vector<16xf32>
      %add3A_396 = arith.addf %broadcast_in_dim3A_385, %get3A_394 : vector<16xf32>
      %get3A_397 = arith.index_cast %scan3A_374 : i32 to index
      %get3A_398 = arith.constant 16 : index
      %get3A_399 = tpu.vector_load %arg5[%get3A_397, %get3A_398] {strides = array<i32>} : memref<16x1000xf32, #tpu.memory_space<vmem>>, vector<16xf32>,
      %exp3A_400 = math.exp %get3A_399 : vector<16xf32>
      %add3A_401 = arith.addf %broadcast_in_dim3A_379, %exp3A_400 : vector<16xf32>
      %add3A_402 = arith.addf %broadcast_in_dim3A_387, %get3A_399 : vector<16xf32>
      %get3A_403 = arith.index_cast %scan3A_374 : i32 to index
      %get3A_404 = arith.constant 32 : index
      %get3A_405 = tpu.vector_load %arg5[%get3A_403, %get3A_404] {strides = array<i32>} : memref<16x1000xf32, #tpu.memory_space<vmem>>, vector<16xf32>,
      %exp3A_406 = math.exp %get3A_405 : vector<16xf32>
      %add3A_407 = arith.addf %broadcast_in_dim3A_381, %exp3A_406 : vector<16xf32>
      %add3A_408 = arith.addf %broadcast_in_dim3A_389, %get3A_405 : vector<16xf32>
      %get3A_409 = arith.index_cast %scan3A_374 : i32 to index
      %get3A_410 = arith.constant 48 : index
      %get3A_411 = tpu.vector_load %arg5[%get3A_409, %get3A_410] {strides = array<i32>} : memref<16x1000xf32, #tpu.memory_space<vmem>>, vector<16xf32>,
      %exp3A_412 = math.exp %get3A_411 : vector<16xf32>
      %add3A_413 = arith.addf %broadcast_in_dim3A_383, %exp3A_412 : vector<16xf32>
      %add3A_414 = arith.addf %broadcast_in_dim3A_391, %get3A_411 : vector<16xf32>
      %get3A_415 = arith.index_cast %scan3A_374 : i32 to index
      %get3A_416 = arith.constant 64 : index
      %get3A_417 = tpu.vector_load %arg5[%get3A_415, %get3A_416] {strides = array<i32>} : memref<16x1000xf32, #tpu.memory_space<vmem>>, vector<16xf32>,
      %exp3A_418 = math.exp %get3A_417 : vector<16xf32>
      %add3A_419 = arith.addf %add3A_395, %exp3A_418 : vector<16xf32>
      %add3A_420 = arith.addf %add3A_396, %get3A_417 : vector<16xf32>
      %get3A_421 = arith.index_cast %scan3A_374 : i32 to index
      %get3A_422 = arith.constant 80 : index
      %get3A_423 = tpu.vector_load %arg5[%get3A_421, %get3A_422] {strides = array<i32>} : memref<16x1000xf32, #tpu.memory_space<vmem>>, vector<16xf32>,
      %exp3A_424 = math.exp %get3A_423 : vector<16xf32>
      %add3A_425 = arith.addf %add3A_401, %exp3A_424 : vector<16xf32>
      %add3A_426 = arith.addf %add3A_402, %get3A_423 : vector<16xf32>
      %get3A_427 = arith.index_cast %scan3A_374 : i32 to index
      %get3A_428 = arith.constant 96 : index
      %get3A_429 = tpu.vector_load %arg5[%get3A_427, %get3A_428] {strides = array<i32>} : memref<16x1000xf32, #tpu.memory_space<vmem>>, vector<16xf32>,
      %exp3A_430 = math.exp %get3A_429 : vector<16xf32>
      %add3A_431 = arith.addf %add3A_407, %exp3A_430 : vector<16xf32>
      %add3A_432 = arith.addf %add3A_408, %get3A_429 : vector<16xf32>
      %get3A_433 = arith.index_cast %scan3A_374 : i32 to index
      %get3A_434 = arith.constant 112 : index
      %get3A_435 = tpu.vector_load %arg5[%get3A_433, %get3A_434] {strides = array<i32>} : memref<16x1000xf32, #tpu.memory_space<vmem>>, vector<16xf32>,
      %exp3A_436 = math.exp %get3A_435 : vector<16xf32>
      %add3A_437 = arith.addf %add3A_413, %exp3A_436 : vector<16xf32>
      %add3A_438 = arith.addf %add3A_414, %get3A_435 : vector<16xf32>
      %get3A_439 = arith.index_cast %scan3A_374 : i32 to index
      %get3A_440 = arith.constant 128 : index
      %get3A_441 = tpu.vector_load %arg5[%get3A_439, %get3A_440] {strides = array<i32>} : memref<16x1000xf32, #tpu.memory_space<vmem>>, vector<16xf32>,
      %exp3A_442 = math.exp %get3A_441 : vector<16xf32>
      %add3A_443 = arith.addf %add3A_419, %exp3A_442 : vector<16xf32>
      %add3A_444 = arith.addf %add3A_420, %get3A_441 : vector<16xf32>
      %get3A_445 = arith.index_cast %scan3A_374 : i32 to index
      %get3A_446 = arith.constant 144 : index
      %get3A_447 = tpu.vector_load %arg5[%get3A_445, %get3A_446] {strides = array<i32>} : memref<16x1000xf32, #tpu.memory_space<vmem>>, vector<16xf32>,
      %exp3A_448 = math.exp %get3A_447 : vector<16xf32>
      %add3A_449 = arith.addf %add3A_425, %exp3A_448 : vector<16xf32>
      %add3A_450 = arith.addf %add3A_426, %get3A_447 : vector<16xf32>
      %get3A_451 = arith.index_cast %scan3A_374 : i32 to index
      %get3A_452 = arith.constant 160 : index
      %get3A_453 = tpu.vector_load %arg5[%get3A_451, %get3A_452] {strides = array<i32>} : memref<16x1000xf32, #tpu.memory_space<vmem>>, vector<16xf32>,
      %exp3A_454 = math.exp %get3A_453 : vector<16xf32>
      %add3A_455 = arith.addf %add3A_431, %exp3A_454 : vector<16xf32>
      %add3A_456 = arith.addf %add3A_432, %get3A_453 : vector<16xf32>
      %get3A_457 = arith.index_cast %scan3A_374 : i32 to index
      %get3A_458 = arith.constant 176 : index
      %get3A_459 = tpu.vector_load %arg5[%get3A_457, %get3A_458] {strides = array<i32>} : memref<16x1000xf32, #tpu.memory_space<vmem>>, vector<16xf32>,
      %exp3A_460 = math.exp %get3A_459 : vector<16xf32>
      %add3A_461 = arith.addf %add3A_437, %exp3A_460 : vector<16xf32>
      %add3A_462 = arith.addf %add3A_438, %get3A_459 : vector<16xf32>
      %get3A_463 = arith.index_cast %scan3A_374 : i32 to index
      %get3A_464 = arith.constant 192 : index
      %get3A_465 = tpu.vector_load %arg5[%get3A_463, %get3A_464] {strides = array<i32>} : memref<16x1000xf32, #tpu.memory_space<vmem>>, vector<16xf32>,
      %exp3A_466 = math.exp %get3A_465 : vector<16xf32>
      %add3A_467 = arith.addf %add3A_443, %exp3A_466 : vector<16xf32>
      %add3A_468 = arith.addf %add3A_444, %get3A_465 : vector<16xf32>
      %get3A_469 = arith.index_cast %scan3A_374 : i32 to index
      %get3A_470 = arith.constant 208 : index
      %get3A_471 = tpu.vector_load %arg5[%get3A_469, %get3A_470] {strides = array<i32>} : memref<16x1000xf32, #tpu.memory_space<vmem>>, vector<16xf32>,
      %exp3A_472 = math.exp %get3A_471 : vector<16xf32>
      %add3A_473 = arith.addf %add3A_449, %exp3A_472 : vector<16xf32>
      %add3A_474 = arith.addf %add3A_450, %get3A_471 : vector<16xf32>
      %get3A_475 = arith.index_cast %scan3A_374 : i32 to index
      %get3A_476 = arith.constant 224 : index
      %get3A_477 = tpu.vector_load %arg5[%get3A_475, %get3A_476] {strides = array<i32>} : memref<16x1000xf32, #tpu.memory_space<vmem>>, vector<16xf32>,
      %exp3A_478 = math.exp %get3A_477 : vector<16xf32>
      %add3A_479 = arith.addf %add3A_455, %exp3A_478 : vector<16xf32>
      %add3A_480 = arith.addf %add3A_456, %get3A_477 : vector<16xf32>
      %get3A_481 = arith.index_cast %scan3A_374 : i32 to index
      %get3A_482 = arith.constant 240 : index
      %get3A_483 = tpu.vector_load %arg5[%get3A_481, %get3A_482] {strides = array<i32>} : memref<16x1000xf32, #tpu.memory_space<vmem>>, vector<16xf32>,
      %exp3A_484 = math.exp %get3A_483 : vector<16xf32>
      %add3A_485 = arith.addf %add3A_461, %exp3A_484 : vector<16xf32>
      %add3A_486 = arith.addf %add3A_462, %get3A_483 : vector<16xf32>
      %get3A_487 = arith.index_cast %scan3A_374 : i32 to index
      %get3A_488 = arith.constant 256 : index
      %get3A_489 = tpu.vector_load %arg5[%get3A_487, %get3A_488] {strides = array<i32>} : memref<16x1000xf32, #tpu.memory_space<vmem>>, vector<16xf32>,
      %exp3A_490 = math.exp %get3A_489 : vector<16xf32>
      %add3A_491 = arith.addf %add3A_467, %exp3A_490 : vector<16xf32>
      %add3A_492 = arith.addf %add3A_468, %get3A_489 : vector<16xf32>
      %get3A_493 = arith.index_cast %scan3A_374 : i32 to index
      %get3A_494 = arith.constant 272 : index
      %get3A_495 = tpu.vector_load %arg5[%get3A_493, %get3A_494] {strides = array<i32>} : memref<16x1000xf32, #tpu.memory_space<vmem>>, vector<16xf32>,
      %exp3A_496 = math.exp %get3A_495 : vector<16xf32>
      %add3A_497 = arith.addf %add3A_473, %exp3A_496 : vector<16xf32>
      %add3A_498 = arith.addf %add3A_474, %get3A_495 : vector<16xf32>
      %get3A_499 = arith.index_cast %scan3A_374 : i32 to index
      %get3A_500 = arith.constant 288 : index
      %get3A_501 = tpu.vector_load %arg5[%get3A_499, %get3A_500] {strides = array<i32>} : memref<16x1000xf32, #tpu.memory_space<vmem>>, vector<16xf32>,
      %exp3A_502 = math.exp %get3A_501 : vector<16xf32>
      %add3A_503 = arith.addf %add3A_479, %exp3A_502 : vector<16xf32>
      %add3A_504 = arith.addf %add3A_480, %get3A_501 : vector<16xf32>
      %get3A_505 = arith.index_cast %scan3A_374 : i32 to index
      %get3A_506 = arith.constant 304 : index
      %get3A_507 = tpu.vector_load %arg5[%get3A_505, %get3A_506] {strides = array<i32>} : memref<16x1000xf32, #tpu.memory_space<vmem>>, vector<16xf32>,
      %exp3A_508 = math.exp %get3A_507 : vector<16xf32>
      %add3A_509 = arith.addf %add3A_485, %exp3A_508 : vector<16xf32>
      %add3A_510 = arith.addf %add3A_486, %get3A_507 : vector<16xf32>
      %get3A_511 = arith.index_cast %scan3A_374 : i32 to index
      %get3A_512 = arith.constant 320 : index
      %get3A_513 = tpu.vector_load %arg5[%get3A_511, %get3A_512] {strides = array<i32>} : memref<16x1000xf32, #tpu.memory_space<vmem>>, vector<16xf32>,
      %exp3A_514 = math.exp %get3A_513 : vector<16xf32>
      %add3A_515 = arith.addf %add3A_491, %exp3A_514 : vector<16xf32>
      %add3A_516 = arith.addf %add3A_492, %get3A_513 : vector<16xf32>
      %get3A_517 = arith.index_cast %scan3A_374 : i32 to index
      %get3A_518 = arith.constant 336 : index
      %get3A_519 = tpu.vector_load %arg5[%get3A_517, %get3A_518] {strides = array<i32>} : memref<16x1000xf32, #tpu.memory_space<vmem>>, vector<16xf32>,
      %exp3A_520 = math.exp %get3A_519 : vector<16xf32>
      %add3A_521 = arith.addf %add3A_497, %exp3A_520 : vector<16xf32>
      %add3A_522 = arith.addf %add3A_498, %get3A_519 : vector<16xf32>
      %get3A_523 = arith.index_cast %scan3A_374 : i32 to index
      %get3A_524 = arith.constant 352 : index
      %get3A_525 = tpu.vector_load %arg5[%get3A_523, %get3A_524] {strides = array<i32>} : memref<16x1000xf32, #tpu.memory_space<vmem>>, vector<16xf32>,
      %exp3A_526 = math.exp %get3A_525 : vector<16xf32>
      %add3A_527 = arith.addf %add3A_503, %exp3A_526 : vector<16xf32>
      %add3A_528 = arith.addf %add3A_504, %get3A_525 : vector<16xf32>
      %get3A_529 = arith.index_cast %scan3A_374 : i32 to index
      %get3A_530 = arith.constant 368 : index
      %get3A_531 = tpu.vector_load %arg5[%get3A_529, %get3A_530] {strides = array<i32>} : memref<16x1000xf32, #tpu.memory_space<vmem>>, vector<16xf32>,
      %exp3A_532 = math.exp %get3A_531 : vector<16xf32>
      %add3A_533 = arith.addf %add3A_509, %exp3A_532 : vector<16xf32>
      %add3A_534 = arith.addf %add3A_510, %get3A_531 : vector<16xf32>
      %get3A_535 = arith.index_cast %scan3A_374 : i32 to index
      %get3A_536 = arith.constant 384 : index
      %get3A_537 = tpu.vector_load %arg5[%get3A_535, %get3A_536] {strides = array<i32>} : memref<16x1000xf32, #tpu.memory_space<vmem>>, vector<16xf32>,
      %exp3A_538 = math.exp %get3A_537 : vector<16xf32>
      %add3A_539 = arith.addf %add3A_515, %exp3A_538 : vector<16xf32>
      %add3A_540 = arith.addf %add3A_516, %get3A_537 : vector<16xf32>
      %get3A_541 = arith.index_cast %scan3A_374 : i32 to index
      %get3A_542 = arith.constant 400 : index
      %get3A_543 = tpu.vector_load %arg5[%get3A_541, %get3A_542] {strides = array<i32>} : memref<16x1000xf32, #tpu.memory_space<vmem>>, vector<16xf32>,
      %exp3A_544 = math.exp %get3A_543 : vector<16xf32>
      %add3A_545 = arith.addf %add3A_521, %exp3A_544 : vector<16xf32>
      %add3A_546 = arith.addf %add3A_522, %get3A_543 : vector<16xf32>
      %get3A_547 = arith.index_cast %scan3A_374 : i32 to index
      %get3A_548 = arith.constant 416 : index
      %get3A_549 = tpu.vector_load %arg5[%get3A_547, %get3A_548] {strides = array<i32>} : memref<16x1000xf32, #tpu.memory_space<vmem>>, vector<16xf32>,
      %exp3A_550 = math.exp %get3A_549 : vector<16xf32>
      %add3A_551 = arith.addf %add3A_527, %exp3A_550 : vector<16xf32>
      %add3A_552 = arith.addf %add3A_528, %get3A_549 : vector<16xf32>
      %get3A_553 = arith.index_cast %scan3A_374 : i32 to index
      %get3A_554 = arith.constant 432 : index
      %get3A_555 = tpu.vector_load %arg5[%get3A_553, %get3A_554] {strides = array<i32>} : memref<16x1000xf32, #tpu.memory_space<vmem>>, vector<16xf32>,
      %exp3A_556 = math.exp %get3A_555 : vector<16xf32>
      %add3A_557 = arith.addf %add3A_533, %exp3A_556 : vector<16xf32>
      %add3A_558 = arith.addf %add3A_534, %get3A_555 : vector<16xf32>
      %get3A_559 = arith.index_cast %scan3A_374 : i32 to index
      %get3A_560 = arith.constant 448 : index
      %get3A_561 = tpu.vector_load %arg5[%get3A_559, %get3A_560] {strides = array<i32>} : memref<16x1000xf32, #tpu.memory_space<vmem>>, vector<16xf32>,
      %exp3A_562 = math.exp %get3A_561 : vector<16xf32>
      %add3A_563 = arith.addf %add3A_539, %exp3A_562 : vector<16xf32>
      %add3A_564 = arith.addf %add3A_540, %get3A_561 : vector<16xf32>
      %get3A_565 = arith.index_cast %scan3A_374 : i32 to index
      %get3A_566 = arith.constant 464 : index
      %get3A_567 = tpu.vector_load %arg5[%get3A_565, %get3A_566] {strides = array<i32>} : memref<16x1000xf32, #tpu.memory_space<vmem>>, vector<16xf32>,
      %exp3A_568 = math.exp %get3A_567 : vector<16xf32>
      %add3A_569 = arith.addf %add3A_545, %exp3A_568 : vector<16xf32>
      %add3A_570 = arith.addf %add3A_546, %get3A_567 : vector<16xf32>
      %get3A_571 = arith.index_cast %scan3A_374 : i32 to index
      %get3A_572 = arith.constant 480 : index
      %get3A_573 = tpu.vector_load %arg5[%get3A_571, %get3A_572] {strides = array<i32>} : memref<16x1000xf32, #tpu.memory_space<vmem>>, vector<16xf32>,
      %exp3A_574 = math.exp %get3A_573 : vector<16xf32>
      %add3A_575 = arith.addf %add3A_551, %exp3A_574 : vector<16xf32>
      %add3A_576 = arith.addf %add3A_552, %get3A_573 : vector<16xf32>
      %get3A_577 = arith.index_cast %scan3A_374 : i32 to index
      %get3A_578 = arith.constant 496 : index
      %get3A_579 = tpu.vector_load %arg5[%get3A_577, %get3A_578] {strides = array<i32>} : memref<16x1000xf32, #tpu.memory_space<vmem>>, vector<16xf32>,
      %exp3A_580 = math.exp %get3A_579 : vector<16xf32>
      %add3A_581 = arith.addf %add3A_557, %exp3A_580 : vector<16xf32>
      %add3A_582 = arith.addf %add3A_558, %get3A_579 : vector<16xf32>
      %get3A_583 = arith.index_cast %scan3A_374 : i32 to index
      %get3A_584 = arith.constant 512 : index
      %get3A_585 = tpu.vector_load %arg5[%get3A_583, %get3A_584] {strides = array<i32>} : memref<16x1000xf32, #tpu.memory_space<vmem>>, vector<16xf32>,
      %exp3A_586 = math.exp %get3A_585 : vector<16xf32>
      %add3A_587 = arith.addf %add3A_563, %exp3A_586 : vector<16xf32>
      %add3A_588 = arith.addf %add3A_564, %get3A_585 : vector<16xf32>
      %get3A_589 = arith.index_cast %scan3A_374 : i32 to index
      %get3A_590 = arith.constant 528 : index
      %get3A_591 = tpu.vector_load %arg5[%get3A_589, %get3A_590] {strides = array<i32>} : memref<16x1000xf32, #tpu.memory_space<vmem>>, vector<16xf32>,
      %exp3A_592 = math.exp %get3A_591 : vector<16xf32>
      %add3A_593 = arith.addf %add3A_569, %exp3A_592 : vector<16xf32>
      %add3A_594 = arith.addf %add3A_570, %get3A_591 : vector<16xf32>
      %get3A_595 = arith.index_cast %scan3A_374 : i32 to index
      %get3A_596 = arith.constant 544 : index
      %get3A_597 = tpu.vector_load %arg5[%get3A_595, %get3A_596] {strides = array<i32>} : memref<16x1000xf32, #tpu.memory_space<vmem>>, vector<16xf32>,
      %exp3A_598 = math.exp %get3A_597 : vector<16xf32>
      %add3A_599 = arith.addf %add3A_575, %exp3A_598 : vector<16xf32>
      %add3A_600 = arith.addf %add3A_576, %get3A_597 : vector<16xf32>
      %get3A_601 = arith.index_cast %scan3A_374 : i32 to index
      %get3A_602 = arith.constant 560 : index
      %get3A_603 = tpu.vector_load %arg5[%get3A_601, %get3A_602] {strides = array<i32>} : memref<16x1000xf32, #tpu.memory_space<vmem>>, vector<16xf32>,
      %exp3A_604 = math.exp %get3A_603 : vector<16xf32>
      %add3A_605 = arith.addf %add3A_581, %exp3A_604 : vector<16xf32>
      %add3A_606 = arith.addf %add3A_582, %get3A_603 : vector<16xf32>
      %get3A_607 = arith.index_cast %scan3A_374 : i32 to index
      %get3A_608 = arith.constant 576 : index
      %get3A_609 = tpu.vector_load %arg5[%get3A_607, %get3A_608] {strides = array<i32>} : memref<16x1000xf32, #tpu.memory_space<vmem>>, vector<16xf32>,
      %exp3A_610 = math.exp %get3A_609 : vector<16xf32>
      %add3A_611 = arith.addf %add3A_587, %exp3A_610 : vector<16xf32>
      %add3A_612 = arith.addf %add3A_588, %get3A_609 : vector<16xf32>
      %get3A_613 = arith.index_cast %scan3A_374 : i32 to index
      %get3A_614 = arith.constant 592 : index
      %get3A_615 = tpu.vector_load %arg5[%get3A_613, %get3A_614] {strides = array<i32>} : memref<16x1000xf32, #tpu.memory_space<vmem>>, vector<16xf32>,
      %exp3A_616 = math.exp %get3A_615 : vector<16xf32>
      %add3A_617 = arith.addf %add3A_593, %exp3A_616 : vector<16xf32>
      %add3A_618 = arith.addf %add3A_594, %get3A_615 : vector<16xf32>
      %get3A_619 = arith.index_cast %scan3A_374 : i32 to index
      %get3A_620 = arith.constant 608 : index
      %get3A_621 = tpu.vector_load %arg5[%get3A_619, %get3A_620] {strides = array<i32>} : memref<16x1000xf32, #tpu.memory_space<vmem>>, vector<16xf32>,
      %exp3A_622 = math.exp %get3A_621 : vector<16xf32>
      %add3A_623 = arith.addf %add3A_599, %exp3A_622 : vector<16xf32>
      %add3A_624 = arith.addf %add3A_600, %get3A_621 : vector<16xf32>
      %get3A_625 = arith.index_cast %scan3A_374 : i32 to index
      %get3A_626 = arith.constant 624 : index
      %get3A_627 = tpu.vector_load %arg5[%get3A_625, %get3A_626] {strides = array<i32>} : memref<16x1000xf32, #tpu.memory_space<vmem>>, vector<16xf32>,
      %exp3A_628 = math.exp %get3A_627 : vector<16xf32>
      %add3A_629 = arith.addf %add3A_605, %exp3A_628 : vector<16xf32>
      %add3A_630 = arith.addf %add3A_606, %get3A_627 : vector<16xf32>
      %get3A_631 = arith.index_cast %scan3A_374 : i32 to index
      %get3A_632 = arith.constant 640 : index
      %get3A_633 = tpu.vector_load %arg5[%get3A_631, %get3A_632] {strides = array<i32>} : memref<16x1000xf32, #tpu.memory_space<vmem>>, vector<16xf32>,
      %exp3A_634 = math.exp %get3A_633 : vector<16xf32>
      %add3A_635 = arith.addf %add3A_611, %exp3A_634 : vector<16xf32>
      %add3A_636 = arith.addf %add3A_612, %get3A_633 : vector<16xf32>
      %get3A_637 = arith.index_cast %scan3A_374 : i32 to index
      %get3A_638 = arith.constant 656 : index
      %get3A_639 = tpu.vector_load %arg5[%get3A_637, %get3A_638] {strides = array<i32>} : memref<16x1000xf32, #tpu.memory_space<vmem>>, vector<16xf32>,
      %exp3A_640 = math.exp %get3A_639 : vector<16xf32>
      %add3A_641 = arith.addf %add3A_617, %exp3A_640 : vector<16xf32>
      %add3A_642 = arith.addf %add3A_618, %get3A_639 : vector<16xf32>
      %get3A_643 = arith.index_cast %scan3A_374 : i32 to index
      %get3A_644 = arith.constant 672 : index
      %get3A_645 = tpu.vector_load %arg5[%get3A_643, %get3A_644] {strides = array<i32>} : memref<16x1000xf32, #tpu.memory_space<vmem>>, vector<16xf32>,
      %exp3A_646 = math.exp %get3A_645 : vector<16xf32>
      %add3A_647 = arith.addf %add3A_623, %exp3A_646 : vector<16xf32>
      %add3A_648 = arith.addf %add3A_624, %get3A_645 : vector<16xf32>
      %get3A_649 = arith.index_cast %scan3A_374 : i32 to index
      %get3A_650 = arith.constant 688 : index
      %get3A_651 = tpu.vector_load %arg5[%get3A_649, %get3A_650] {strides = array<i32>} : memref<16x1000xf32, #tpu.memory_space<vmem>>, vector<16xf32>,
      %exp3A_652 = math.exp %get3A_651 : vector<16xf32>
      %add3A_653 = arith.addf %add3A_629, %exp3A_652 : vector<16xf32>
      %add3A_654 = arith.addf %add3A_630, %get3A_651 : vector<16xf32>
      %get3A_655 = arith.index_cast %scan3A_374 : i32 to index
      %get3A_656 = arith.constant 704 : index
      %get3A_657 = tpu.vector_load %arg5[%get3A_655, %get3A_656] {strides = array<i32>} : memref<16x1000xf32, #tpu.memory_space<vmem>>, vector<16xf32>,
      %exp3A_658 = math.exp %get3A_657 : vector<16xf32>
      %add3A_659 = arith.addf %add3A_635, %exp3A_658 : vector<16xf32>
      %add3A_660 = arith.addf %add3A_636, %get3A_657 : vector<16xf32>
      %get3A_661 = arith.index_cast %scan3A_374 : i32 to index
      %get3A_662 = arith.constant 720 : index
      %get3A_663 = tpu.vector_load %arg5[%get3A_661, %get3A_662] {strides = array<i32>} : memref<16x1000xf32, #tpu.memory_space<vmem>>, vector<16xf32>,
      %exp3A_664 = math.exp %get3A_663 : vector<16xf32>
      %add3A_665 = arith.addf %add3A_641, %exp3A_664 : vector<16xf32>
      %add3A_666 = arith.addf %add3A_642, %get3A_663 : vector<16xf32>
      %get3A_667 = arith.index_cast %scan3A_374 : i32 to index
      %get3A_668 = arith.constant 736 : index
      %get3A_669 = tpu.vector_load %arg5[%get3A_667, %get3A_668] {strides = array<i32>} : memref<16x1000xf32, #tpu.memory_space<vmem>>, vector<16xf32>,
      %exp3A_670 = math.exp %get3A_669 : vector<16xf32>
      %add3A_671 = arith.addf %add3A_647, %exp3A_670 : vector<16xf32>
      %add3A_672 = arith.addf %add3A_648, %get3A_669 : vector<16xf32>
      %get3A_673 = arith.index_cast %scan3A_374 : i32 to index
      %get3A_674 = arith.constant 752 : index
      %get3A_675 = tpu.vector_load %arg5[%get3A_673, %get3A_674] {strides = array<i32>} : memref<16x1000xf32, #tpu.memory_space<vmem>>, vector<16xf32>,
      %exp3A_676 = math.exp %get3A_675 : vector<16xf32>
      %add3A_677 = arith.addf %add3A_653, %exp3A_676 : vector<16xf32>
      %add3A_678 = arith.addf %add3A_654, %get3A_675 : vector<16xf32>
      %get3A_679 = arith.index_cast %scan3A_374 : i32 to index
      %get3A_680 = arith.constant 768 : index
      %get3A_681 = tpu.vector_load %arg5[%get3A_679, %get3A_680] {strides = array<i32>} : memref<16x1000xf32, #tpu.memory_space<vmem>>, vector<16xf32>,
      %exp3A_682 = math.exp %get3A_681 : vector<16xf32>
      %add3A_683 = arith.addf %add3A_659, %exp3A_682 : vector<16xf32>
      %add3A_684 = arith.addf %add3A_660, %get3A_681 : vector<16xf32>
      %get3A_685 = arith.index_cast %scan3A_374 : i32 to index
      %get3A_686 = arith.constant 784 : index
      %get3A_687 = tpu.vector_load %arg5[%get3A_685, %get3A_686] {strides = array<i32>} : memref<16x1000xf32, #tpu.memory_space<vmem>>, vector<16xf32>,
      %exp3A_688 = math.exp %get3A_687 : vector<16xf32>
      %add3A_689 = arith.addf %add3A_665, %exp3A_688 : vector<16xf32>
      %add3A_690 = arith.addf %add3A_666, %get3A_687 : vector<16xf32>
      %get3A_691 = arith.index_cast %scan3A_374 : i32 to index
      %get3A_692 = arith.constant 800 : index
      %get3A_693 = tpu.vector_load %arg5[%get3A_691, %get3A_692] {strides = array<i32>} : memref<16x1000xf32, #tpu.memory_space<vmem>>, vector<16xf32>,
      %exp3A_694 = math.exp %get3A_693 : vector<16xf32>
      %add3A_695 = arith.addf %add3A_671, %exp3A_694 : vector<16xf32>
      %add3A_696 = arith.addf %add3A_672, %get3A_693 : vector<16xf32>
      %get3A_697 = arith.index_cast %scan3A_374 : i32 to index
      %get3A_698 = arith.constant 816 : index
      %get3A_699 = tpu.vector_load %arg5[%get3A_697, %get3A_698] {strides = array<i32>} : memref<16x1000xf32, #tpu.memory_space<vmem>>, vector<16xf32>,
      %exp3A_700 = math.exp %get3A_699 : vector<16xf32>
      %add3A_701 = arith.addf %add3A_677, %exp3A_700 : vector<16xf32>
      %add3A_702 = arith.addf %add3A_678, %get3A_699 : vector<16xf32>
      %get3A_703 = arith.index_cast %scan3A_374 : i32 to index
      %get3A_704 = arith.constant 832 : index
      %get3A_705 = tpu.vector_load %arg5[%get3A_703, %get3A_704] {strides = array<i32>} : memref<16x1000xf32, #tpu.memory_space<vmem>>, vector<16xf32>,
      %exp3A_706 = math.exp %get3A_705 : vector<16xf32>
      %add3A_707 = arith.addf %add3A_683, %exp3A_706 : vector<16xf32>
      %add3A_708 = arith.addf %add3A_684, %get3A_705 : vector<16xf32>
      %get3A_709 = arith.index_cast %scan3A_374 : i32 to index
      %get3A_710 = arith.constant 848 : index
      %get3A_711 = tpu.vector_load %arg5[%get3A_709, %get3A_710] {strides = array<i32>} : memref<16x1000xf32, #tpu.memory_space<vmem>>, vector<16xf32>,
      %exp3A_712 = math.exp %get3A_711 : vector<16xf32>
      %add3A_713 = arith.addf %add3A_689, %exp3A_712 : vector<16xf32>
      %add3A_714 = arith.addf %add3A_690, %get3A_711 : vector<16xf32>
      %get3A_715 = arith.index_cast %scan3A_374 : i32 to index
      %get3A_716 = arith.constant 864 : index
      %get3A_717 = tpu.vector_load %arg5[%get3A_715, %get3A_716] {strides = array<i32>} : memref<16x1000xf32, #tpu.memory_space<vmem>>, vector<16xf32>,
      %exp3A_718 = math.exp %get3A_717 : vector<16xf32>
      %add3A_719 = arith.addf %add3A_695, %exp3A_718 : vector<16xf32>
      %add3A_720 = arith.addf %add3A_696, %get3A_717 : vector<16xf32>
      %get3A_721 = arith.index_cast %scan3A_374 : i32 to index
      %get3A_722 = arith.constant 880 : index
      %get3A_723 = tpu.vector_load %arg5[%get3A_721, %get3A_722] {strides = array<i32>} : memref<16x1000xf32, #tpu.memory_space<vmem>>, vector<16xf32>,
      %exp3A_724 = math.exp %get3A_723 : vector<16xf32>
      %add3A_725 = arith.addf %add3A_701, %exp3A_724 : vector<16xf32>
      %add3A_726 = arith.addf %add3A_702, %get3A_723 : vector<16xf32>
      %get3A_727 = arith.index_cast %scan3A_374 : i32 to index
      %get3A_728 = arith.constant 896 : index
      %get3A_729 = tpu.vector_load %arg5[%get3A_727, %get3A_728] {strides = array<i32>} : memref<16x1000xf32, #tpu.memory_space<vmem>>, vector<16xf32>,
      %exp3A_730 = math.exp %get3A_729 : vector<16xf32>
      %add3A_731 = arith.addf %add3A_707, %exp3A_730 : vector<16xf32>
      %add3A_732 = arith.addf %add3A_708, %get3A_729 : vector<16xf32>
      %get3A_733 = arith.index_cast %scan3A_374 : i32 to index
      %get3A_734 = arith.constant 912 : index
      %get3A_735 = tpu.vector_load %arg5[%get3A_733, %get3A_734] {strides = array<i32>} : memref<16x1000xf32, #tpu.memory_space<vmem>>, vector<16xf32>,
      %exp3A_736 = math.exp %get3A_735 : vector<16xf32>
      %add3A_737 = arith.addf %add3A_713, %exp3A_736 : vector<16xf32>
      %add3A_738 = arith.addf %add3A_714, %get3A_735 : vector<16xf32>
      %get3A_739 = arith.index_cast %scan3A_374 : i32 to index
      %get3A_740 = arith.constant 928 : index
      %get3A_741 = tpu.vector_load %arg5[%get3A_739, %get3A_740] {strides = array<i32>} : memref<16x1000xf32, #tpu.memory_space<vmem>>, vector<16xf32>,
      %exp3A_742 = math.exp %get3A_741 : vector<16xf32>
      %add3A_743 = arith.addf %add3A_719, %exp3A_742 : vector<16xf32>
      %add3A_744 = arith.addf %add3A_720, %get3A_741 : vector<16xf32>
      %get3A_745 = arith.index_cast %scan3A_374 : i32 to index
      %get3A_746 = arith.constant 944 : index
      %get3A_747 = tpu.vector_load %arg5[%get3A_745, %get3A_746] {strides = array<i32>} : memref<16x1000xf32, #tpu.memory_space<vmem>>, vector<16xf32>,
      %exp3A_748 = math.exp %get3A_747 : vector<16xf32>
      %add3A_749 = arith.addf %add3A_725, %exp3A_748 : vector<16xf32>
      %add3A_750 = arith.addf %add3A_726, %get3A_747 : vector<16xf32>
      %get3A_751 = arith.index_cast %scan3A_374 : i32 to index
      %get3A_752 = arith.constant 960 : index
      %get3A_753 = tpu.vector_load %arg5[%get3A_751, %get3A_752] {strides = array<i32>} : memref<16x1000xf32, #tpu.memory_space<vmem>>, vector<16xf32>,
      %exp3A_754 = math.exp %get3A_753 : vector<16xf32>
      %add3A_755 = arith.addf %add3A_731, %exp3A_754 : vector<16xf32>
      %add3A_756 = arith.addf %add3A_732, %get3A_753 : vector<16xf32>
      %get3A_757 = arith.index_cast %scan3A_374 : i32 to index
      %get3A_758 = arith.constant 976 : index
      %get3A_759 = tpu.vector_load %arg5[%get3A_757, %get3A_758] {strides = array<i32>} : memref<16x1000xf32, #tpu.memory_space<vmem>>, vector<16xf32>,
      %exp3A_760 = math.exp %get3A_759 : vector<16xf32>
      %add3A_761 = arith.addf %add3A_737, %exp3A_760 : vector<16xf32>
      %add3A_762 = arith.addf %add3A_738, %get3A_759 : vector<16xf32>
      %get3A_763 = arith.index_cast %scan3A_374 : i32 to index
      %get3A_764 = arith.constant 984 : index
      %get3A_765 = tpu.vector_load %arg5[%get3A_763, %get3A_764] {strides = array<i32>} : memref<16x1000xf32, #tpu.memory_space<vmem>>, vector<16xf32>,
      %exp3A_766 = math.exp %get3A_765 : vector<16xf32>
      %jit3A = arith.constant 0.000000e+00 : f32
      %broadcast_in_dim3A_767 = vector.broadcast %jit3A : f32 to vector<16xf32>
      %select_n3A = arith.select %ge3A_31, %exp3A_766, %broadcast_in_dim3A_767 : vector<16xi1>, vector<16xf32>
      %add3A_768 = arith.addf %add3A_755, %select_n3A : vector<16xf32>
      %jit3A_769 = arith.constant 0.000000e+00 : f32
      %broadcast_in_dim3A_770 = vector.broadcast %jit3A_769 : f32 to vector<16xf32>
      %select_n3A_771 = arith.select %ge3A_31, %get3A_765, %broadcast_in_dim3A_770 : vector<16xi1>, vector<16xf32>
      %add3A_772 = arith.addf %add3A_756, %select_n3A_771 : vector<16xf32>
      %add3A_773 = arith.addf %add3A_768, %add3A_761 : vector<16xf32>
      %add3A_774 = arith.addf %add3A_743, %add3A_749 : vector<16xf32>
      %add3A_775 = arith.addf %add3A_773, %add3A_774 : vector<16xf32>
      %swap3A_776 = arith.index_cast %scan3A_374 : i32 to index
      %swap3A_777 = arith.constant 0 : index
      %swap3A_778 = tpu.vector_load %arg7[%swap3A_776, %swap3A_777] {strides = array<i32>} : memref<16x16xf32, #tpu.memory_space<vmem>>, vector<16xf32>,
      tpu.vector_store %arg7[%swap3A_776, %swap3A_777], %add3A_775 {strides = array<i32>} : memref<16x16xf32, #tpu.memory_space<vmem>>, vector<16xf32>,
      %add3A_779 = arith.addf %add3A_772, %add3A_762 : vector<16xf32>
      %add3A_780 = arith.addf %add3A_744, %add3A_750 : vector<16xf32>
      %add3A_781 = arith.addf %add3A_779, %add3A_780 : vector<16xf32>
      %swap3A_782 = arith.index_cast %scan3A_374 : i32 to index
      %swap3A_783 = arith.constant 0 : index
      %swap3A_784 = tpu.vector_load %arg8[%swap3A_782, %swap3A_783] {strides = array<i32>} : memref<16x16xf32, #tpu.memory_space<vmem>>, vector<16xf32>,
      tpu.vector_store %arg8[%swap3A_782, %swap3A_783], %add3A_781 {strides = array<i32>} : memref<16x16xf32, #tpu.memory_space<vmem>>, vector<16xf32>,
      %scan3A_785 = arith.constant 0 : i32
      scf.yield %scan3A_785 : i32
    }
    %scan3A_38 = arith.constant 16 : i32
    %gather3A = tpu.vector_load_idx %arg7[%iota3A, %broadcast_in_dim3A_7] : memref<16x16xf32, #tpu.memory_space<vmem>>[vector<16xi32>, vector<16xi32>], vector<16xf32>,
    %gather3A_39 = tpu.vector_load_idx %arg8[%iota3A, %broadcast_in_dim3A_7] : memref<16x16xf32, #tpu.memory_space<vmem>>[vector<16xi32>, vector<16xi32>], vector<16xf32>,
    %broadcast_in_dim3A_40 = arith.constant 1 : i32
    %broadcast_in_dim3A_41 = vector.broadcast %broadcast_in_dim3A_40 : i32 to vector<16xi32>
    %gather3A_42 = tpu.vector_load_idx %arg7[%iota3A, %broadcast_in_dim3A_41] : memref<16x16xf32, #tpu.memory_space<vmem>>[vector<16xi32>, vector<16xi32>], vector<16xf32>,
    %add3A_43 = arith.addf %gather3A, %gather3A_42 : vector<16xf32>
    %gather3A_44 = tpu.vector_load_idx %arg8[%iota3A, %broadcast_in_dim3A_41] : memref<16x16xf32, #tpu.memory_space<vmem>>[vector<16xi32>, vector<16xi32>], vector<16xf32>,
    %add3A_45 = arith.addf %gather3A_39, %gather3A_44 : vector<16xf32>
    %broadcast_in_dim3A_46 = arith.constant 2 : i32
    %broadcast_in_dim3A_47 = vector.broadcast %broadcast_in_dim3A_46 : i32 to vector<16xi32>
    %gather3A_48 = tpu.vector_load_idx %arg7[%iota3A, %broadcast_in_dim3A_47] : memref<16x16xf32, #tpu.memory_space<vmem>>[vector<16xi32>, vector<16xi32>], vector<16xf32>,
    %add3A_49 = arith.addf %add3A_43, %gather3A_48 : vector<16xf32>
    %gather3A_50 = tpu.vector_load_idx %arg8[%iota3A, %broadcast_in_dim3A_47] : memref<16x16xf32, #tpu.memory_space<vmem>>[vector<16xi32>, vector<16xi32>], vector<16xf32>,
    %add3A_51 = arith.addf %add3A_45, %gather3A_50 : vector<16xf32>
    %broadcast_in_dim3A_52 = arith.constant 3 : i32
    %broadcast_in_dim3A_53 = vector.broadcast %broadcast_in_dim3A_52 : i32 to vector<16xi32>
    %gather3A_54 = tpu.vector_load_idx %arg7[%iota3A, %broadcast_in_dim3A_53] : memref<16x16xf32, #tpu.memory_space<vmem>>[vector<16xi32>, vector<16xi32>], vector<16xf32>,
    %add3A_55 = arith.addf %add3A_49, %gather3A_54 : vector<16xf32>
    %gather3A_56 = tpu.vector_load_idx %arg8[%iota3A, %broadcast_in_dim3A_53] : memref<16x16xf32, #tpu.memory_space<vmem>>[vector<16xi32>, vector<16xi32>], vector<16xf32>,
    %add3A_57 = arith.addf %add3A_51, %gather3A_56 : vector<16xf32>
    %broadcast_in_dim3A_58 = arith.constant 4 : i32
    %broadcast_in_dim3A_59 = vector.broadcast %broadcast_in_dim3A_58 : i32 to vector<16xi32>
    %gather3A_60 = tpu.vector_load_idx %arg7[%iota3A, %broadcast_in_dim3A_59] : memref<16x16xf32, #tpu.memory_space<vmem>>[vector<16xi32>, vector<16xi32>], vector<16xf32>,
    %add3A_61 = arith.addf %add3A_55, %gather3A_60 : vector<16xf32>
    %gather3A_62 = tpu.vector_load_idx %arg8[%iota3A, %broadcast_in_dim3A_59] : memref<16x16xf32, #tpu.memory_space<vmem>>[vector<16xi32>, vector<16xi32>], vector<16xf32>,
    %add3A_63 = arith.addf %add3A_57, %gather3A_62 : vector<16xf32>
    %broadcast_in_dim3A_64 = arith.constant 5 : i32
    %broadcast_in_dim3A_65 = vector.broadcast %broadcast_in_dim3A_64 : i32 to vector<16xi32>
    %gather3A_66 = tpu.vector_load_idx %arg7[%iota3A, %broadcast_in_dim3A_65] : memref<16x16xf32, #tpu.memory_space<vmem>>[vector<16xi32>, vector<16xi32>], vector<16xf32>,
    %add3A_67 = arith.addf %add3A_61, %gather3A_66 : vector<16xf32>
    %gather3A_68 = tpu.vector_load_idx %arg8[%iota3A, %broadcast_in_dim3A_65] : memref<16x16xf32, #tpu.memory_space<vmem>>[vector<16xi32>, vector<16xi32>], vector<16xf32>,
    %add3A_69 = arith.addf %add3A_63, %gather3A_68 : vector<16xf32>
    %broadcast_in_dim3A_70 = arith.constant 6 : i32
    %broadcast_in_dim3A_71 = vector.broadcast %broadcast_in_dim3A_70 : i32 to vector<16xi32>
    %gather3A_72 = tpu.vector_load_idx %arg7[%iota3A, %broadcast_in_dim3A_71] : memref<16x16xf32, #tpu.memory_space<vmem>>[vector<16xi32>, vector<16xi32>], vector<16xf32>,
    %add3A_73 = arith.addf %add3A_67, %gather3A_72 : vector<16xf32>
    %gather3A_74 = tpu.vector_load_idx %arg8[%iota3A, %broadcast_in_dim3A_71] : memref<16x16xf32, #tpu.memory_space<vmem>>[vector<16xi32>, vector<16xi32>], vector<16xf32>,
    %add3A_75 = arith.addf %add3A_69, %gather3A_74 : vector<16xf32>
    %broadcast_in_dim3A_76 = arith.constant 7 : i32
    %broadcast_in_dim3A_77 = vector.broadcast %broadcast_in_dim3A_76 : i32 to vector<16xi32>
    %gather3A_78 = tpu.vector_load_idx %arg7[%iota3A, %broadcast_in_dim3A_77] : memref<16x16xf32, #tpu.memory_space<vmem>>[vector<16xi32>, vector<16xi32>], vector<16xf32>,
    %add3A_79 = arith.addf %add3A_73, %gather3A_78 : vector<16xf32>
    %gather3A_80 = tpu.vector_load_idx %arg8[%iota3A, %broadcast_in_dim3A_77] : memref<16x16xf32, #tpu.memory_space<vmem>>[vector<16xi32>, vector<16xi32>], vector<16xf32>,
    %add3A_81 = arith.addf %add3A_75, %gather3A_80 : vector<16xf32>
    %broadcast_in_dim3A_82 = arith.constant 8 : i32
    %broadcast_in_dim3A_83 = vector.broadcast %broadcast_in_dim3A_82 : i32 to vector<16xi32>
    %gather3A_84 = tpu.vector_load_idx %arg7[%iota3A, %broadcast_in_dim3A_83] : memref<16x16xf32, #tpu.memory_space<vmem>>[vector<16xi32>, vector<16xi32>], vector<16xf32>,
    %add3A_85 = arith.addf %add3A_79, %gather3A_84 : vector<16xf32>
    %gather3A_86 = tpu.vector_load_idx %arg8[%iota3A, %broadcast_in_dim3A_83] : memref<16x16xf32, #tpu.memory_space<vmem>>[vector<16xi32>, vector<16xi32>], vector<16xf32>,
    %add3A_87 = arith.addf %add3A_81, %gather3A_86 : vector<16xf32>
    %broadcast_in_dim3A_88 = arith.constant 9 : i32
    %broadcast_in_dim3A_89 = vector.broadcast %broadcast_in_dim3A_88 : i32 to vector<16xi32>
    %gather3A_90 = tpu.vector_load_idx %arg7[%iota3A, %broadcast_in_dim3A_89] : memref<16x16xf32, #tpu.memory_space<vmem>>[vector<16xi32>, vector<16xi32>], vector<16xf32>,
    %add3A_91 = arith.addf %add3A_85, %gather3A_90 : vector<16xf32>
    %gather3A_92 = tpu.vector_load_idx %arg8[%iota3A, %broadcast_in_dim3A_89] : memref<16x16xf32, #tpu.memory_space<vmem>>[vector<16xi32>, vector<16xi32>], vector<16xf32>,
    %add3A_93 = arith.addf %add3A_87, %gather3A_92 : vector<16xf32>
    %broadcast_in_dim3A_94 = arith.constant 10 : i32
    %broadcast_in_dim3A_95 = vector.broadcast %broadcast_in_dim3A_94 : i32 to vector<16xi32>
    %gather3A_96 = tpu.vector_load_idx %arg7[%iota3A, %broadcast_in_dim3A_95] : memref<16x16xf32, #tpu.memory_space<vmem>>[vector<16xi32>, vector<16xi32>], vector<16xf32>,
    %add3A_97 = arith.addf %add3A_91, %gather3A_96 : vector<16xf32>
    %gather3A_98 = tpu.vector_load_idx %arg8[%iota3A, %broadcast_in_dim3A_95] : memref<16x16xf32, #tpu.memory_space<vmem>>[vector<16xi32>, vector<16xi32>], vector<16xf32>,
    %add3A_99 = arith.addf %add3A_93, %gather3A_98 : vector<16xf32>
    %broadcast_in_dim3A_100 = arith.constant 11 : i32
    %broadcast_in_dim3A_101 = vector.broadcast %broadcast_in_dim3A_100 : i32 to vector<16xi32>
    %gather3A_102 = tpu.vector_load_idx %arg7[%iota3A, %broadcast_in_dim3A_101] : memref<16x16xf32, #tpu.memory_space<vmem>>[vector<16xi32>, vector<16xi32>], vector<16xf32>,
    %add3A_103 = arith.addf %add3A_97, %gather3A_102 : vector<16xf32>
    %gather3A_104 = tpu.vector_load_idx %arg8[%iota3A, %broadcast_in_dim3A_101] : memref<16x16xf32, #tpu.memory_space<vmem>>[vector<16xi32>, vector<16xi32>], vector<16xf32>,
    %add3A_105 = arith.addf %add3A_99, %gather3A_104 : vector<16xf32>
    %broadcast_in_dim3A_106 = arith.constant 12 : i32
    %broadcast_in_dim3A_107 = vector.broadcast %broadcast_in_dim3A_106 : i32 to vector<16xi32>
    %gather3A_108 = tpu.vector_load_idx %arg7[%iota3A, %broadcast_in_dim3A_107] : memref<16x16xf32, #tpu.memory_space<vmem>>[vector<16xi32>, vector<16xi32>], vector<16xf32>,
    %add3A_109 = arith.addf %add3A_103, %gather3A_108 : vector<16xf32>
    %gather3A_110 = tpu.vector_load_idx %arg8[%iota3A, %broadcast_in_dim3A_107] : memref<16x16xf32, #tpu.memory_space<vmem>>[vector<16xi32>, vector<16xi32>], vector<16xf32>,
    %add3A_111 = arith.addf %add3A_105, %gather3A_110 : vector<16xf32>
    %broadcast_in_dim3A_112 = arith.constant 13 : i32
    %broadcast_in_dim3A_113 = vector.broadcast %broadcast_in_dim3A_112 : i32 to vector<16xi32>
    %gather3A_114 = tpu.vector_load_idx %arg7[%iota3A, %broadcast_in_dim3A_113] : memref<16x16xf32, #tpu.memory_space<vmem>>[vector<16xi32>, vector<16xi32>], vector<16xf32>,
    %add3A_115 = arith.addf %add3A_109, %gather3A_114 : vector<16xf32>
    %gather3A_116 = tpu.vector_load_idx %arg8[%iota3A, %broadcast_in_dim3A_113] : memref<16x16xf32, #tpu.memory_space<vmem>>[vector<16xi32>, vector<16xi32>], vector<16xf32>,
    %add3A_117 = arith.addf %add3A_111, %gather3A_116 : vector<16xf32>
    %broadcast_in_dim3A_118 = arith.constant 14 : i32
    %broadcast_in_dim3A_119 = vector.broadcast %broadcast_in_dim3A_118 : i32 to vector<16xi32>
    %gather3A_120 = tpu.vector_load_idx %arg7[%iota3A, %broadcast_in_dim3A_119] : memref<16x16xf32, #tpu.memory_space<vmem>>[vector<16xi32>, vector<16xi32>], vector<16xf32>,
    %add3A_121 = arith.addf %add3A_115, %gather3A_120 : vector<16xf32>
    %gather3A_122 = tpu.vector_load_idx %arg8[%iota3A, %broadcast_in_dim3A_119] : memref<16x16xf32, #tpu.memory_space<vmem>>[vector<16xi32>, vector<16xi32>], vector<16xf32>,
    %add3A_123 = arith.addf %add3A_117, %gather3A_122 : vector<16xf32>
    %broadcast_in_dim3A_124 = arith.constant 15 : i32
    %broadcast_in_dim3A_125 = vector.broadcast %broadcast_in_dim3A_124 : i32 to vector<16xi32>
    %gather3A_126 = tpu.vector_load_idx %arg7[%iota3A, %broadcast_in_dim3A_125] : memref<16x16xf32, #tpu.memory_space<vmem>>[vector<16xi32>, vector<16xi32>], vector<16xf32>,
    %add3A_127 = arith.addf %add3A_121, %gather3A_126 : vector<16xf32>
    %gather3A_128 = tpu.vector_load_idx %arg8[%iota3A, %broadcast_in_dim3A_125] : memref<16x16xf32, #tpu.memory_space<vmem>>[vector<16xi32>, vector<16xi32>], vector<16xf32>,
    %add3A_129 = arith.addf %add3A_123, %gather3A_128 : vector<16xf32>
    %mul3A_130 = arith.constant 16 : i32
    %mul3A_131 = arith.muli %mul3A_14, %mul3A_130 : i32
    %get3A = arith.index_cast %mul3A_131 : i32 to index
    %get3A_132 = tpu.vector_load %arg9[%get3A] {strides = array<i32>} : memref<32xi32, #tpu.memory_space<vmem>>, vector<16xi32>,
    %gather3A_133 = tpu.vector_load_idx %arg5[%iota3A, %get3A_132] : memref<16x1000xf32, #tpu.memory_space<vmem>>[vector<16xi32>, vector<16xi32>], vector<16xf32>,
    %bitcast_convert_type3A = tpu.bitcast %add3A_127 : vector<16xf32> -> vector<16xi32>
    %shift_right_arithmetic3A = arith.constant 23 : i32
    %shift_right_arithmetic3A_134 = vector.broadcast %shift_right_arithmetic3A : i32 to vector<16xi32>
    %shift_right_arithmetic3A_135 = arith.shrsi %bitcast_convert_type3A, %shift_right_arithmetic3A_134 : vector<16xi32>
    %and3A = arith.constant 255 : i32
    %and3A_136 = vector.broadcast %and3A : i32 to vector<16xi32>
    %and3A_137 = arith.andi %shift_right_arithmetic3A_135, %and3A_136 : vector<16xi32>
    %sub3A = arith.constant 127 : i32
    %sub3A_138 = vector.broadcast %sub3A : i32 to vector<16xi32>
    %sub3A_139 = arith.subi %and3A_137, %sub3A_138 : vector<16xi32>
    %and3A_140 = arith.constant 8388607 : i32
    %and3A_141 = vector.broadcast %and3A_140 : i32 to vector<16xi32>
    %and3A_142 = arith.andi %bitcast_convert_type3A, %and3A_141 : vector<16xi32>
    %or3A = arith.constant 1065353216 : i32
    %or3A_143 = vector.broadcast %or3A : i32 to vector<16xi32>
    %or3A_144 = arith.ori %and3A_142, %or3A_143 : vector<16xi32>
    %bitcast_convert_type3A_145 = tpu.bitcast %or3A_144 : vector<16xi32> -> vector<16xf32>
    %sub3A_146 = arith.constant 1.000000e+00 : f32
    %sub3A_147 = vector.broadcast %sub3A_146 : f32 to vector<16xf32>
    %sub3A_148 = arith.subf %bitcast_convert_type3A_145, %sub3A_147 : vector<16xf32>
    %add3A_149 = arith.constant 1.000000e+00 : f32
    %add3A_150 = vector.broadcast %add3A_149 : f32 to vector<16xf32>
    %add3A_151 = arith.addf %bitcast_convert_type3A_145, %add3A_150 : vector<16xf32>
    %div3A = arith.divf %sub3A_148, %add3A_151 : vector<16xf32>
    %mul3A_152 = arith.mulf %div3A, %div3A : vector<16xf32>
    %mul3A_153 = arith.constant 0.111111112 : f32
    %mul3A_154 = vector.broadcast %mul3A_153 : f32 to vector<16xf32>
    %mul3A_155 = arith.mulf %mul3A_154, %mul3A_152 : vector<16xf32>
    %add3A_156 = arith.constant 0.142857149 : f32
    %add3A_157 = vector.broadcast %add3A_156 : f32 to vector<16xf32>
    %add3A_158 = arith.addf %mul3A_155, %add3A_157 : vector<16xf32>
    %mul3A_159 = arith.mulf %add3A_158, %mul3A_152 : vector<16xf32>
    %add3A_160 = arith.constant 2.000000e-01 : f32
    %add3A_161 = vector.broadcast %add3A_160 : f32 to vector<16xf32>
    %add3A_162 = arith.addf %mul3A_159, %add3A_161 : vector<16xf32>
    %mul3A_163 = arith.mulf %add3A_162, %mul3A_152 : vector<16xf32>
    %add3A_164 = arith.constant 0.333333343 : f32
    %add3A_165 = vector.broadcast %add3A_164 : f32 to vector<16xf32>
    %add3A_166 = arith.addf %mul3A_163, %add3A_165 : vector<16xf32>
    %mul3A_167 = arith.mulf %add3A_166, %mul3A_152 : vector<16xf32>
    %add3A_168 = arith.constant 1.000000e+00 : f32
    %add3A_169 = vector.broadcast %add3A_168 : f32 to vector<16xf32>
    %add3A_170 = arith.addf %mul3A_167, %add3A_169 : vector<16xf32>
    %convert_element_type3A = arith.sitofp %sub3A_139 : vector<16xi32> to vector<16xf32>
    %mul3A_171 = arith.constant 0.693147182 : f32
    %mul3A_172 = vector.broadcast %mul3A_171 : f32 to vector<16xf32>
    %mul3A_173 = arith.mulf %convert_element_type3A, %mul3A_172 : vector<16xf32>
    %mul3A_174 = arith.constant 2.000000e+00 : f32
    %mul3A_175 = vector.broadcast %mul3A_174 : f32 to vector<16xf32>
    %mul3A_176 = arith.mulf %mul3A_175, %div3A : vector<16xf32>
    %mul3A_177 = arith.mulf %mul3A_176, %add3A_170 : vector<16xf32>
    %add3A_178 = arith.addf %mul3A_173, %mul3A_177 : vector<16xf32>
    %mul3A_179 = arith.constant 0.899899899 : f32
    %mul3A_180 = vector.broadcast %mul3A_179 : f32 to vector<16xf32>
    %mul3A_181 = arith.mulf %mul3A_180, %gather3A_133 : vector<16xf32>
    %sub3A_182 = arith.subf %add3A_178, %mul3A_181 : vector<16xf32>
    %mul3A_183 = arith.constant 1.001001E-4 : f32
    %mul3A_184 = vector.broadcast %mul3A_183 : f32 to vector<16xf32>
    %mul3A_185 = arith.mulf %mul3A_184, %add3A_129 : vector<16xf32>
    %sub3A_186 = arith.subf %sub3A_182, %mul3A_185 : vector<16xf32>
    %add3A_187 = arith.addf %broadcast_in_dim3A_5, %sub3A_186 : vector<16xf32>
    %add3A_188 = arith.constant 1 : i32
    %add3A_189 = arith.addi %scan3A, %add3A_188 : i32
    %lt3A = arith.constant 1 : i32
    %lt3A_190 = arith.cmpi slt, %add3A_189, %lt3A : i32
    %convert_element_type3A_191 = arith.extui %lt3A_190 : i1 to i32
    %cond3A = arith.constant 0 : i32
    %cond3A_192 = arith.cmpi ne, %convert_element_type3A_191, %cond3A : i32
    scf.if %cond3A_192 {
      %add3A_374 = arith.constant 2 : i32
      %add3A_375 = arith.addi %mul3A_14, %add3A_374 : i32
      %mul3A_376 = arith.constant 16 : i32
      %mul3A_377 = arith.muli %add3A_375, %mul3A_376 : i32
      %add3A_378 = arith.addi %add3A_4, %mul3A_377 : i32
      %dma_start3A_379 = arith.constant 0 : i32
      %dma_start3A_380 = tpu.memref_slice %arg2[%add3A_378, %dma_start3A_379] : memref<16384x1000xf32, #tpu.memory_space<hbm>> -> memref<16x1000xf32, #tpu.memory_space<hbm>>
      %dma_start3A_381 = arith.constant 0 : i32
      %dma_start3A_382 = tpu.memref_slice %arg2[%add3A_378, %dma_start3A_381] : memref<16384x1000xf32, #tpu.memory_space<hbm>> -> memref<16x1000xf32, #tpu.memory_space<hbm>>
      tpu.enqueue_dma source(%dma_start3A_382 : memref<16x1000xf32, #tpu.memory_space<hbm>>) target(%arg5 : memref<16x1000xf32, #tpu.memory_space<vmem>>) target_semaphore(%arg11 : memref<!tpu.dma_semaphore, #tpu.memory_space<semaphore_mem>>)
    } else {
    }
    %add3A_193 = arith.constant 1 : i32
    %add3A_194 = arith.addi %mul3A_14, %add3A_193 : i32
    %mul3A_195 = arith.constant 16 : i32
    %mul3A_196 = arith.muli %add3A_194, %mul3A_195 : i32
    %add3A_197 = arith.addi %add3A_4, %mul3A_196 : i32
    %dma_wait3A_198 = arith.constant 0 : i32
    %dma_wait3A_199 = tpu.memref_slice %arg2[%add3A_197, %dma_wait3A_198] : memref<16384x1000xf32, #tpu.memory_space<hbm>> -> memref<16x1000xf32, #tpu.memory_space<hbm>>
    %dma_wait3A_200 = arith.constant 0 : i32
    %dma_wait3A_201 = tpu.memref_slice %arg2[%add3A_197, %dma_wait3A_200] : memref<16384x1000xf32, #tpu.memory_space<hbm>> -> memref<16x1000xf32, #tpu.memory_space<hbm>>
    tpu.wait_dma2 semaphore(%arg12 : memref<!tpu.dma_semaphore, #tpu.memory_space<semaphore_mem>>) src(%dma_wait3A_201 : memref<16x1000xf32, #tpu.memory_space<hbm>>) dst(%arg6 : memref<16x1000xf32, #tpu.memory_space<vmem>>)
    %add3A_202 = arith.constant 1 : i32
    %add3A_203 = arith.addi %mul3A_14, %add3A_202 : i32
    %ge3A_204 = arith.constant 8 : i32
    %ge3A_205 = vector.broadcast %ge3A_204 : i32 to vector<16xi32>
    %ge3A_206 = arith.cmpi sge, %iota3A, %ge3A_205 : vector<16xi32>
    %scan3A_207 = arith.constant 0 : i32
    %scan3A_208 = arith.constant 0 : i32
    %scan3A_209 = arith.constant 16 : i32
    %scan3A_210 = arith.addi %scan3A_208, %scan3A_209 : i32
    %scan3A_211 = arith.constant 1 : i32
    %scan3A_212 = scf.for %scan3A_374 = %scan3A_208 to %scan3A_210 step %scan3A_211 iter_args(%scan3A_375 = %scan3A_207) -> (i32)  : i32 {
      %broadcast_in_dim3A_376 = arith.constant 0.000000e+00 : f32
      %broadcast_in_dim3A_377 = vector.broadcast %broadcast_in_dim3A_376 : f32 to vector<16xf32>
      %broadcast_in_dim3A_378 = arith.constant 0.000000e+00 : f32
      %broadcast_in_dim3A_379 = vector.broadcast %broadcast_in_dim3A_378 : f32 to vector<16xf32>
      %broadcast_in_dim3A_380 = arith.constant 0.000000e+00 : f32
      %broadcast_in_dim3A_381 = vector.broadcast %broadcast_in_dim3A_380 : f32 to vector<16xf32>
      %broadcast_in_dim3A_382 = arith.constant 0.000000e+00 : f32
      %broadcast_in_dim3A_383 = vector.broadcast %broadcast_in_dim3A_382 : f32 to vector<16xf32>
      %broadcast_in_dim3A_384 = arith.constant 0.000000e+00 : f32
      %broadcast_in_dim3A_385 = vector.broadcast %broadcast_in_dim3A_384 : f32 to vector<16xf32>
      %broadcast_in_dim3A_386 = arith.constant 0.000000e+00 : f32
      %broadcast_in_dim3A_387 = vector.broadcast %broadcast_in_dim3A_386 : f32 to vector<16xf32>
      %broadcast_in_dim3A_388 = arith.constant 0.000000e+00 : f32
      %broadcast_in_dim3A_389 = vector.broadcast %broadcast_in_dim3A_388 : f32 to vector<16xf32>
      %broadcast_in_dim3A_390 = arith.constant 0.000000e+00 : f32
      %broadcast_in_dim3A_391 = vector.broadcast %broadcast_in_dim3A_390 : f32 to vector<16xf32>
      %get3A_392 = arith.index_cast %scan3A_374 : i32 to index
      %get3A_393 = arith.constant 0 : index
      %get3A_394 = tpu.vector_load %arg6[%get3A_392, %get3A_393] {strides = array<i32>} : memref<16x1000xf32, #tpu.memory_space<vmem>>, vector<16xf32>,
      %exp3A = math.exp %get3A_394 : vector<16xf32>
      %add3A_395 = arith.addf %broadcast_in_dim3A_377, %exp3A : vector<16xf32>
      %add3A_396 = arith.addf %broadcast_in_dim3A_385, %get3A_394 : vector<16xf32>
      %get3A_397 = arith.index_cast %scan3A_374 : i32 to index
      %get3A_398 = arith.constant 16 : index
      %get3A_399 = tpu.vector_load %arg6[%get3A_397, %get3A_398] {strides = array<i32>} : memref<16x1000xf32, #tpu.memory_space<vmem>>, vector<16xf32>,
      %exp3A_400 = math.exp %get3A_399 : vector<16xf32>
      %add3A_401 = arith.addf %broadcast_in_dim3A_379, %exp3A_400 : vector<16xf32>
      %add3A_402 = arith.addf %broadcast_in_dim3A_387, %get3A_399 : vector<16xf32>
      %get3A_403 = arith.index_cast %scan3A_374 : i32 to index
      %get3A_404 = arith.constant 32 : index
      %get3A_405 = tpu.vector_load %arg6[%get3A_403, %get3A_404] {strides = array<i32>} : memref<16x1000xf32, #tpu.memory_space<vmem>>, vector<16xf32>,
      %exp3A_406 = math.exp %get3A_405 : vector<16xf32>
      %add3A_407 = arith.addf %broadcast_in_dim3A_381, %exp3A_406 : vector<16xf32>
      %add3A_408 = arith.addf %broadcast_in_dim3A_389, %get3A_405 : vector<16xf32>
      %get3A_409 = arith.index_cast %scan3A_374 : i32 to index
      %get3A_410 = arith.constant 48 : index
      %get3A_411 = tpu.vector_load %arg6[%get3A_409, %get3A_410] {strides = array<i32>} : memref<16x1000xf32, #tpu.memory_space<vmem>>, vector<16xf32>,
      %exp3A_412 = math.exp %get3A_411 : vector<16xf32>
      %add3A_413 = arith.addf %broadcast_in_dim3A_383, %exp3A_412 : vector<16xf32>
      %add3A_414 = arith.addf %broadcast_in_dim3A_391, %get3A_411 : vector<16xf32>
      %get3A_415 = arith.index_cast %scan3A_374 : i32 to index
      %get3A_416 = arith.constant 64 : index
      %get3A_417 = tpu.vector_load %arg6[%get3A_415, %get3A_416] {strides = array<i32>} : memref<16x1000xf32, #tpu.memory_space<vmem>>, vector<16xf32>,
      %exp3A_418 = math.exp %get3A_417 : vector<16xf32>
      %add3A_419 = arith.addf %add3A_395, %exp3A_418 : vector<16xf32>
      %add3A_420 = arith.addf %add3A_396, %get3A_417 : vector<16xf32>
      %get3A_421 = arith.index_cast %scan3A_374 : i32 to index
      %get3A_422 = arith.constant 80 : index
      %get3A_423 = tpu.vector_load %arg6[%get3A_421, %get3A_422] {strides = array<i32>} : memref<16x1000xf32, #tpu.memory_space<vmem>>, vector<16xf32>,
      %exp3A_424 = math.exp %get3A_423 : vector<16xf32>
      %add3A_425 = arith.addf %add3A_401, %exp3A_424 : vector<16xf32>
      %add3A_426 = arith.addf %add3A_402, %get3A_423 : vector<16xf32>
      %get3A_427 = arith.index_cast %scan3A_374 : i32 to index
      %get3A_428 = arith.constant 96 : index
      %get3A_429 = tpu.vector_load %arg6[%get3A_427, %get3A_428] {strides = array<i32>} : memref<16x1000xf32, #tpu.memory_space<vmem>>, vector<16xf32>,
      %exp3A_430 = math.exp %get3A_429 : vector<16xf32>
      %add3A_431 = arith.addf %add3A_407, %exp3A_430 : vector<16xf32>
      %add3A_432 = arith.addf %add3A_408, %get3A_429 : vector<16xf32>
      %get3A_433 = arith.index_cast %scan3A_374 : i32 to index
      %get3A_434 = arith.constant 112 : index
      %get3A_435 = tpu.vector_load %arg6[%get3A_433, %get3A_434] {strides = array<i32>} : memref<16x1000xf32, #tpu.memory_space<vmem>>, vector<16xf32>,
      %exp3A_436 = math.exp %get3A_435 : vector<16xf32>
      %add3A_437 = arith.addf %add3A_413, %exp3A_436 : vector<16xf32>
      %add3A_438 = arith.addf %add3A_414, %get3A_435 : vector<16xf32>
      %get3A_439 = arith.index_cast %scan3A_374 : i32 to index
      %get3A_440 = arith.constant 128 : index
      %get3A_441 = tpu.vector_load %arg6[%get3A_439, %get3A_440] {strides = array<i32>} : memref<16x1000xf32, #tpu.memory_space<vmem>>, vector<16xf32>,
      %exp3A_442 = math.exp %get3A_441 : vector<16xf32>
      %add3A_443 = arith.addf %add3A_419, %exp3A_442 : vector<16xf32>
      %add3A_444 = arith.addf %add3A_420, %get3A_441 : vector<16xf32>
      %get3A_445 = arith.index_cast %scan3A_374 : i32 to index
      %get3A_446 = arith.constant 144 : index
      %get3A_447 = tpu.vector_load %arg6[%get3A_445, %get3A_446] {strides = array<i32>} : memref<16x1000xf32, #tpu.memory_space<vmem>>, vector<16xf32>,
      %exp3A_448 = math.exp %get3A_447 : vector<16xf32>
      %add3A_449 = arith.addf %add3A_425, %exp3A_448 : vector<16xf32>
      %add3A_450 = arith.addf %add3A_426, %get3A_447 : vector<16xf32>
      %get3A_451 = arith.index_cast %scan3A_374 : i32 to index
      %get3A_452 = arith.constant 160 : index
      %get3A_453 = tpu.vector_load %arg6[%get3A_451, %get3A_452] {strides = array<i32>} : memref<16x1000xf32, #tpu.memory_space<vmem>>, vector<16xf32>,
      %exp3A_454 = math.exp %get3A_453 : vector<16xf32>
      %add3A_455 = arith.addf %add3A_431, %exp3A_454 : vector<16xf32>
      %add3A_456 = arith.addf %add3A_432, %get3A_453 : vector<16xf32>
      %get3A_457 = arith.index_cast %scan3A_374 : i32 to index
      %get3A_458 = arith.constant 176 : index
      %get3A_459 = tpu.vector_load %arg6[%get3A_457, %get3A_458] {strides = array<i32>} : memref<16x1000xf32, #tpu.memory_space<vmem>>, vector<16xf32>,
      %exp3A_460 = math.exp %get3A_459 : vector<16xf32>
      %add3A_461 = arith.addf %add3A_437, %exp3A_460 : vector<16xf32>
      %add3A_462 = arith.addf %add3A_438, %get3A_459 : vector<16xf32>
      %get3A_463 = arith.index_cast %scan3A_374 : i32 to index
      %get3A_464 = arith.constant 192 : index
      %get3A_465 = tpu.vector_load %arg6[%get3A_463, %get3A_464] {strides = array<i32>} : memref<16x1000xf32, #tpu.memory_space<vmem>>, vector<16xf32>,
      %exp3A_466 = math.exp %get3A_465 : vector<16xf32>
      %add3A_467 = arith.addf %add3A_443, %exp3A_466 : vector<16xf32>
      %add3A_468 = arith.addf %add3A_444, %get3A_465 : vector<16xf32>
      %get3A_469 = arith.index_cast %scan3A_374 : i32 to index
      %get3A_470 = arith.constant 208 : index
      %get3A_471 = tpu.vector_load %arg6[%get3A_469, %get3A_470] {strides = array<i32>} : memref<16x1000xf32, #tpu.memory_space<vmem>>, vector<16xf32>,
      %exp3A_472 = math.exp %get3A_471 : vector<16xf32>
      %add3A_473 = arith.addf %add3A_449, %exp3A_472 : vector<16xf32>
      %add3A_474 = arith.addf %add3A_450, %get3A_471 : vector<16xf32>
      %get3A_475 = arith.index_cast %scan3A_374 : i32 to index
      %get3A_476 = arith.constant 224 : index
      %get3A_477 = tpu.vector_load %arg6[%get3A_475, %get3A_476] {strides = array<i32>} : memref<16x1000xf32, #tpu.memory_space<vmem>>, vector<16xf32>,
      %exp3A_478 = math.exp %get3A_477 : vector<16xf32>
      %add3A_479 = arith.addf %add3A_455, %exp3A_478 : vector<16xf32>
      %add3A_480 = arith.addf %add3A_456, %get3A_477 : vector<16xf32>
      %get3A_481 = arith.index_cast %scan3A_374 : i32 to index
      %get3A_482 = arith.constant 240 : index
      %get3A_483 = tpu.vector_load %arg6[%get3A_481, %get3A_482] {strides = array<i32>} : memref<16x1000xf32, #tpu.memory_space<vmem>>, vector<16xf32>,
      %exp3A_484 = math.exp %get3A_483 : vector<16xf32>
      %add3A_485 = arith.addf %add3A_461, %exp3A_484 : vector<16xf32>
      %add3A_486 = arith.addf %add3A_462, %get3A_483 : vector<16xf32>
      %get3A_487 = arith.index_cast %scan3A_374 : i32 to index
      %get3A_488 = arith.constant 256 : index
      %get3A_489 = tpu.vector_load %arg6[%get3A_487, %get3A_488] {strides = array<i32>} : memref<16x1000xf32, #tpu.memory_space<vmem>>, vector<16xf32>,
      %exp3A_490 = math.exp %get3A_489 : vector<16xf32>
      %add3A_491 = arith.addf %add3A_467, %exp3A_490 : vector<16xf32>
      %add3A_492 = arith.addf %add3A_468, %get3A_489 : vector<16xf32>
      %get3A_493 = arith.index_cast %scan3A_374 : i32 to index
      %get3A_494 = arith.constant 272 : index
      %get3A_495 = tpu.vector_load %arg6[%get3A_493, %get3A_494] {strides = array<i32>} : memref<16x1000xf32, #tpu.memory_space<vmem>>, vector<16xf32>,
      %exp3A_496 = math.exp %get3A_495 : vector<16xf32>
      %add3A_497 = arith.addf %add3A_473, %exp3A_496 : vector<16xf32>
      %add3A_498 = arith.addf %add3A_474, %get3A_495 : vector<16xf32>
      %get3A_499 = arith.index_cast %scan3A_374 : i32 to index
      %get3A_500 = arith.constant 288 : index
      %get3A_501 = tpu.vector_load %arg6[%get3A_499, %get3A_500] {strides = array<i32>} : memref<16x1000xf32, #tpu.memory_space<vmem>>, vector<16xf32>,
      %exp3A_502 = math.exp %get3A_501 : vector<16xf32>
      %add3A_503 = arith.addf %add3A_479, %exp3A_502 : vector<16xf32>
      %add3A_504 = arith.addf %add3A_480, %get3A_501 : vector<16xf32>
      %get3A_505 = arith.index_cast %scan3A_374 : i32 to index
      %get3A_506 = arith.constant 304 : index
      %get3A_507 = tpu.vector_load %arg6[%get3A_505, %get3A_506] {strides = array<i32>} : memref<16x1000xf32, #tpu.memory_space<vmem>>, vector<16xf32>,
      %exp3A_508 = math.exp %get3A_507 : vector<16xf32>
      %add3A_509 = arith.addf %add3A_485, %exp3A_508 : vector<16xf32>
      %add3A_510 = arith.addf %add3A_486, %get3A_507 : vector<16xf32>
      %get3A_511 = arith.index_cast %scan3A_374 : i32 to index
      %get3A_512 = arith.constant 320 : index
      %get3A_513 = tpu.vector_load %arg6[%get3A_511, %get3A_512] {strides = array<i32>} : memref<16x1000xf32, #tpu.memory_space<vmem>>, vector<16xf32>,
      %exp3A_514 = math.exp %get3A_513 : vector<16xf32>
      %add3A_515 = arith.addf %add3A_491, %exp3A_514 : vector<16xf32>
      %add3A_516 = arith.addf %add3A_492, %get3A_513 : vector<16xf32>
      %get3A_517 = arith.index_cast %scan3A_374 : i32 to index
      %get3A_518 = arith.constant 336 : index
      %get3A_519 = tpu.vector_load %arg6[%get3A_517, %get3A_518] {strides = array<i32>} : memref<16x1000xf32, #tpu.memory_space<vmem>>, vector<16xf32>,
      %exp3A_520 = math.exp %get3A_519 : vector<16xf32>
      %add3A_521 = arith.addf %add3A_497, %exp3A_520 : vector<16xf32>
      %add3A_522 = arith.addf %add3A_498, %get3A_519 : vector<16xf32>
      %get3A_523 = arith.index_cast %scan3A_374 : i32 to index
      %get3A_524 = arith.constant 352 : index
      %get3A_525 = tpu.vector_load %arg6[%get3A_523, %get3A_524] {strides = array<i32>} : memref<16x1000xf32, #tpu.memory_space<vmem>>, vector<16xf32>,
      %exp3A_526 = math.exp %get3A_525 : vector<16xf32>
      %add3A_527 = arith.addf %add3A_503, %exp3A_526 : vector<16xf32>
      %add3A_528 = arith.addf %add3A_504, %get3A_525 : vector<16xf32>
      %get3A_529 = arith.index_cast %scan3A_374 : i32 to index
      %get3A_530 = arith.constant 368 : index
      %get3A_531 = tpu.vector_load %arg6[%get3A_529, %get3A_530] {strides = array<i32>} : memref<16x1000xf32, #tpu.memory_space<vmem>>, vector<16xf32>,
      %exp3A_532 = math.exp %get3A_531 : vector<16xf32>
      %add3A_533 = arith.addf %add3A_509, %exp3A_532 : vector<16xf32>
      %add3A_534 = arith.addf %add3A_510, %get3A_531 : vector<16xf32>
      %get3A_535 = arith.index_cast %scan3A_374 : i32 to index
      %get3A_536 = arith.constant 384 : index
      %get3A_537 = tpu.vector_load %arg6[%get3A_535, %get3A_536] {strides = array<i32>} : memref<16x1000xf32, #tpu.memory_space<vmem>>, vector<16xf32>,
      %exp3A_538 = math.exp %get3A_537 : vector<16xf32>
      %add3A_539 = arith.addf %add3A_515, %exp3A_538 : vector<16xf32>
      %add3A_540 = arith.addf %add3A_516, %get3A_537 : vector<16xf32>
      %get3A_541 = arith.index_cast %scan3A_374 : i32 to index
      %get3A_542 = arith.constant 400 : index
      %get3A_543 = tpu.vector_load %arg6[%get3A_541, %get3A_542] {strides = array<i32>} : memref<16x1000xf32, #tpu.memory_space<vmem>>, vector<16xf32>,
      %exp3A_544 = math.exp %get3A_543 : vector<16xf32>
      %add3A_545 = arith.addf %add3A_521, %exp3A_544 : vector<16xf32>
      %add3A_546 = arith.addf %add3A_522, %get3A_543 : vector<16xf32>
      %get3A_547 = arith.index_cast %scan3A_374 : i32 to index
      %get3A_548 = arith.constant 416 : index
      %get3A_549 = tpu.vector_load %arg6[%get3A_547, %get3A_548] {strides = array<i32>} : memref<16x1000xf32, #tpu.memory_space<vmem>>, vector<16xf32>,
      %exp3A_550 = math.exp %get3A_549 : vector<16xf32>
      %add3A_551 = arith.addf %add3A_527, %exp3A_550 : vector<16xf32>
      %add3A_552 = arith.addf %add3A_528, %get3A_549 : vector<16xf32>
      %get3A_553 = arith.index_cast %scan3A_374 : i32 to index
      %get3A_554 = arith.constant 432 : index
      %get3A_555 = tpu.vector_load %arg6[%get3A_553, %get3A_554] {strides = array<i32>} : memref<16x1000xf32, #tpu.memory_space<vmem>>, vector<16xf32>,
      %exp3A_556 = math.exp %get3A_555 : vector<16xf32>
      %add3A_557 = arith.addf %add3A_533, %exp3A_556 : vector<16xf32>
      %add3A_558 = arith.addf %add3A_534, %get3A_555 : vector<16xf32>
      %get3A_559 = arith.index_cast %scan3A_374 : i32 to index
      %get3A_560 = arith.constant 448 : index
      %get3A_561 = tpu.vector_load %arg6[%get3A_559, %get3A_560] {strides = array<i32>} : memref<16x1000xf32, #tpu.memory_space<vmem>>, vector<16xf32>,
      %exp3A_562 = math.exp %get3A_561 : vector<16xf32>
      %add3A_563 = arith.addf %add3A_539, %exp3A_562 : vector<16xf32>
      %add3A_564 = arith.addf %add3A_540, %get3A_561 : vector<16xf32>
      %get3A_565 = arith.index_cast %scan3A_374 : i32 to index
      %get3A_566 = arith.constant 464 : index
      %get3A_567 = tpu.vector_load %arg6[%get3A_565, %get3A_566] {strides = array<i32>} : memref<16x1000xf32, #tpu.memory_space<vmem>>, vector<16xf32>,
      %exp3A_568 = math.exp %get3A_567 : vector<16xf32>
      %add3A_569 = arith.addf %add3A_545, %exp3A_568 : vector<16xf32>
      %add3A_570 = arith.addf %add3A_546, %get3A_567 : vector<16xf32>
      %get3A_571 = arith.index_cast %scan3A_374 : i32 to index
      %get3A_572 = arith.constant 480 : index
      %get3A_573 = tpu.vector_load %arg6[%get3A_571, %get3A_572] {strides = array<i32>} : memref<16x1000xf32, #tpu.memory_space<vmem>>, vector<16xf32>,
      %exp3A_574 = math.exp %get3A_573 : vector<16xf32>
      %add3A_575 = arith.addf %add3A_551, %exp3A_574 : vector<16xf32>
      %add3A_576 = arith.addf %add3A_552, %get3A_573 : vector<16xf32>
      %get3A_577 = arith.index_cast %scan3A_374 : i32 to index
      %get3A_578 = arith.constant 496 : index
      %get3A_579 = tpu.vector_load %arg6[%get3A_577, %get3A_578] {strides = array<i32>} : memref<16x1000xf32, #tpu.memory_space<vmem>>, vector<16xf32>,
      %exp3A_580 = math.exp %get3A_579 : vector<16xf32>
      %add3A_581 = arith.addf %add3A_557, %exp3A_580 : vector<16xf32>
      %add3A_582 = arith.addf %add3A_558, %get3A_579 : vector<16xf32>
      %get3A_583 = arith.index_cast %scan3A_374 : i32 to index
      %get3A_584 = arith.constant 512 : index
      %get3A_585 = tpu.vector_load %arg6[%get3A_583, %get3A_584] {strides = array<i32>} : memref<16x1000xf32, #tpu.memory_space<vmem>>, vector<16xf32>,
      %exp3A_586 = math.exp %get3A_585 : vector<16xf32>
      %add3A_587 = arith.addf %add3A_563, %exp3A_586 : vector<16xf32>
      %add3A_588 = arith.addf %add3A_564, %get3A_585 : vector<16xf32>
      %get3A_589 = arith.index_cast %scan3A_374 : i32 to index
      %get3A_590 = arith.constant 528 : index
      %get3A_591 = tpu.vector_load %arg6[%get3A_589, %get3A_590] {strides = array<i32>} : memref<16x1000xf32, #tpu.memory_space<vmem>>, vector<16xf32>,
      %exp3A_592 = math.exp %get3A_591 : vector<16xf32>
      %add3A_593 = arith.addf %add3A_569, %exp3A_592 : vector<16xf32>
      %add3A_594 = arith.addf %add3A_570, %get3A_591 : vector<16xf32>
      %get3A_595 = arith.index_cast %scan3A_374 : i32 to index
      %get3A_596 = arith.constant 544 : index
      %get3A_597 = tpu.vector_load %arg6[%get3A_595, %get3A_596] {strides = array<i32>} : memref<16x1000xf32, #tpu.memory_space<vmem>>, vector<16xf32>,
      %exp3A_598 = math.exp %get3A_597 : vector<16xf32>
      %add3A_599 = arith.addf %add3A_575, %exp3A_598 : vector<16xf32>
      %add3A_600 = arith.addf %add3A_576, %get3A_597 : vector<16xf32>
      %get3A_601 = arith.index_cast %scan3A_374 : i32 to index
      %get3A_602 = arith.constant 560 : index
      %get3A_603 = tpu.vector_load %arg6[%get3A_601, %get3A_602] {strides = array<i32>} : memref<16x1000xf32, #tpu.memory_space<vmem>>, vector<16xf32>,
      %exp3A_604 = math.exp %get3A_603 : vector<16xf32>
      %add3A_605 = arith.addf %add3A_581, %exp3A_604 : vector<16xf32>
      %add3A_606 = arith.addf %add3A_582, %get3A_603 : vector<16xf32>
      %get3A_607 = arith.index_cast %scan3A_374 : i32 to index
      %get3A_608 = arith.constant 576 : index
      %get3A_609 = tpu.vector_load %arg6[%get3A_607, %get3A_608] {strides = array<i32>} : memref<16x1000xf32, #tpu.memory_space<vmem>>, vector<16xf32>,
      %exp3A_610 = math.exp %get3A_609 : vector<16xf32>
      %add3A_611 = arith.addf %add3A_587, %exp3A_610 : vector<16xf32>
      %add3A_612 = arith.addf %add3A_588, %get3A_609 : vector<16xf32>
      %get3A_613 = arith.index_cast %scan3A_374 : i32 to index
      %get3A_614 = arith.constant 592 : index
      %get3A_615 = tpu.vector_load %arg6[%get3A_613, %get3A_614] {strides = array<i32>} : memref<16x1000xf32, #tpu.memory_space<vmem>>, vector<16xf32>,
      %exp3A_616 = math.exp %get3A_615 : vector<16xf32>
      %add3A_617 = arith.addf %add3A_593, %exp3A_616 : vector<16xf32>
      %add3A_618 = arith.addf %add3A_594, %get3A_615 : vector<16xf32>
      %get3A_619 = arith.index_cast %scan3A_374 : i32 to index
      %get3A_620 = arith.constant 608 : index
      %get3A_621 = tpu.vector_load %arg6[%get3A_619, %get3A_620] {strides = array<i32>} : memref<16x1000xf32, #tpu.memory_space<vmem>>, vector<16xf32>,
      %exp3A_622 = math.exp %get3A_621 : vector<16xf32>
      %add3A_623 = arith.addf %add3A_599, %exp3A_622 : vector<16xf32>
      %add3A_624 = arith.addf %add3A_600, %get3A_621 : vector<16xf32>
      %get3A_625 = arith.index_cast %scan3A_374 : i32 to index
      %get3A_626 = arith.constant 624 : index
      %get3A_627 = tpu.vector_load %arg6[%get3A_625, %get3A_626] {strides = array<i32>} : memref<16x1000xf32, #tpu.memory_space<vmem>>, vector<16xf32>,
      %exp3A_628 = math.exp %get3A_627 : vector<16xf32>
      %add3A_629 = arith.addf %add3A_605, %exp3A_628 : vector<16xf32>
      %add3A_630 = arith.addf %add3A_606, %get3A_627 : vector<16xf32>
      %get3A_631 = arith.index_cast %scan3A_374 : i32 to index
      %get3A_632 = arith.constant 640 : index
      %get3A_633 = tpu.vector_load %arg6[%get3A_631, %get3A_632] {strides = array<i32>} : memref<16x1000xf32, #tpu.memory_space<vmem>>, vector<16xf32>,
      %exp3A_634 = math.exp %get3A_633 : vector<16xf32>
      %add3A_635 = arith.addf %add3A_611, %exp3A_634 : vector<16xf32>
      %add3A_636 = arith.addf %add3A_612, %get3A_633 : vector<16xf32>
      %get3A_637 = arith.index_cast %scan3A_374 : i32 to index
      %get3A_638 = arith.constant 656 : index
      %get3A_639 = tpu.vector_load %arg6[%get3A_637, %get3A_638] {strides = array<i32>} : memref<16x1000xf32, #tpu.memory_space<vmem>>, vector<16xf32>,
      %exp3A_640 = math.exp %get3A_639 : vector<16xf32>
      %add3A_641 = arith.addf %add3A_617, %exp3A_640 : vector<16xf32>
      %add3A_642 = arith.addf %add3A_618, %get3A_639 : vector<16xf32>
      %get3A_643 = arith.index_cast %scan3A_374 : i32 to index
      %get3A_644 = arith.constant 672 : index
      %get3A_645 = tpu.vector_load %arg6[%get3A_643, %get3A_644] {strides = array<i32>} : memref<16x1000xf32, #tpu.memory_space<vmem>>, vector<16xf32>,
      %exp3A_646 = math.exp %get3A_645 : vector<16xf32>
      %add3A_647 = arith.addf %add3A_623, %exp3A_646 : vector<16xf32>
      %add3A_648 = arith.addf %add3A_624, %get3A_645 : vector<16xf32>
      %get3A_649 = arith.index_cast %scan3A_374 : i32 to index
      %get3A_650 = arith.constant 688 : index
      %get3A_651 = tpu.vector_load %arg6[%get3A_649, %get3A_650] {strides = array<i32>} : memref<16x1000xf32, #tpu.memory_space<vmem>>, vector<16xf32>,
      %exp3A_652 = math.exp %get3A_651 : vector<16xf32>
      %add3A_653 = arith.addf %add3A_629, %exp3A_652 : vector<16xf32>
      %add3A_654 = arith.addf %add3A_630, %get3A_651 : vector<16xf32>
      %get3A_655 = arith.index_cast %scan3A_374 : i32 to index
      %get3A_656 = arith.constant 704 : index
      %get3A_657 = tpu.vector_load %arg6[%get3A_655, %get3A_656] {strides = array<i32>} : memref<16x1000xf32, #tpu.memory_space<vmem>>, vector<16xf32>,
      %exp3A_658 = math.exp %get3A_657 : vector<16xf32>
      %add3A_659 = arith.addf %add3A_635, %exp3A_658 : vector<16xf32>
      %add3A_660 = arith.addf %add3A_636, %get3A_657 : vector<16xf32>
      %get3A_661 = arith.index_cast %scan3A_374 : i32 to index
      %get3A_662 = arith.constant 720 : index
      %get3A_663 = tpu.vector_load %arg6[%get3A_661, %get3A_662] {strides = array<i32>} : memref<16x1000xf32, #tpu.memory_space<vmem>>, vector<16xf32>,
      %exp3A_664 = math.exp %get3A_663 : vector<16xf32>
      %add3A_665 = arith.addf %add3A_641, %exp3A_664 : vector<16xf32>
      %add3A_666 = arith.addf %add3A_642, %get3A_663 : vector<16xf32>
      %get3A_667 = arith.index_cast %scan3A_374 : i32 to index
      %get3A_668 = arith.constant 736 : index
      %get3A_669 = tpu.vector_load %arg6[%get3A_667, %get3A_668] {strides = array<i32>} : memref<16x1000xf32, #tpu.memory_space<vmem>>, vector<16xf32>,
      %exp3A_670 = math.exp %get3A_669 : vector<16xf32>
      %add3A_671 = arith.addf %add3A_647, %exp3A_670 : vector<16xf32>
      %add3A_672 = arith.addf %add3A_648, %get3A_669 : vector<16xf32>
      %get3A_673 = arith.index_cast %scan3A_374 : i32 to index
      %get3A_674 = arith.constant 752 : index
      %get3A_675 = tpu.vector_load %arg6[%get3A_673, %get3A_674] {strides = array<i32>} : memref<16x1000xf32, #tpu.memory_space<vmem>>, vector<16xf32>,
      %exp3A_676 = math.exp %get3A_675 : vector<16xf32>
      %add3A_677 = arith.addf %add3A_653, %exp3A_676 : vector<16xf32>
      %add3A_678 = arith.addf %add3A_654, %get3A_675 : vector<16xf32>
      %get3A_679 = arith.index_cast %scan3A_374 : i32 to index
      %get3A_680 = arith.constant 768 : index
      %get3A_681 = tpu.vector_load %arg6[%get3A_679, %get3A_680] {strides = array<i32>} : memref<16x1000xf32, #tpu.memory_space<vmem>>, vector<16xf32>,
      %exp3A_682 = math.exp %get3A_681 : vector<16xf32>
      %add3A_683 = arith.addf %add3A_659, %exp3A_682 : vector<16xf32>
      %add3A_684 = arith.addf %add3A_660, %get3A_681 : vector<16xf32>
      %get3A_685 = arith.index_cast %scan3A_374 : i32 to index
      %get3A_686 = arith.constant 784 : index
      %get3A_687 = tpu.vector_load %arg6[%get3A_685, %get3A_686] {strides = array<i32>} : memref<16x1000xf32, #tpu.memory_space<vmem>>, vector<16xf32>,
      %exp3A_688 = math.exp %get3A_687 : vector<16xf32>
      %add3A_689 = arith.addf %add3A_665, %exp3A_688 : vector<16xf32>
      %add3A_690 = arith.addf %add3A_666, %get3A_687 : vector<16xf32>
      %get3A_691 = arith.index_cast %scan3A_374 : i32 to index
      %get3A_692 = arith.constant 800 : index
      %get3A_693 = tpu.vector_load %arg6[%get3A_691, %get3A_692] {strides = array<i32>} : memref<16x1000xf32, #tpu.memory_space<vmem>>, vector<16xf32>,
      %exp3A_694 = math.exp %get3A_693 : vector<16xf32>
      %add3A_695 = arith.addf %add3A_671, %exp3A_694 : vector<16xf32>
      %add3A_696 = arith.addf %add3A_672, %get3A_693 : vector<16xf32>
      %get3A_697 = arith.index_cast %scan3A_374 : i32 to index
      %get3A_698 = arith.constant 816 : index
      %get3A_699 = tpu.vector_load %arg6[%get3A_697, %get3A_698] {strides = array<i32>} : memref<16x1000xf32, #tpu.memory_space<vmem>>, vector<16xf32>,
      %exp3A_700 = math.exp %get3A_699 : vector<16xf32>
      %add3A_701 = arith.addf %add3A_677, %exp3A_700 : vector<16xf32>
      %add3A_702 = arith.addf %add3A_678, %get3A_699 : vector<16xf32>
      %get3A_703 = arith.index_cast %scan3A_374 : i32 to index
      %get3A_704 = arith.constant 832 : index
      %get3A_705 = tpu.vector_load %arg6[%get3A_703, %get3A_704] {strides = array<i32>} : memref<16x1000xf32, #tpu.memory_space<vmem>>, vector<16xf32>,
      %exp3A_706 = math.exp %get3A_705 : vector<16xf32>
      %add3A_707 = arith.addf %add3A_683, %exp3A_706 : vector<16xf32>
      %add3A_708 = arith.addf %add3A_684, %get3A_705 : vector<16xf32>
      %get3A_709 = arith.index_cast %scan3A_374 : i32 to index
      %get3A_710 = arith.constant 848 : index
      %get3A_711 = tpu.vector_load %arg6[%get3A_709, %get3A_710] {strides = array<i32>} : memref<16x1000xf32, #tpu.memory_space<vmem>>, vector<16xf32>,
      %exp3A_712 = math.exp %get3A_711 : vector<16xf32>
      %add3A_713 = arith.addf %add3A_689, %exp3A_712 : vector<16xf32>
      %add3A_714 = arith.addf %add3A_690, %get3A_711 : vector<16xf32>
      %get3A_715 = arith.index_cast %scan3A_374 : i32 to index
      %get3A_716 = arith.constant 864 : index
      %get3A_717 = tpu.vector_load %arg6[%get3A_715, %get3A_716] {strides = array<i32>} : memref<16x1000xf32, #tpu.memory_space<vmem>>, vector<16xf32>,
      %exp3A_718 = math.exp %get3A_717 : vector<16xf32>
      %add3A_719 = arith.addf %add3A_695, %exp3A_718 : vector<16xf32>
      %add3A_720 = arith.addf %add3A_696, %get3A_717 : vector<16xf32>
      %get3A_721 = arith.index_cast %scan3A_374 : i32 to index
      %get3A_722 = arith.constant 880 : index
      %get3A_723 = tpu.vector_load %arg6[%get3A_721, %get3A_722] {strides = array<i32>} : memref<16x1000xf32, #tpu.memory_space<vmem>>, vector<16xf32>,
      %exp3A_724 = math.exp %get3A_723 : vector<16xf32>
      %add3A_725 = arith.addf %add3A_701, %exp3A_724 : vector<16xf32>
      %add3A_726 = arith.addf %add3A_702, %get3A_723 : vector<16xf32>
      %get3A_727 = arith.index_cast %scan3A_374 : i32 to index
      %get3A_728 = arith.constant 896 : index
      %get3A_729 = tpu.vector_load %arg6[%get3A_727, %get3A_728] {strides = array<i32>} : memref<16x1000xf32, #tpu.memory_space<vmem>>, vector<16xf32>,
      %exp3A_730 = math.exp %get3A_729 : vector<16xf32>
      %add3A_731 = arith.addf %add3A_707, %exp3A_730 : vector<16xf32>
      %add3A_732 = arith.addf %add3A_708, %get3A_729 : vector<16xf32>
      %get3A_733 = arith.index_cast %scan3A_374 : i32 to index
      %get3A_734 = arith.constant 912 : index
      %get3A_735 = tpu.vector_load %arg6[%get3A_733, %get3A_734] {strides = array<i32>} : memref<16x1000xf32, #tpu.memory_space<vmem>>, vector<16xf32>,
      %exp3A_736 = math.exp %get3A_735 : vector<16xf32>
      %add3A_737 = arith.addf %add3A_713, %exp3A_736 : vector<16xf32>
      %add3A_738 = arith.addf %add3A_714, %get3A_735 : vector<16xf32>
      %get3A_739 = arith.index_cast %scan3A_374 : i32 to index
      %get3A_740 = arith.constant 928 : index
      %get3A_741 = tpu.vector_load %arg6[%get3A_739, %get3A_740] {strides = array<i32>} : memref<16x1000xf32, #tpu.memory_space<vmem>>, vector<16xf32>,
      %exp3A_742 = math.exp %get3A_741 : vector<16xf32>
      %add3A_743 = arith.addf %add3A_719, %exp3A_742 : vector<16xf32>
      %add3A_744 = arith.addf %add3A_720, %get3A_741 : vector<16xf32>
      %get3A_745 = arith.index_cast %scan3A_374 : i32 to index
      %get3A_746 = arith.constant 944 : index
      %get3A_747 = tpu.vector_load %arg6[%get3A_745, %get3A_746] {strides = array<i32>} : memref<16x1000xf32, #tpu.memory_space<vmem>>, vector<16xf32>,
      %exp3A_748 = math.exp %get3A_747 : vector<16xf32>
      %add3A_749 = arith.addf %add3A_725, %exp3A_748 : vector<16xf32>
      %add3A_750 = arith.addf %add3A_726, %get3A_747 : vector<16xf32>
      %get3A_751 = arith.index_cast %scan3A_374 : i32 to index
      %get3A_752 = arith.constant 960 : index
      %get3A_753 = tpu.vector_load %arg6[%get3A_751, %get3A_752] {strides = array<i32>} : memref<16x1000xf32, #tpu.memory_space<vmem>>, vector<16xf32>,
      %exp3A_754 = math.exp %get3A_753 : vector<16xf32>
      %add3A_755 = arith.addf %add3A_731, %exp3A_754 : vector<16xf32>
      %add3A_756 = arith.addf %add3A_732, %get3A_753 : vector<16xf32>
      %get3A_757 = arith.index_cast %scan3A_374 : i32 to index
      %get3A_758 = arith.constant 976 : index
      %get3A_759 = tpu.vector_load %arg6[%get3A_757, %get3A_758] {strides = array<i32>} : memref<16x1000xf32, #tpu.memory_space<vmem>>, vector<16xf32>,
      %exp3A_760 = math.exp %get3A_759 : vector<16xf32>
      %add3A_761 = arith.addf %add3A_737, %exp3A_760 : vector<16xf32>
      %add3A_762 = arith.addf %add3A_738, %get3A_759 : vector<16xf32>
      %get3A_763 = arith.index_cast %scan3A_374 : i32 to index
      %get3A_764 = arith.constant 984 : index
      %get3A_765 = tpu.vector_load %arg6[%get3A_763, %get3A_764] {strides = array<i32>} : memref<16x1000xf32, #tpu.memory_space<vmem>>, vector<16xf32>,
      %exp3A_766 = math.exp %get3A_765 : vector<16xf32>
      %jit3A = arith.constant 0.000000e+00 : f32
      %broadcast_in_dim3A_767 = vector.broadcast %jit3A : f32 to vector<16xf32>
      %select_n3A = arith.select %ge3A_206, %exp3A_766, %broadcast_in_dim3A_767 : vector<16xi1>, vector<16xf32>
      %add3A_768 = arith.addf %add3A_755, %select_n3A : vector<16xf32>
      %jit3A_769 = arith.constant 0.000000e+00 : f32
      %broadcast_in_dim3A_770 = vector.broadcast %jit3A_769 : f32 to vector<16xf32>
      %select_n3A_771 = arith.select %ge3A_206, %get3A_765, %broadcast_in_dim3A_770 : vector<16xi1>, vector<16xf32>
      %add3A_772 = arith.addf %add3A_756, %select_n3A_771 : vector<16xf32>
      %add3A_773 = arith.addf %add3A_768, %add3A_761 : vector<16xf32>
      %add3A_774 = arith.addf %add3A_743, %add3A_749 : vector<16xf32>
      %add3A_775 = arith.addf %add3A_773, %add3A_774 : vector<16xf32>
      %swap3A_776 = arith.index_cast %scan3A_374 : i32 to index
      %swap3A_777 = arith.constant 0 : index
      %swap3A_778 = tpu.vector_load %arg7[%swap3A_776, %swap3A_777] {strides = array<i32>} : memref<16x16xf32, #tpu.memory_space<vmem>>, vector<16xf32>,
      tpu.vector_store %arg7[%swap3A_776, %swap3A_777], %add3A_775 {strides = array<i32>} : memref<16x16xf32, #tpu.memory_space<vmem>>, vector<16xf32>,
      %add3A_779 = arith.addf %add3A_772, %add3A_762 : vector<16xf32>
      %add3A_780 = arith.addf %add3A_744, %add3A_750 : vector<16xf32>
      %add3A_781 = arith.addf %add3A_779, %add3A_780 : vector<16xf32>
      %swap3A_782 = arith.index_cast %scan3A_374 : i32 to index
      %swap3A_783 = arith.constant 0 : index
      %swap3A_784 = tpu.vector_load %arg8[%swap3A_782, %swap3A_783] {strides = array<i32>} : memref<16x16xf32, #tpu.memory_space<vmem>>, vector<16xf32>,
      tpu.vector_store %arg8[%swap3A_782, %swap3A_783], %add3A_781 {strides = array<i32>} : memref<16x16xf32, #tpu.memory_space<vmem>>, vector<16xf32>,
      %scan3A_785 = arith.constant 0 : i32
      scf.yield %scan3A_785 : i32
    }
    %scan3A_213 = arith.constant 16 : i32
    %gather3A_214 = tpu.vector_load_idx %arg7[%iota3A, %broadcast_in_dim3A_7] : memref<16x16xf32, #tpu.memory_space<vmem>>[vector<16xi32>, vector<16xi32>], vector<16xf32>,
    %gather3A_215 = tpu.vector_load_idx %arg8[%iota3A, %broadcast_in_dim3A_7] : memref<16x16xf32, #tpu.memory_space<vmem>>[vector<16xi32>, vector<16xi32>], vector<16xf32>,
    %broadcast_in_dim3A_216 = arith.constant 1 : i32
    %broadcast_in_dim3A_217 = vector.broadcast %broadcast_in_dim3A_216 : i32 to vector<16xi32>
    %gather3A_218 = tpu.vector_load_idx %arg7[%iota3A, %broadcast_in_dim3A_217] : memref<16x16xf32, #tpu.memory_space<vmem>>[vector<16xi32>, vector<16xi32>], vector<16xf32>,
    %add3A_219 = arith.addf %gather3A_214, %gather3A_218 : vector<16xf32>
    %gather3A_220 = tpu.vector_load_idx %arg8[%iota3A, %broadcast_in_dim3A_217] : memref<16x16xf32, #tpu.memory_space<vmem>>[vector<16xi32>, vector<16xi32>], vector<16xf32>,
    %add3A_221 = arith.addf %gather3A_215, %gather3A_220 : vector<16xf32>
    %broadcast_in_dim3A_222 = arith.constant 2 : i32
    %broadcast_in_dim3A_223 = vector.broadcast %broadcast_in_dim3A_222 : i32 to vector<16xi32>
    %gather3A_224 = tpu.vector_load_idx %arg7[%iota3A, %broadcast_in_dim3A_223] : memref<16x16xf32, #tpu.memory_space<vmem>>[vector<16xi32>, vector<16xi32>], vector<16xf32>,
    %add3A_225 = arith.addf %add3A_219, %gather3A_224 : vector<16xf32>
    %gather3A_226 = tpu.vector_load_idx %arg8[%iota3A, %broadcast_in_dim3A_223] : memref<16x16xf32, #tpu.memory_space<vmem>>[vector<16xi32>, vector<16xi32>], vector<16xf32>,
    %add3A_227 = arith.addf %add3A_221, %gather3A_226 : vector<16xf32>
    %broadcast_in_dim3A_228 = arith.constant 3 : i32
    %broadcast_in_dim3A_229 = vector.broadcast %broadcast_in_dim3A_228 : i32 to vector<16xi32>
    %gather3A_230 = tpu.vector_load_idx %arg7[%iota3A, %broadcast_in_dim3A_229] : memref<16x16xf32, #tpu.memory_space<vmem>>[vector<16xi32>, vector<16xi32>], vector<16xf32>,
    %add3A_231 = arith.addf %add3A_225, %gather3A_230 : vector<16xf32>
    %gather3A_232 = tpu.vector_load_idx %arg8[%iota3A, %broadcast_in_dim3A_229] : memref<16x16xf32, #tpu.memory_space<vmem>>[vector<16xi32>, vector<16xi32>], vector<16xf32>,
    %add3A_233 = arith.addf %add3A_227, %gather3A_232 : vector<16xf32>
    %broadcast_in_dim3A_234 = arith.constant 4 : i32
    %broadcast_in_dim3A_235 = vector.broadcast %broadcast_in_dim3A_234 : i32 to vector<16xi32>
    %gather3A_236 = tpu.vector_load_idx %arg7[%iota3A, %broadcast_in_dim3A_235] : memref<16x16xf32, #tpu.memory_space<vmem>>[vector<16xi32>, vector<16xi32>], vector<16xf32>,
    %add3A_237 = arith.addf %add3A_231, %gather3A_236 : vector<16xf32>
    %gather3A_238 = tpu.vector_load_idx %arg8[%iota3A, %broadcast_in_dim3A_235] : memref<16x16xf32, #tpu.memory_space<vmem>>[vector<16xi32>, vector<16xi32>], vector<16xf32>,
    %add3A_239 = arith.addf %add3A_233, %gather3A_238 : vector<16xf32>
    %broadcast_in_dim3A_240 = arith.constant 5 : i32
    %broadcast_in_dim3A_241 = vector.broadcast %broadcast_in_dim3A_240 : i32 to vector<16xi32>
    %gather3A_242 = tpu.vector_load_idx %arg7[%iota3A, %broadcast_in_dim3A_241] : memref<16x16xf32, #tpu.memory_space<vmem>>[vector<16xi32>, vector<16xi32>], vector<16xf32>,
    %add3A_243 = arith.addf %add3A_237, %gather3A_242 : vector<16xf32>
    %gather3A_244 = tpu.vector_load_idx %arg8[%iota3A, %broadcast_in_dim3A_241] : memref<16x16xf32, #tpu.memory_space<vmem>>[vector<16xi32>, vector<16xi32>], vector<16xf32>,
    %add3A_245 = arith.addf %add3A_239, %gather3A_244 : vector<16xf32>
    %broadcast_in_dim3A_246 = arith.constant 6 : i32
    %broadcast_in_dim3A_247 = vector.broadcast %broadcast_in_dim3A_246 : i32 to vector<16xi32>
    %gather3A_248 = tpu.vector_load_idx %arg7[%iota3A, %broadcast_in_dim3A_247] : memref<16x16xf32, #tpu.memory_space<vmem>>[vector<16xi32>, vector<16xi32>], vector<16xf32>,
    %add3A_249 = arith.addf %add3A_243, %gather3A_248 : vector<16xf32>
    %gather3A_250 = tpu.vector_load_idx %arg8[%iota3A, %broadcast_in_dim3A_247] : memref<16x16xf32, #tpu.memory_space<vmem>>[vector<16xi32>, vector<16xi32>], vector<16xf32>,
    %add3A_251 = arith.addf %add3A_245, %gather3A_250 : vector<16xf32>
    %broadcast_in_dim3A_252 = arith.constant 7 : i32
    %broadcast_in_dim3A_253 = vector.broadcast %broadcast_in_dim3A_252 : i32 to vector<16xi32>
    %gather3A_254 = tpu.vector_load_idx %arg7[%iota3A, %broadcast_in_dim3A_253] : memref<16x16xf32, #tpu.memory_space<vmem>>[vector<16xi32>, vector<16xi32>], vector<16xf32>,
    %add3A_255 = arith.addf %add3A_249, %gather3A_254 : vector<16xf32>
    %gather3A_256 = tpu.vector_load_idx %arg8[%iota3A, %broadcast_in_dim3A_253] : memref<16x16xf32, #tpu.memory_space<vmem>>[vector<16xi32>, vector<16xi32>], vector<16xf32>,
    %add3A_257 = arith.addf %add3A_251, %gather3A_256 : vector<16xf32>
    %broadcast_in_dim3A_258 = arith.constant 8 : i32
    %broadcast_in_dim3A_259 = vector.broadcast %broadcast_in_dim3A_258 : i32 to vector<16xi32>
    %gather3A_260 = tpu.vector_load_idx %arg7[%iota3A, %broadcast_in_dim3A_259] : memref<16x16xf32, #tpu.memory_space<vmem>>[vector<16xi32>, vector<16xi32>], vector<16xf32>,
    %add3A_261 = arith.addf %add3A_255, %gather3A_260 : vector<16xf32>
    %gather3A_262 = tpu.vector_load_idx %arg8[%iota3A, %broadcast_in_dim3A_259] : memref<16x16xf32, #tpu.memory_space<vmem>>[vector<16xi32>, vector<16xi32>], vector<16xf32>,
    %add3A_263 = arith.addf %add3A_257, %gather3A_262 : vector<16xf32>
    %broadcast_in_dim3A_264 = arith.constant 9 : i32
    %broadcast_in_dim3A_265 = vector.broadcast %broadcast_in_dim3A_264 : i32 to vector<16xi32>
    %gather3A_266 = tpu.vector_load_idx %arg7[%iota3A, %broadcast_in_dim3A_265] : memref<16x16xf32, #tpu.memory_space<vmem>>[vector<16xi32>, vector<16xi32>], vector<16xf32>,
    %add3A_267 = arith.addf %add3A_261, %gather3A_266 : vector<16xf32>
    %gather3A_268 = tpu.vector_load_idx %arg8[%iota3A, %broadcast_in_dim3A_265] : memref<16x16xf32, #tpu.memory_space<vmem>>[vector<16xi32>, vector<16xi32>], vector<16xf32>,
    %add3A_269 = arith.addf %add3A_263, %gather3A_268 : vector<16xf32>
    %broadcast_in_dim3A_270 = arith.constant 10 : i32
    %broadcast_in_dim3A_271 = vector.broadcast %broadcast_in_dim3A_270 : i32 to vector<16xi32>
    %gather3A_272 = tpu.vector_load_idx %arg7[%iota3A, %broadcast_in_dim3A_271] : memref<16x16xf32, #tpu.memory_space<vmem>>[vector<16xi32>, vector<16xi32>], vector<16xf32>,
    %add3A_273 = arith.addf %add3A_267, %gather3A_272 : vector<16xf32>
    %gather3A_274 = tpu.vector_load_idx %arg8[%iota3A, %broadcast_in_dim3A_271] : memref<16x16xf32, #tpu.memory_space<vmem>>[vector<16xi32>, vector<16xi32>], vector<16xf32>,
    %add3A_275 = arith.addf %add3A_269, %gather3A_274 : vector<16xf32>
    %broadcast_in_dim3A_276 = arith.constant 11 : i32
    %broadcast_in_dim3A_277 = vector.broadcast %broadcast_in_dim3A_276 : i32 to vector<16xi32>
    %gather3A_278 = tpu.vector_load_idx %arg7[%iota3A, %broadcast_in_dim3A_277] : memref<16x16xf32, #tpu.memory_space<vmem>>[vector<16xi32>, vector<16xi32>], vector<16xf32>,
    %add3A_279 = arith.addf %add3A_273, %gather3A_278 : vector<16xf32>
    %gather3A_280 = tpu.vector_load_idx %arg8[%iota3A, %broadcast_in_dim3A_277] : memref<16x16xf32, #tpu.memory_space<vmem>>[vector<16xi32>, vector<16xi32>], vector<16xf32>,
    %add3A_281 = arith.addf %add3A_275, %gather3A_280 : vector<16xf32>
    %broadcast_in_dim3A_282 = arith.constant 12 : i32
    %broadcast_in_dim3A_283 = vector.broadcast %broadcast_in_dim3A_282 : i32 to vector<16xi32>
    %gather3A_284 = tpu.vector_load_idx %arg7[%iota3A, %broadcast_in_dim3A_283] : memref<16x16xf32, #tpu.memory_space<vmem>>[vector<16xi32>, vector<16xi32>], vector<16xf32>,
    %add3A_285 = arith.addf %add3A_279, %gather3A_284 : vector<16xf32>
    %gather3A_286 = tpu.vector_load_idx %arg8[%iota3A, %broadcast_in_dim3A_283] : memref<16x16xf32, #tpu.memory_space<vmem>>[vector<16xi32>, vector<16xi32>], vector<16xf32>,
    %add3A_287 = arith.addf %add3A_281, %gather3A_286 : vector<16xf32>
    %broadcast_in_dim3A_288 = arith.constant 13 : i32
    %broadcast_in_dim3A_289 = vector.broadcast %broadcast_in_dim3A_288 : i32 to vector<16xi32>
    %gather3A_290 = tpu.vector_load_idx %arg7[%iota3A, %broadcast_in_dim3A_289] : memref<16x16xf32, #tpu.memory_space<vmem>>[vector<16xi32>, vector<16xi32>], vector<16xf32>,
    %add3A_291 = arith.addf %add3A_285, %gather3A_290 : vector<16xf32>
    %gather3A_292 = tpu.vector_load_idx %arg8[%iota3A, %broadcast_in_dim3A_289] : memref<16x16xf32, #tpu.memory_space<vmem>>[vector<16xi32>, vector<16xi32>], vector<16xf32>,
    %add3A_293 = arith.addf %add3A_287, %gather3A_292 : vector<16xf32>
    %broadcast_in_dim3A_294 = arith.constant 14 : i32
    %broadcast_in_dim3A_295 = vector.broadcast %broadcast_in_dim3A_294 : i32 to vector<16xi32>
    %gather3A_296 = tpu.vector_load_idx %arg7[%iota3A, %broadcast_in_dim3A_295] : memref<16x16xf32, #tpu.memory_space<vmem>>[vector<16xi32>, vector<16xi32>], vector<16xf32>,
    %add3A_297 = arith.addf %add3A_291, %gather3A_296 : vector<16xf32>
    %gather3A_298 = tpu.vector_load_idx %arg8[%iota3A, %broadcast_in_dim3A_295] : memref<16x16xf32, #tpu.memory_space<vmem>>[vector<16xi32>, vector<16xi32>], vector<16xf32>,
    %add3A_299 = arith.addf %add3A_293, %gather3A_298 : vector<16xf32>
    %broadcast_in_dim3A_300 = arith.constant 15 : i32
    %broadcast_in_dim3A_301 = vector.broadcast %broadcast_in_dim3A_300 : i32 to vector<16xi32>
    %gather3A_302 = tpu.vector_load_idx %arg7[%iota3A, %broadcast_in_dim3A_301] : memref<16x16xf32, #tpu.memory_space<vmem>>[vector<16xi32>, vector<16xi32>], vector<16xf32>,
    %add3A_303 = arith.addf %add3A_297, %gather3A_302 : vector<16xf32>
    %gather3A_304 = tpu.vector_load_idx %arg8[%iota3A, %broadcast_in_dim3A_301] : memref<16x16xf32, #tpu.memory_space<vmem>>[vector<16xi32>, vector<16xi32>], vector<16xf32>,
    %add3A_305 = arith.addf %add3A_299, %gather3A_304 : vector<16xf32>
    %mul3A_306 = arith.constant 16 : i32
    %mul3A_307 = arith.muli %add3A_203, %mul3A_306 : i32
    %get3A_308 = arith.index_cast %mul3A_307 : i32 to index
    %get3A_309 = tpu.vector_load %arg9[%get3A_308] {strides = array<i32>} : memref<32xi32, #tpu.memory_space<vmem>>, vector<16xi32>,
    %gather3A_310 = tpu.vector_load_idx %arg6[%iota3A, %get3A_309] : memref<16x1000xf32, #tpu.memory_space<vmem>>[vector<16xi32>, vector<16xi32>], vector<16xf32>,
    %bitcast_convert_type3A_311 = tpu.bitcast %add3A_303 : vector<16xf32> -> vector<16xi32>
    %shift_right_arithmetic3A_312 = arith.constant 23 : i32
    %shift_right_arithmetic3A_313 = vector.broadcast %shift_right_arithmetic3A_312 : i32 to vector<16xi32>
    %shift_right_arithmetic3A_314 = arith.shrsi %bitcast_convert_type3A_311, %shift_right_arithmetic3A_313 : vector<16xi32>
    %and3A_315 = arith.constant 255 : i32
    %and3A_316 = vector.broadcast %and3A_315 : i32 to vector<16xi32>
    %and3A_317 = arith.andi %shift_right_arithmetic3A_314, %and3A_316 : vector<16xi32>
    %sub3A_318 = arith.constant 127 : i32
    %sub3A_319 = vector.broadcast %sub3A_318 : i32 to vector<16xi32>
    %sub3A_320 = arith.subi %and3A_317, %sub3A_319 : vector<16xi32>
    %and3A_321 = arith.constant 8388607 : i32
    %and3A_322 = vector.broadcast %and3A_321 : i32 to vector<16xi32>
    %and3A_323 = arith.andi %bitcast_convert_type3A_311, %and3A_322 : vector<16xi32>
    %or3A_324 = arith.constant 1065353216 : i32
    %or3A_325 = vector.broadcast %or3A_324 : i32 to vector<16xi32>
    %or3A_326 = arith.ori %and3A_323, %or3A_325 : vector<16xi32>
    %bitcast_convert_type3A_327 = tpu.bitcast %or3A_326 : vector<16xi32> -> vector<16xf32>
    %sub3A_328 = arith.constant 1.000000e+00 : f32
    %sub3A_329 = vector.broadcast %sub3A_328 : f32 to vector<16xf32>
    %sub3A_330 = arith.subf %bitcast_convert_type3A_327, %sub3A_329 : vector<16xf32>
    %add3A_331 = arith.constant 1.000000e+00 : f32
    %add3A_332 = vector.broadcast %add3A_331 : f32 to vector<16xf32>
    %add3A_333 = arith.addf %bitcast_convert_type3A_327, %add3A_332 : vector<16xf32>
    %div3A_334 = arith.divf %sub3A_330, %add3A_333 : vector<16xf32>
    %mul3A_335 = arith.mulf %div3A_334, %div3A_334 : vector<16xf32>
    %mul3A_336 = arith.constant 0.111111112 : f32
    %mul3A_337 = vector.broadcast %mul3A_336 : f32 to vector<16xf32>
    %mul3A_338 = arith.mulf %mul3A_337, %mul3A_335 : vector<16xf32>
    %add3A_339 = arith.constant 0.142857149 : f32
    %add3A_340 = vector.broadcast %add3A_339 : f32 to vector<16xf32>
    %add3A_341 = arith.addf %mul3A_338, %add3A_340 : vector<16xf32>
    %mul3A_342 = arith.mulf %add3A_341, %mul3A_335 : vector<16xf32>
    %add3A_343 = arith.constant 2.000000e-01 : f32
    %add3A_344 = vector.broadcast %add3A_343 : f32 to vector<16xf32>
    %add3A_345 = arith.addf %mul3A_342, %add3A_344 : vector<16xf32>
    %mul3A_346 = arith.mulf %add3A_345, %mul3A_335 : vector<16xf32>
    %add3A_347 = arith.constant 0.333333343 : f32
    %add3A_348 = vector.broadcast %add3A_347 : f32 to vector<16xf32>
    %add3A_349 = arith.addf %mul3A_346, %add3A_348 : vector<16xf32>
    %mul3A_350 = arith.mulf %add3A_349, %mul3A_335 : vector<16xf32>
    %add3A_351 = arith.constant 1.000000e+00 : f32
    %add3A_352 = vector.broadcast %add3A_351 : f32 to vector<16xf32>
    %add3A_353 = arith.addf %mul3A_350, %add3A_352 : vector<16xf32>
    %convert_element_type3A_354 = arith.sitofp %sub3A_320 : vector<16xi32> to vector<16xf32>
    %mul3A_355 = arith.constant 0.693147182 : f32
    %mul3A_356 = vector.broadcast %mul3A_355 : f32 to vector<16xf32>
    %mul3A_357 = arith.mulf %convert_element_type3A_354, %mul3A_356 : vector<16xf32>
    %mul3A_358 = arith.constant 2.000000e+00 : f32
    %mul3A_359 = vector.broadcast %mul3A_358 : f32 to vector<16xf32>
    %mul3A_360 = arith.mulf %mul3A_359, %div3A_334 : vector<16xf32>
    %mul3A_361 = arith.mulf %mul3A_360, %add3A_353 : vector<16xf32>
    %add3A_362 = arith.addf %mul3A_357, %mul3A_361 : vector<16xf32>
    %mul3A_363 = arith.constant 0.899899899 : f32
    %mul3A_364 = vector.broadcast %mul3A_363 : f32 to vector<16xf32>
    %mul3A_365 = arith.mulf %mul3A_364, %gather3A_310 : vector<16xf32>
    %sub3A_366 = arith.subf %add3A_362, %mul3A_365 : vector<16xf32>
    %mul3A_367 = arith.constant 1.001001E-4 : f32
    %mul3A_368 = vector.broadcast %mul3A_367 : f32 to vector<16xf32>
    %mul3A_369 = arith.mulf %mul3A_368, %add3A_305 : vector<16xf32>
    %sub3A_370 = arith.subf %sub3A_366, %mul3A_369 : vector<16xf32>
    %add3A_371 = arith.addf %add3A_187, %sub3A_370 : vector<16xf32>
    %scan3A_372 = arith.constant 1 : i32
    %swap3A = arith.constant 0 : index
    %swap3A_373 = tpu.vector_load %arg10[%swap3A] {strides = array<i32>} : memref<16xf32, #tpu.memory_space<vmem>>, vector<16xf32>,
    tpu.vector_store %arg10[%swap3A], %add3A_371 {strides = array<i32>} : memref<16xf32, #tpu.memory_space<vmem>>, vector<16xf32>,
    "tpu.region"() ({
      %run_scoped3A = tpu.sem_alloc : memref<!tpu.dma_semaphore, #tpu.memory_space<semaphore_mem>>
      %dma_start3A_374 = arith.constant 0 : i32
      %dma_start3A_375 = tpu.memref_slice %arg4[%add3A, %dma_start3A_374] : memref<32x16xf32, #tpu.memory_space<hbm>> -> memref<1x16xf32, #tpu.memory_space<hbm>>
      %dma_start3A_376 = tpu.memref_squeeze %dma_start3A_375 : memref<1x16xf32, #tpu.memory_space<hbm>> -> memref<16xf32, #tpu.memory_space<hbm>>
      %dma_start3A_377 = arith.constant 0 : i32
      %dma_start3A_378 = tpu.memref_slice %arg4[%add3A, %dma_start3A_377] : memref<32x16xf32, #tpu.memory_space<hbm>> -> memref<1x16xf32, #tpu.memory_space<hbm>>
      %dma_start3A_379 = tpu.memref_squeeze %dma_start3A_378 : memref<1x16xf32, #tpu.memory_space<hbm>> -> memref<16xf32, #tpu.memory_space<hbm>>
      tpu.enqueue_dma source(%arg10 : memref<16xf32, #tpu.memory_space<vmem>>) target(%dma_start3A_379 : memref<16xf32, #tpu.memory_space<hbm>>) target_semaphore(%run_scoped3A : memref<!tpu.dma_semaphore, #tpu.memory_space<semaphore_mem>>)
      %dma_wait3A_380 = arith.constant 0 : i32
      %dma_wait3A_381 = tpu.memref_slice %arg4[%add3A, %dma_wait3A_380] : memref<32x16xf32, #tpu.memory_space<hbm>> -> memref<1x16xf32, #tpu.memory_space<hbm>>
      %dma_wait3A_382 = tpu.memref_squeeze %dma_wait3A_381 : memref<1x16xf32, #tpu.memory_space<hbm>> -> memref<16xf32, #tpu.memory_space<hbm>>
      %dma_wait3A_383 = arith.constant 0 : i32
      %dma_wait3A_384 = tpu.memref_slice %arg4[%add3A, %dma_wait3A_383] : memref<32x16xf32, #tpu.memory_space<hbm>> -> memref<1x16xf32, #tpu.memory_space<hbm>>
      %dma_wait3A_385 = tpu.memref_squeeze %dma_wait3A_384 : memref<1x16xf32, #tpu.memory_space<hbm>> -> memref<16xf32, #tpu.memory_space<hbm>>
      tpu.wait_dma2 semaphore(%run_scoped3A : memref<!tpu.dma_semaphore, #tpu.memory_space<semaphore_mem>>) src(%arg10 : memref<16xf32, #tpu.memory_space<vmem>>) dst(%dma_wait3A_385 : memref<16xf32, #tpu.memory_space<hbm>>)
      tpu.yield
    }) : () -> ()
    return
  }
}

module attributes {stable_mosaic.version = 14 : i64} {
  func.func @_tc_body(%arg0: i32, %arg1: memref<512x1000xf32, #tpu.memory_space<vmem>>, %arg2: memref<512x1xi32, #tpu.memory_space<vmem>>, %arg3: memref<1x1x1xf32, #tpu.memory_space<vmem>>) attributes {dimension_semantics = [#tpu.dimension_semantics<parallel>], iteration_bounds = array<i64: 30>, scalar_prefetch = 0 : i64, scratch_operands = 0 : i64, tpu.core_type = #tpu.core_type<tc>, window_params = [{transform_indices = @transform_0, window_bounds = array<i64: 512, 1000>}, {transform_indices = @transform_1, window_bounds = array<i64: 512, 1>}, {transform_indices = @transform_2, window_bounds = array<i64: 1, 1, 1>}]} {
    %get3A = arith.constant 0 : index
    %get3A_0 = arith.constant 0 : index
    %get3A_1 = vector.load %arg1[%get3A, %get3A_0] : memref<512x1000xf32, #tpu.memory_space<vmem>>, vector<512x1000xf32>
    %get3A_2 = arith.constant 0 : index
    %get3A_3 = arith.constant 0 : index
    %get3A_4 = vector.load %arg2[%get3A_2, %get3A_3] : memref<512x1xi32, #tpu.memory_space<vmem>>, vector<512x1xi32>
    %reduce_max3A = arith.constant dense<0xFF800000> : vector<512xf32>
    %reduce_max3A_5 = vector.multi_reduction <maximumf>, %get3A_1, %reduce_max3A [1] : vector<512x1000xf32> to vector<512xf32>
    %broadcast_in_dim3A = vector.shape_cast %reduce_max3A_5 : vector<512xf32> to vector<512x1xf32>
    %sub3A = vector.broadcast %broadcast_in_dim3A : vector<512x1xf32> to vector<512x1000xf32>
    %sub3A_6 = arith.subf %get3A_1, %sub3A : vector<512x1000xf32>
    %exp3A = math.exp %sub3A_6 : vector<512x1000xf32>
    %reduce_sum3A = arith.constant dense<0.000000e+00> : vector<512xf32>
    %reduce_sum3A_7 = vector.multi_reduction <add>, %exp3A, %reduce_sum3A [1] : vector<512x1000xf32> to vector<512xf32>
    %broadcast_in_dim3A_8 = vector.shape_cast %reduce_sum3A_7 : vector<512xf32> to vector<512x1xf32>
    %log3A = math.log %broadcast_in_dim3A_8 : vector<512x1xf32>
    %add3A = arith.addf %broadcast_in_dim3A, %log3A : vector<512x1xf32>
    %reduce_sum3A_9 = arith.constant dense<0.000000e+00> : vector<512xf32>
    %reduce_sum3A_10 = vector.multi_reduction <add>, %get3A_1, %reduce_sum3A_9 [1] : vector<512x1000xf32> to vector<512xf32>
    %broadcast_in_dim3A_11 = vector.shape_cast %reduce_sum3A_10 : vector<512xf32> to vector<512x1xf32>
    %iota3A = tpu.iota {dimensions = array<i32: 1>} : vector<512x1000xi32>
    %eq3A = vector.broadcast %get3A_4 : vector<512x1xi32> to vector<512x1000xi32>
    %eq3A_12 = arith.cmpi eq, %iota3A, %eq3A : vector<512x1000xi32>
    %jit3A = arith.constant 0.000000e+00 : f32
    %broadcast_in_dim3A_13 = vector.broadcast %jit3A : f32 to vector<512x1000xf32>
    %select_n3A = arith.select %eq3A_12, %get3A_1, %broadcast_in_dim3A_13 : vector<512x1000xi1>, vector<512x1000xf32>
    %reduce_sum3A_14 = arith.constant dense<0.000000e+00> : vector<512xf32>
    %reduce_sum3A_15 = vector.multi_reduction <add>, %select_n3A, %reduce_sum3A_14 [1] : vector<512x1000xf32> to vector<512xf32>
    %broadcast_in_dim3A_16 = vector.shape_cast %reduce_sum3A_15 : vector<512xf32> to vector<512x1xf32>
    %mul3A = arith.constant 0.899899899 : f32
    %mul3A_17 = vector.broadcast %mul3A : f32 to vector<512x1xf32>
    %mul3A_18 = arith.mulf %mul3A_17, %broadcast_in_dim3A_16 : vector<512x1xf32>
    %sub3A_19 = arith.subf %add3A, %mul3A_18 : vector<512x1xf32>
    %mul3A_20 = arith.constant 1.001001E-4 : f32
    %mul3A_21 = vector.broadcast %mul3A_20 : f32 to vector<512x1xf32>
    %mul3A_22 = arith.mulf %mul3A_21, %broadcast_in_dim3A_11 : vector<512x1xf32>
    %sub3A_23 = arith.subf %sub3A_19, %mul3A_22 : vector<512x1xf32>
    %reduce_sum3A_24 = arith.constant dense<0.000000e+00> : vector<1xf32>
    %reduce_sum3A_25 = vector.multi_reduction <add>, %sub3A_23, %reduce_sum3A_24 [0] : vector<512x1xf32> to vector<1xf32>
    %broadcast_in_dim3A_26 = vector.shape_cast %reduce_sum3A_25 : vector<1xf32> to vector<1x1xf32>
    %swap3A = arith.constant 0 : index
    %swap3A_27 = arith.constant 0 : index
    %swap3A_28 = arith.constant 0 : index
    %swap3A_29 = vector.load %arg3[%swap3A, %swap3A_27, %swap3A_28] : memref<1x1x1xf32, #tpu.memory_space<vmem>>, vector<1x1x1xf32>
    %swap3A_30 = vector.shape_cast %swap3A_29 : vector<1x1x1xf32> to vector<1x1xf32>
    %swap3A_31 = vector.shape_cast %broadcast_in_dim3A_26 : vector<1x1xf32> to vector<1x1x1xf32>
    tpu.vector_store %arg3[%swap3A, %swap3A_27, %swap3A_28], %swap3A_31 {strides = array<i32>} : memref<1x1x1xf32, #tpu.memory_space<vmem>>, vector<1x1x1xf32>,
    return
  }
  func.func @transform_0(%arg0: i32) -> (i32, i32) {
    %c0_i32 = arith.constant 0 : i32
    %c0_i32_0 = arith.constant 0 : i32
    return %arg0, %c0_i32 : i32, i32
  }
  func.func @transform_1(%arg0: i32) -> (i32, i32) {
    %c0_i32 = arith.constant 0 : i32
    %c0_i32_0 = arith.constant 0 : i32
    return %arg0, %c0_i32 : i32, i32
  }
  func.func @transform_2(%arg0: i32) -> (i32, i32, i32) {
    %c0_i32 = arith.constant 0 : i32
    %c0_i32_0 = arith.constant 0 : i32
    %c0_i32_1 = arith.constant 0 : i32
    return %arg0, %c0_i32, %c0_i32_0 : i32, i32, i32
  }
}

</mosaic_0001>

<sc_bundles>
// kernel: _loss.4.cloned.1.call-start
scs
__scs_entry_jumppad:
0x0: {  	(pc) =	sbr.rel $0x88, $3  }
0x1: {  	(tag) =	ssettag $0x0;
	lr =	simm.s32 $0x1  }
0x2: {  	[smem:$0x3F9F] =	sst lr;
	_ =	strace $0xD0000000  }
0x3: {  	_ = 	snop  }
0x4: {  	_ = 	snop  }
0x5: {  	_ = 	snop  }
0x6: {  	_ = 	snop  }
0x7: {  	_ = 	snop  }
__scs_overlays_trampoline_lowered:
0x8: {  	[smem:$0x3FAE] =	sst s0  }
0x9: {  	[smem:$0x3FAF] =	sst s1  }
0xa: {  	[smem:$0x3FB0] =	sst s2  }
0xb: {  	[smem:$0x3FB1] =	sst s3  }
0xc: {  	[smem:$0x3FB2] =	sst s4  }
0xd: {  	[smem:$0x3FB3] =	sst s5  }
0xe: {  	[smem:$0x3FB4] =	sst s6  }
0xf: {  	[smem:$0x3FB5] =	sst s7  }
0x10: {  	[smem:$0x3FB6] =	sst s8  }
0x11: {  	[smem:$0x3FB7] =	sst s9;
	s0 =	simm.s32 @!p0 $0x0  }
0x12: {  	s1 =	sld [smem:$0x3F9D];
	s0 =	simm.s32 @p0 $0x1  }
0x13: {  	[smem:$0x3FB8] =	sst s0;
	s0 =	simm.s32 @!p1 $0x0  }
0x14: {  	s2 =	sld [smem:$0x3F9C];
	s0 =	simm.s32 @p1 $0x1  }
0x15: {  	[smem:$0x3FB9] =	sst s0;
	s0 =	simm.s32 @!p2 $0x0  }
0x16: {  	s3 =	sld [smem:$0x3FDB];
	s0 =	simm.s32 @p2 $0x1  }
0x17: {  	s4 =	simm.s32 $0x1BF5;
	[smem:$0x3FBB] =	sst s0  }
0x18: {  	s0 =	sld [smem:$0x3F9E];
	_ =	swait.ge [sflag:s4], $0x0  }
0x19: {  	s7 =	sld [smem:$0x3F9F]  }
0x1a: {  	s8 =	sadd.s32 $0xFFFFE003, lr  }
0x1b: {  	s9 =	sadd.s32 $0xFFFFFEF7, lr;
	s5 =	simm.s32 $0xFFFFFFFF;
	p2 =	slt.u32 s8, $0xFFFFF086  }
0x1c: {  	p1 =	slt.u32 s9, $0xF7A;
	s5 =	simm.s32 @!p2 $0x0  }
0x1d: {  	s5 =	simm.s32 @p1 $0x1;
	p0 =	seq.s32 s7, s2  }
0x1e: {  	s7 =	smul.u32 @!p0 $0xF7A, s2;
	p2 =	seq.s32 @!p0 s5, $0x0  }
0x1f: {  	s9 =	smul.u32 $0xF7A, s1;
	s8 =	simm.s32 @!p0 $0x1BF5;
	p2 =	por !p2, p0  }
0x20: {  	[sflag:s8] =	ssyncset.s32 @!p0 $0xFFFFF086;
	s6 =	sadd.s32 @!p0 s3, s7;
	s7 =	simm.s32 @!p0 $0x108  }
0x21: {  	s3 =	sadd.s32 s3, s9;
	s6 =	sadd.s32 @!p0 $0x88, s6;
	s7 =	simm.s32 @p2 $0x1082  }
0x22: {  	[simem:s7], [sflag:s8] =	dma.local @!p0 [hbm:s6], $0xF7A  }
0x23: {  	s9 =	sor.u32 $0xD0000000, s2;
	s6 =	simm.s32 $0x108;
	_ =	swait.ge @!p0 [sflag:s8], $0x0  }
0x24: {  	s3 =	sadd.s32 $0x88, s3;
	s6 =	simm.s32 @!p1 $0x1082;
	[sflag:s4] =	ssyncset.s32 $0xFFFFF086  }
0x25: {  	[simem:s6], [sflag:s4] =	dma.local [hbm:s3], $0xF7A  }
0x26: {  	[smem:$0x3F9F] =	sst s1;
	(tag) =	ssettag s2;
	_ =	strace s9  }
0x27: {  	s1 =	sld [smem:$0x3FAF]  }
0x28: {  	s2 =	sld [smem:$0x3FB0]  }
0x29: {  	s4 =	sld [smem:$0x3FB2]  }
0x2a: {  	p0 =	seq.s32 s5, $0x0;
	s5 =	sld [smem:$0x3FB3]  }
0x2b: {  	s6 =	sld [smem:$0x3FB4]  }
0x2c: {  	s7 =	sld [smem:$0x3FB5]  }
0x2d: {  	s3 =	simm.s32 $0x108;
	s8 =	sld [smem:$0x3FB6]  }
0x2e: {  	s3 =	simm.s32 @!p0 $0x1082;
	s9 =	sld [smem:$0x3FB7]  }
0x2f: {  	lr =	sadd.s32 s0, s3;
	s0 =	sld [smem:$0x3FAE]  }
0x30: {  	s3 =	sld [smem:$0x3FB1]  }
0x31: {  	[smem:$0x3FBA] =	sst s10  }
0x32: {  	s10 =	sld [smem:$0x3FB8];
	_ =	sdelay $0x3  }
0x33: {  	p0 =	seq.s32 s10, $0x1;
	s10 =	sld [smem:$0x3FBA];
	_ =	sdelay $0x3  }
0x34: {  	[smem:$0x3FBA] =	sst s10  }
0x35: {  	s10 =	sld [smem:$0x3FB9];
	_ =	sdelay $0x3  }
0x36: {  	p1 =	seq.s32 s10, $0x1;
	s10 =	sld [smem:$0x3FBA];
	_ =	sdelay $0x3  }
0x37: {  	[smem:$0x3FBA] =	sst s10  }
0x38: {  	s10 =	sld [smem:$0x3FBB]  }
0x39: {  	_ = 	snop;
	(pc) =	sbr.ind lr, $3  }
0x3a: {  	_ = 	snop  }
0x3b: {  	_ = 	snop  }
0x3c: {  	p2 =	seq.s32 s10, $0x1;
	s10 =	sld [smem:$0x3FBA]  }
0x3d: {  	_ =	shalt  }
0x3e: {  	_ =	shalt  }
0x3f: {  	_ =	shalt  }
0x40: {  	_ =	shalt  }
0x41: {  	_ =	shalt  }
0x42: {  	_ =	shalt  }
0x43: {  	_ =	shalt  }
0x44: {  	_ =	shalt  }
0x45: {  	_ =	shalt  }
0x46: {  	_ =	shalt  }
0x47: {  	_ =	shalt  }
0x48: {  	_ =	shalt  }
0x49: {  	_ =	shalt  }
0x4a: {  	_ =	shalt  }
0x4b: {  	_ =	shalt  }
0x4c: {  	_ =	shalt  }
0x4d: {  	_ =	shalt  }
0x4e: {  	_ =	shalt  }
0x4f: {  	_ =	shalt  }
0x50: {  	_ =	shalt  }
0x51: {  	_ =	shalt  }
0x52: {  	_ =	shalt  }
0x53: {  	_ =	shalt  }
0x54: {  	_ =	shalt  }
0x55: {  	_ =	shalt  }
0x56: {  	_ =	shalt  }
0x57: {  	_ =	shalt  }
0x58: {  	_ =	shalt  }
0x59: {  	_ =	shalt  }
0x5a: {  	_ =	shalt  }
0x5b: {  	_ =	shalt  }
0x5c: {  	_ =	shalt  }
0x5d: {  	_ =	shalt  }
0x5e: {  	_ =	shalt  }
0x5f: {  	_ =	shalt  }
0x60: {  	_ =	shalt  }
0x61: {  	_ =	shalt  }
0x62: {  	_ =	shalt  }
0x63: {  	_ =	shalt  }
0x64: {  	_ =	shalt  }
0x65: {  	_ =	shalt  }
0x66: {  	_ =	shalt  }
0x67: {  	_ =	shalt  }
0x68: {  	_ =	shalt  }
0x69: {  	_ =	shalt  }
0x6a: {  	_ =	shalt  }
0x6b: {  	_ =	shalt  }
0x6c: {  	_ =	shalt  }
0x6d: {  	_ =	shalt  }
0x6e: {  	_ =	shalt  }
0x6f: {  	_ =	shalt  }
0x70: {  	_ =	shalt  }
0x71: {  	_ =	shalt  }
0x72: {  	_ =	shalt  }
0x73: {  	_ =	shalt  }
0x74: {  	_ =	shalt  }
0x75: {  	_ =	shalt  }
0x76: {  	_ =	shalt  }
0x77: {  	_ =	shalt  }
0x78: {  	_ =	shalt  }
0x79: {  	_ =	shalt  }
0x7a: {  	_ =	shalt  }
0x7b: {  	_ =	shalt  }
0x7c: {  	_ =	shalt  }
0x7d: {  	_ =	shalt  }
0x7e: {  	_ =	shalt  }
0x7f: {  	_ =	shalt  }
0x80: {  	_ =	shalt  }
0x81: {  	_ =	shalt  }
0x82: {  	_ =	shalt  }
0x83: {  	_ =	shalt  }
0x84: {  	_ =	shalt  }
0x85: {  	_ =	shalt  }
0x86: {  	_ =	shalt  }
0x87: {  	_ =	shalt  }
.Lfunc_end0:
.L_simem_size_0:
called_computation_lowered:
.L_overlay_start_0:
0x88: {  	s2 =	sld [smem:$0x3FD9]  }
0x89: {  	s3 =	sld [smem:$0x3FFE];
	_ =	sdelay $0x1  }
0x8a: {  	s1 =	srdreg.scid  }
0x8b: {  	s0 =	sand.u32 $0x1, s1  }
0x8c: {  	s17 =	sshll.u32 s0, $0xA;
	s2 =	sadd.s32 s3, s2  }
0x8d: {  	s2 =	sadd.s32 s2, s17  }
0x8e: {  	[smem:$0x3FC6] =	sst s2  }
0x8f: {  	_ = 	snop  }
0x90: {  	s2 =	sld [smem:$0x3FC8];
	(tm) =	ssettm $0x1  }
0x91: {  	s18 =	sld [smem:$0x3FFB];
	_ =	sdelay $0x3  }
0x92: {  	_ =	strace s18  }
0x93: {  	s3 =	sld [smem:$0x3FFC];
	_ =	sdelay $0x3  }
0x94: {  	_ =	strace s3  }
0x95: {  	s3 =	sld [smem:$0x3FFD];
	_ =	sdelay $0x3  }
0x96: {  	_ =	strace s3  }
0x97: {  	_ =	strace $0x8FFFFFFF  }
0x98: {  	s19 =	sld [smem:$0x3FDB];
	_ =	sdelay $0x1  }
0x99: {  	s4 =	simm.s32 $_scs_section_size  }
0x9a: {  	s5 =	simm.s32 $_size__tile_overlayer_lowered;
	s6 =	simm.s32 $_tile_overlayer_lowered  }
0x9b: {  	s22 =	simm.s32 $0x1BFF;
	s21 =	sshll.u32 s6, $0x1;
	s3 =	sadd.s32 s4, s19  }
0x9c: {  	s7 =	simm.s32 $0x0;
	s20 =	sshll.u32 s5, $0x1;
	s5 =	sadd.s32 s21, s3  }
0x9d: {  	[timem:s7], [sflag:s22] =	dma.local [hbm:s5], s20  }
0x9e: {  	_ =	swait.ge [sflag:s22], s20  }
0x9f: {  	s4 =	ssub.s32 $0x0, s20;
	[sflag:s22] =	ssyncset.done $0x0  }
0xa0: {  	[sflag:s22] =	ssyncadd.s32 s4;
	_ =	sdelay $0x1  }
0xa1: {  	s23 =	simm.s32 $0x1B8B  }
0xa2: {  	_ =	swait.ge [sflag:s23], $0x1  }
0xa3: {  	[sflag:s23] =	ssyncset.done $0x0  }
0xa4: {  	s25 =	simm.s32 $0x1B8E;
	s24 =	sld [smem:$0x3FFE];
	[sflag:s23] =	ssyncadd.s32 $0xFFFFFFFF  }
0xa5: {  	s26 =	simm.s32 $execute0_lowered;
	[smem:$0x3FD2] =	sst s25  }
0xa6: {  	s5 =	sshll.u32 s26, $0x1;
	_ =	strace $0x80000046;
	[dreg:$0x1] =	wrdreg $0xFFFFFFFF  }
0xa7: {  	s28 =	simm.s32 $_size_execute0_lowered;
	s3 =	sadd.s32 s3, s5;
	[dreg:$0x0] =	wrdreg $0x0  }
0xa8: {  	s5 =	sshll.u32 s28, $0x1;
	[dreg:$0x2] =	wrdreg s3  }
0xa9: {  	[dreg:$0x3] =	wrdreg s5  }
0xaa: {  	[dreg:$0x4] =	wrdreg $0xC0  }
0xab: {  	_ =	task [dreg:s7], $0x5FFFF  }
0xac: {  	[dreg:$0x1] =	wrdreg $0xFFFFFFFF  }
0xad: {  	[dreg:$0x0] =	wrdreg $0x60  }
0xae: {  	[dreg:$0x2] =	wrdreg s24  }
0xaf: {  	[dreg:$0x3] =	wrdreg s2  }
0xb0: {  	[dreg:$0x4] =	wrdreg $0x9  }
0xb1: {  	_ =	task.clear_ibuf [dreg:s7], $0x5FFFF;
	_ =	strace $0x90000046  }
0xb2: {  	s29 =	simm.s32 $0x9;
	_ =	strace $0x80000048  }
0xb3: {  	_ =	swait.ge [sflag:s29], $0x1  }
0xb4: {  	[sflag:s29] =	ssyncadd.s32 $0xFFFFFFFF  }
0xb5: {  	_ =	strace $0x90000048  }
0xb6: {  	_ =	sfence  }
0xb7: {  	s30 =	sld [smem:$0x0];
	_ =	sdelay $0x2  }
0xb8: {  	s31 =	sshll.u32 s1, $0xD;
	s1 =	sshrl.u32 s1, $0x2  }
0xb9: {  	s3 =	sand.u32 $0x4000, s31;
	s1 =	sadd.s32 s1, s30  }
0xba: {  	s0 =	sor.u32 s3, s0;
	s1 =	sshll.u32 s1, $0x11  }
0xbb: {  	s0 =	sor.u32 s1, s0  }
0xbc: {  	s0 =	sadd.s32 $0x8F2B, s0  }
0xbd: {  	[sflag:s0] =	ssyncadd.remote.s32 $0x1  }
0xbe: {  	_ =	sfence.sel $0xFFFF  }
0xbf: {  	[dreg:$0x0] =	wrdreg $0xFFFFFFFF;
	(pc) =	sbr.abs _section_cstart, $3  }
0xc0: {  	[dreg:$0x1] =	wrdreg $0xFFFFFFFF  }
0xc1: {  	_ =	task.clear_ibuf [dreg:s7], $0x2FFFF;
	_ =	strace $0x9FFFFFFF  }
0xc2: {  	(tm) =	ssettm $0x7FFFFFFF  }
0xc3: {  	_ =	shalt  }
tec
execute0_lowered:
.L_overlay_start_1:
0x0: {  	(tag) =	ssettag $0x1  }
0x1: {  	s3 =	rddreg [dreg:$0x0]  }
0x2: {  	s4 =	rddreg [dreg:$0x1]  }
0x3: {  	s0 =	rddreg [dreg:$0x2];
	s2 =	simm.s32 $0x0;
	s5 =	srdreg.scid  }
0x4: {  	s1 =	stileid.u32;
	s12 =	simm.s32 $0x7D00;
	s13 =	simm.s32 $0x7E00  }
0x5: {  	s14 =	simm.s32 $0x2;
	s15 =	simm.s32 $0x7F20;
	s16 =	simm.s32 $0x0  }
0x6: {  	[smem:$0x7FF] =	sst s2;
	s5 =	sand.u32 $0x1, s5;
	s6 =	sshll.u32 s1, $0x1  }
0x7: {  	s7 =	sadd.s32 $0x200000, s3;
	_ =	strace $0x80000047;
	s6 =	sor.u32 s5, s6  }
0x8: {  	s5 =	ssub.s32 $0x2, s5;
	s8 =	sshll.u32 s6, $0x1;
	s9 =	sshll.u32 s6, $0x5  }
0x9: {  	s6 =	smul.u32 $0x7D00, s6;
	s29 =	sshrl.u32 s5, $0x1;
	s9 =	sor.u32 $0x3C00, s9  }
0xa: {  	s8 =	sadd.s32 s8, s3;
	s11 =	ssub.s32 s5, s29;
	s10 =	smul.u32 $0x7D, s9  }
0xb: {  	s30 =	sshrl.u32 s9, $0x3;
	s31 =	sshrl.u32 s6, $0x3;
	s6 =	sadd.s32 $0x3F4000, s8  }
0xc: {  	s8 =	simm.s32 $0x7F00;
	s9 =	simm.s32 $0x3;
	s5 =	sadd.s32 s7, s31  }
0xd: {  	s3 =	sadd.s32 s4, s30;
	s4 =	sadd.s32 s7, s10;
	s5 =	sadd.s32 $0x1D53D0, s5  }
0xe: {  	vm0 =	vmmov $0xff;
	s7 =	smax.u32 s11, $0x1;
	s10 =	simm.s32 $0x3E80;
	s11 =	simm.s32 $0x1  }
.LBB2_1:
0xf: {  	[tilespmem:s8], [sflag:$0x3] =	stream.linear.gather [hbm4b:s3+s2], $0x20, $0x38;
	[tilespmem:$0x7F30] =	vst v63  }
0x10: {  	_ =	swait.ge [sflag:s9], $0x20  }
0x11: {  	[sflag:s9] =	ssyncset.done $0x0  }
0x12: {  	[sflag:s9] =	ssyncadd.s32 $0xFFFFFFE0  }
0x13: {  	[tilespmem:s2], [sflag:$0x1] =	stream.linear.gather [hbm4b:s4+s2], $0x3E80, $0x38;
	[tilespmem:$0x7F30] =	vst v63  }
0x14: {  	_ = 	snop  }
0x15: {  	[tilespmem:s10], [sflag:$0x2] =	stream.linear.gather [hbm4b:s5+s2], $0x3E80, $0x38;
	[tilespmem:$0x7F30] =	vst v63  }
0x16: {  	_ =	swait.ge [sflag:s11], $0x3E80  }
0x17: {  	[sflag:s11] =	ssyncset.done $0x0  }
0x18: {  	s17 =	simm.s32 $0x1F0;
	[sflag:s11] =	ssyncadd.s32 $0xFFFFC180  }
0x19: {  	v55 =	vld [tilespmem:s17+$0xFFFFFE10]  }
0x1a: {  	v23 =	vld [tilespmem:s17+$0xFFFFFE30]  }
0x1b: {  	v22 =	vld [tilespmem:s17+$0x70]  }
0x1c: {  	v24 =	vld [tilespmem:s17+$0x30]  }
0x1d: {  	v25 =	vld [tilespmem:s17+$0xFFFFFFF0]  }
0x1e: {  	v26 =	vld [tilespmem:s17+$0xFFFFFFB0]  }
0x1f: {  	v35 =	vld [tilespmem:s17+$0xFFFFFF70]  }
0x20: {  	v50 =	vld [tilespmem:s17+$0xFFFFFF30];
	v4 =	vmul.f32 $1.442695020e+00, v55;
	v13 =	vmul.f32 $1.442695020e+00, v22  }
0x21: {  	v44 =	vld [tilespmem:s17+$0xFFFFFEF0];
	v2 =	vmul.f32 $1.442695020e+00, v23;
	v15 =	vmul.f32 $1.442695020e+00, v24  }
0x22: {  	v48 =	vld [tilespmem:s17+$0xFFFFFEB0];
	v17 =	vmul.f32 $1.442695020e+00, v25;
	(erf) = vpow2.f32 v13  }
0x23: {  	v63 =	vld [tilespmem:s17+$0xFFFFFE70];
	v13 =	vmul.f32 $1.442695020e+00, v26;
	(erf) = vpow2.f32 v15  }
0x24: {  	v0 =	vld [tilespmem:s17+$0xFFFFFE40];
	v18 =	vmul.f32 $1.442695020e+00, v35;
	(erf) = vpow2.f32 v17  }
0x25: {  	v1 =	vld [tilespmem:s17+$0xFFFFFE80];
	v17 =	vmul.f32 $1.442695020e+00, v50;
	(erf) = vpow2.f32 v13  }
0x26: {  	v13 =	vmul.f32 $1.442695020e+00, v44;
	(erf) = vpow2.f32 v18  }
0x27: {  	v57 =	vld [tilespmem:s17+$0xFFFFFE50];
	v21 =	vmul.f32 $1.442695020e+00, v48;
	(erf) = vpow2.f32 v17  }
0x28: {  	v3 =	vld [tilespmem:s17+$0xFFFFFEC0];
	v9 =	vmul.f32 $1.442695020e+00, v63;
	(erf) = vpow2.f32 v13  }
0x29: {  	v7 =	vmul.f32 $1.442695020e+00, v0;
	(erf) = vpow2.f32 v21  }
0x2a: {  	v16 =	vld [tilespmem:s17+$0xFFFFFF00];
	v10 =	vmul.f32 $1.442695020e+00, v1;
	(erf) = vpow2.f32 v9  }
0x2b: {  	v43 =	vld [tilespmem:s17+$0xFFFFFE90];
	(erf) = vpow2.f32 v2;
	v2 =	vpop (erf)  }
0x2c: {  	v5 =	vmul.f32 $1.442695020e+00, v57;
	[tilespmem:$0x1FED0] =	vst v2;
	(erf) = vpow2.f32 v7;
	v2 =	vpop (erf)  }
0x2d: {  	v14 =	vmul.f32 $1.442695020e+00, v3;
	(erf) = vpow2.f32 v4;
	v4 =	vpop (erf)  }
0x2e: {  	v34 =	vld [tilespmem:s17+$0xFFFFFED0];
	(erf) = vpow2.f32 v10;
	v10 =	vpop (erf)  }
0x2f: {  	v30 =	vld [tilespmem:s17+$0xFFFFFF10];
	v17 =	vmul.f32 $1.442695020e+00, v16;
	v42 =	vpop (erf)  }
0x30: {  	v6 =	vmul.f32 $1.442695020e+00, v43;
	v0 =	vadd.f32 $0.0e+00, v0;
	v15 =	vld [tilespmem:s17+$0xFFFFFF40];
	(erf) = vpow2.f32 v5;
	v5 =	vpop (erf)  }
0x31: {  	(erf) = vpow2.f32 v14;
	v14 =	vpop (erf)  }
0x32: {  	v0 =	vadd.f32 v1, v0;
	(erf) = vpow2.f32 v6;
	v1 =	vpop (erf)  }
0x33: {  	v8 =	vmul.f32 $1.442695020e+00, v34;
	(erf) = vpow2.f32 v17;
	v17 =	vpop (erf)  }
0x34: {  	v11 =	vmul.f32 $1.442695020e+00, v30;
	v0 =	vadd.f32 v3, v0;
	v3 =	vpop (erf)  }
0x35: {  	v19 =	vld [tilespmem:s17+$0xFFFFFF80];
	v41 =	vmul.f32 $1.442695020e+00, v15;
	v3 =	vadd.f32 $0.0e+00, v3  }
0x36: {  	v20 =	vld [tilespmem:s17+$0xFFFFFFC0];
	(erf) = vpow2.f32 v8  }
0x37: {  	v29 =	vld [tilespmem:s17+$0xFFFFFF50];
	(erf) = vpow2.f32 v41;
	v8 =	vpop (erf);
	v3 =	vadd.f32 v17, v3  }
0x38: {  	v38 =	vld [tilespmem:s17+$0x0];
	v0 =	vadd.f32 v16, v0;
	(erf) = vpow2.f32 v11;
	v8 =	vadd.f32 $0.0e+00, v8;
	v11 =	vpop (erf)  }
0x39: {  	v54 =	vld [tilespmem:s17+$0xFFFFFF90];
	v17 =	vpop (erf)  }
0x3a: {  	v33 =	vld [tilespmem:s17+$0x40];
	v0 =	vadd.f32 v15, v0;
	v8 =	vadd.f32 v17, v8;
	v15 =	vpop (erf)  }
0x3b: {  	v12 =	vld [tilespmem:s17+$0xFFFFFFD0];
	v27 =	vmul.f32 $1.442695020e+00, v20;
	v21 =	vmul.f32 $1.442695020e+00, v19;
	v1 =	vadd.f32 v1, v3;
	v3 =	vpop (erf)  }
0x3c: {  	v18 =	vmul.f32 $1.442695020e+00, v29;
	v11 =	vadd.f32 $0.0e+00, v11;
	v3 =	vadd.f32 v3, v8;
	v8 =	vld [tilespmem:s17+$0x160]  }
0x3d: {  	v40 =	vmul.f32 $1.442695020e+00, v38;
	(erf) = vpow2.f32 v21  }
0x3e: {  	v13 =	vmul.f32 $1.442695020e+00, v54;
	(erf) = vpow2.f32 v18;
	v11 =	vadd.f32 v15, v11  }
0x3f: {  	v36 =	vld [tilespmem:s17+$0xFFFFFEA0];
	v6 =	vmul.f32 $1.442695020e+00, v33;
	(erf) = vpow2.f32 v27  }
0x40: {  	v9 =	vmul.f32 $1.442695020e+00, v12;
	(erf) = vpow2.f32 v13  }
0x41: {  	v37 =	vld [tilespmem:s17+$0x10];
	v0 =	vadd.f32 v19, v0;
	(erf) = vpow2.f32 v40;
	v19 =	vmov v8;
	v8 =	vpop (erf)  }
0x42: {  	v28 =	vld [tilespmem:s17+$0x20];
	(erf) = vpow2.f32 v9;
	v8 =	vadd.f32 v8, v11;
	v11 =	vpop (erf)  }
0x43: {  	v21 =	vld [tilespmem:s17+$0x120];
	(erf) = vpow2.f32 v6;
	v6 =	vpop (erf)  }
0x44: {  	[tilespmem:$0x1FEE0] =	vst v36;
	v36 =	vld [tilespmem:s17+$0xF0];
	v1 =	vadd.f32 v14, v1;
	v6 =	vadd.f32 v6, v8  }
0x45: {  	v45 =	vld [tilespmem:s17+$0xC0];
	v3 =	vadd.f32 v11, v3  }
0x46: {  	v51 =	vld [tilespmem:s17+$0x50];
	v7 =	vmul.f32 $1.442695020e+00, v37;
	v1 =	vadd.f32 v5, v1;
	v5 =	vpop (erf)  }
0x47: {  	v31 =	vld [tilespmem:s17+$0x60];
	v0 =	vadd.f32 v20, v0;
	v3 =	vadd.f32 v5, v3;
	v5 =	vpop (erf)  }
0x48: {  	v32 =	vld [tilespmem:s17+$0x90];
	v18 =	vmov v21;
	(erf) = vpow2.f32 v7;
	v5 =	vadd.f32 v5, v6;
	v6 =	vpop (erf)  }
0x49: {  	v47 =	vld [tilespmem:s17+$0x80];
	v7 =	vmul.f32 $1.442695020e+00, v18;
	v3 =	vadd.f32 v6, v3;
	v6 =	vmul.f32 $1.442695020e+00, v36  }
0x4a: {  	v9 =	vmul.f32 $1.442695020e+00, v45;
	v8 =	vld [tilespmem:s17+$0x1A0]  }
0x4b: {  	v0 =	vadd.f32 v38, v0;
	[tilespmem:$0x1FF40] =	vst v7;
	v7 =	vld [tilespmem:s17+$0x1E8]  }
0x4c: {  	v61 =	vld [tilespmem:s17+$0xE0];
	v1 =	vadd.f32 v42, v1;
	[tilespmem:$0x1FF30] =	vst v9  }
0x4d: {  	v0 =	vadd.f32 v33, v0;
	v9 =	vld [tilespmem:s17+$0x1D0];
	[tilespmem:$0x1FF50] =	vst v6;
	v6 =	vpop (erf)  }
0x4e: {  	v52 =	vld [tilespmem:s17+$0xA0];
	v1 =	vadd.f32 v10, v1;
	v5 =	vadd.f32 v6, v5;
	v6 =	vpop (erf)  }
0x4f: {  	v59 =	vld [tilespmem:s17+$0xD0];
	v16 =	vmul.f32 $1.442695020e+00, v47;
	v42 =	vmov v8;
	v3 =	vadd.f32 v6, v3  }
0x50: {  	v27 =	vld [tilespmem:s17+$0x190];
	v6 =	vadd.f32 v47, v0;
	v47 =	vmovc v7;
	v7 =	vadd.f32 v4, v1;
	v1 =	vmul.f32 $1.442695020e+00, v42  }
0x51: {  	v56 =	vld [tilespmem:s17+$0x110];
	v21 =	vmul.f32 $1.442695020e+00, v61  }
0x52: {  	v62 =	vld [tilespmem:s17+$0x150];
	[tilespmem:$0x1FF90] =	vst v1;
	v1 =	vmul.f32 $1.442695020e+00, v9  }
0x53: {  	v53 =	vmul.f32 $1.442695020e+00, v52;
	[tilespmem:$0x1FF10] =	vst v21;
	v21 =	vld [tilespmem:s17+$0x100]  }
0x54: {  	v0 =	vpop (erf);
	[tilespmem:$0x1FFB0] =	vst v1;
	v1 =	vld [tilespmem:s17+$0xFFFFFF60]  }
0x55: {  	[tilespmem:$0x1FF00] =	vst v53;
	v53 =	vld [tilespmem:s17+$0xB0];
	v5 =	vadd.f32 v0, v5;
	v0 =	vmul.f32 $1.442695020e+00, v27  }
0x56: {  	v17 =	vmov v56;
	v56 =	vld [tilespmem:s17+$0x140]  }
0x57: {  	v60 =	vmul.f32 $1.442695020e+00, v28;
	[tilespmem:$0x1FF70] =	vst v0;
	v0 =	vld [tilespmem:s17+$0xFFFFFEE0]  }
0x58: {  	v39 =	vmul.f32 $1.442695020e+00, v51;
	[tilespmem:$0x1FEF0] =	vst v32;
	v13 =	vmul.f32 $1.442695020e+00, v17;
	v40 =	vld [tilespmem:s17+$0x130]  }
0x59: {  	v10 =	vmul.f32 $1.442695020e+00, v21;
	v8 =	vld [tilespmem:s17+$0x1E0];
	[tilespmem:$0x1FFC0] =	vst v1;
	v1 =	vmul.f32 $1.442695020e+00, v47  }
0x5a: {  	v58 =	vmul.f32 $1.442695020e+00, v31;
	v46 =	vmul.f32 $1.442695020e+00, v32;
	v33 =	vld [tilespmem:s17+$0x180];
	[tilespmem:$0x1FF20] =	vst v13  }
0x5b: {  	v32 =	vmul.f32 $1.442695020e+00, v59;
	v49 =	vmul.f32 $1.442695020e+00, v62;
	[tilespmem:$0x1FF60] =	vst v10;
	v10 =	vld [tilespmem:s17+$0x1B0]  }
0x5c: {  	v13 =	vmul.f32 $1.442695020e+00, v53;
	(erf) = vpow2.f32 v16;
	v16 =	vmov v62;
	v62 =	vld [tilespmem:s17+$0x170];
	[tilespmem:$0x1FF80] =	vst v0;
	v0 =	vpop (erf)  }
0x5d: {  	v41 =	vmul.f32 $1.442695020e+00, v56;
	(erf) = vpow2.f32 v39;
	v39 =	vld [tilespmem:s17+$0x1C0];
	[tilespmem:$0x1FFD0] =	vst v1;
	v1 =	vpop (erf)  }
0x5e: {  	v20 =	vmul.f32 $1.442695020e+00, v40;
	v4 =	vadd.f32 v1, v5;
	v5 =	vmul.f32 $1.442695020e+00, v8  }
0x5f: {  	v38 =	vmul.f32 $1.442695020e+00, v19;
	(erf) = vpow2.f32 v13  }
0x60: {  	v15 =	vld [tilespmem:s17+$0xFFFFFFE0];
	[tilespmem:$0x1FFA0] =	vst v9;
	v14 =	vmul.f32 $1.442695020e+00, v10;
	(erf) = vpow2.f32 v46;
	v2 =	vadd.f32 v2, v7  }
0x61: {  	v11 =	vld [tilespmem:s17+$0xFFFFFF20];
	[tilespmem:$0x1FFF0] =	vst v10;
	v46 =	vmul.f32 $1.442695020e+00, v62;
	v0 =	vadd.f32 v0, v3;
	v3 =	vadd.f32 v45, v6  }
0x62: {  	s19 =	simm.s32 $0x40;
	s18 =	simm.s32 $0x0;
	v13 =	vld [tilespmem:s17+$0xFFFFFFA0];
	v45 =	vmov v8;
	v1 =	vmul.f32 $1.442695020e+00, v33;
	v8 =	vmul.f32 $1.442695020e+00, v39;
	[tilespmem:$0x1FFE0] =	vst v5;
	v5 =	vpop (erf)  }
.LBB2_2:
0x63: {  	v0 =	vadd.f32 v5, v0;
	v5 =	vpop (erf)  }
0x64: {  	v4 =	vadd.f32 v5, v4;
	v5 =	vld [tilespmem:$0x1FED0];
	_ =	sdelay $0x4  }
0x65: {  	v7 =	vadd.f32 v21, v3;
	v10 =	vadd.f32 v5, v2;
	v2 =	vpop (erf)  }
0x66: {  	v6 =	vld [tilespmem:s17+$0xFFFFFE20];
	v2 =	vadd.f32 v2, v0  }
0x67: {  	v0 =	vadd.f32 v56, v7;
	v3 =	vpop (erf);
	v7 =	vadd.f32 $0.0e+00, v55  }
0x68: {  	v4 =	vadd.f32 v3, v4;
	v3 =	vpop (erf)  }
0x69: {  	v5 =	vpop (erf);
	v7 =	vadd.f32 v57, v7  }
0x6a: {  	v9 =	vld [tilespmem:s17+$0xFFFFFE60];
	v0 =	vadd.f32 v33, v0;
	(erf) = vpow2.f32 v14;
	v5 =	vadd.f32 v5, v4  }
0x6b: {  	(erf) = vpow2.f32 v8;
	v4 =	vmul.f32 $1.442695020e+00, v6;
	v7 =	vadd.f32 v43, v7  }
0x6c: {  	v8 =	vadd.f32 $0.0e+00, v6;
	v6 =	vadd.f32 v39, v0;
	(erf) = vpow2.f32 v46  }
0x6d: {  	v0 =	vadd.f32 $0.0e+00, v23;
	(erf) = vpow2.f32 v4;
	v4 =	vadd.f32 v34, v7;
	v7 =	vld [tilespmem:$0x1FEE0]  }
0x6e: {  	v3 =	vadd.f32 v3, v10  }
0x6f: {  	v10 =	vmul.f32 $1.442695020e+00, v9;
	v8 =	vadd.f32 v9, v8;
	v9 =	vld [tilespmem:$0x1FF80];
	v0 =	vadd.f32 v63, v0;
	_ =	sdelay $0x1  }
0x70: {  	(erf) = vpow2.f32 v1;
	v0 =	vadd.f32 v48, v0  }
0x71: {  	(erf) = vpow2.f32 v10;
	v14 =	vmul.f32 $1.442695020e+00, v7  }
0x72: {  	(erf) = vpow2.f32 v20;
	v0 =	vadd.f32 v44, v0  }
0x73: {  	v7 =	vadd.f32 v7, v8;
	v8 =	vmul.f32 $1.442695020e+00, v9;
	(erf) = vpow2.f32 v14  }
0x74: {  	(erf) = vpow2.f32 v41  }
0x75: {  	v1 =	vpop (erf);
	(erf) = vpow2.f32 v8;
	v8 =	vadd.f32 v50, v0;
	v0 =	vld [tilespmem:$0x1FFC0]  }
0x76: {  	v21 =	vadd.f32 v30, v4;
	v7 =	vadd.f32 v9, v7;
	_ =	sdelay $0x1  }
0x77: {  	v9 =	vadd.f32 v29, v21;
	v7 =	vadd.f32 v11, v7;
	_ =	sdelay $0x1  }
0x78: {  	v4 =	vpop (erf);
	v9 =	vadd.f32 v54, v9;
	v7 =	vadd.f32 v0, v7  }
0x79: {  	v10 =	vmul.f32 $1.442695020e+00, v11;
	v23 =	vmul.f32 $1.442695020e+00, v0;
	v0 =	vpop (erf)  }
0x7a: {  	v9 =	vadd.f32 v12, v9;
	v12 =	vpop (erf);
	v7 =	vadd.f32 v13, v7  }
0x7b: {  	v12 =	vadd.f32 $0.0e+00, v12;
	v11 =	vpop (erf)  }
0x7c: {  	v21 =	vmul.f32 $1.442695020e+00, v15;
	(erf) = vpow2.f32 v38;
	v14 =	vpop (erf);
	v7 =	vadd.f32 v15, v7;
	v15 =	vld [tilespmem:$0x1FF50]  }
0x7d: {  	(erf) = vpow2.f32 v10;
	v12 =	vadd.f32 v14, v12;
	v10 =	vpop (erf)  }
0x7e: {  	v20 =	vmul.f32 $1.442695020e+00, v13;
	v14 =	vpop (erf)  }
0x7f: {  	(erf) = vpow2.f32 v23;
	v12 =	vadd.f32 v14, v12;
	v14 =	vld [tilespmem:$0x1FEF0]  }
0x80: {  	v9 =	vadd.f32 v37, v9;
	(erf) = vpow2.f32 v20  }
0x81: {  	(erf) = vpow2.f32 v15;
	v15 =	vld [tilespmem:$0x1FF60]  }
0x82: {  	v9 =	vadd.f32 v51, v9  }
0x83: {  	v13 =	vpop (erf)  }
0x84: {  	v9 =	vadd.f32 v14, v9;
	v14 =	vpop (erf)  }
0x85: {  	(erf) = vpow2.f32 v21;
	v12 =	vadd.f32 v14, v12;
	v14 =	vpop (erf)  }
0x86: {  	v8 =	vadd.f32 v35, v8;
	v20 =	vld [tilespmem:$0x1FF30];
	(erf) = vpow2.f32 v15;
	v15 =	vpop (erf)  }
0x87: {  	v12 =	vadd.f32 v15, v12  }
0x88: {  	v8 =	vadd.f32 v26, v8;
	v15 =	vpop (erf)  }
0x89: {  	v7 =	vadd.f32 v28, v7;
	v12 =	vadd.f32 v15, v12;
	v15 =	vld [tilespmem:$0x1FF00]  }
0x8a: {  	v8 =	vadd.f32 v25, v8;
	v9 =	vadd.f32 v59, v9;
	(erf) = vpow2.f32 v60  }
0x8b: {  	v7 =	vadd.f32 v31, v7;
	(erf) = vpow2.f32 v20  }
0x8c: {  	v8 =	vadd.f32 v24, v8;
	v9 =	vadd.f32 v17, v9;
	(erf) = vpow2.f32 v58  }
0x8d: {  	v7 =	vadd.f32 v52, v7;
	(erf) = vpow2.f32 v32  }
0x8e: {  	v8 =	vadd.f32 v22, v8;
	v9 =	vadd.f32 v16, v9;
	v16 =	vld [tilespmem:$0x1FF20];
	(erf) = vpow2.f32 v15;
	v15 =	vpop (erf)  }
0x8f: {  	v7 =	vadd.f32 v61, v7;
	v12 =	vadd.f32 v15, v12;
	v15 =	vld [tilespmem:$0x1FF10]  }
0x90: {  	v8 =	vadd.f32 v53, v8;
	v17 =	vld [tilespmem:$0x1FF40]  }
0x91: {  	v7 =	vadd.f32 v18, v7  }
0x92: {  	v8 =	vadd.f32 v36, v8  }
0x93: {  	v7 =	vadd.f32 v19, v7;
	v19 =	vld [tilespmem:$0x1FFF0];
	(erf) = vpow2.f32 v16  }
0x94: {  	v8 =	vadd.f32 v40, v8;
	(erf) = vpow2.f32 v15;
	v15 =	vpop (erf)  }
0x95: {  	v16 =	vpop (erf);
	(erf) = vpow2.f32 v17;
	v17 =	vld [tilespmem:$0x1FFA0]  }
0x96: {  	v8 =	vadd.f32 v62, v8;
	v18 =	vld [tilespmem:$0x1FF70];
	_ =	sdelay $0x1  }
0x97: {  	v9 =	vadd.f32 v27, v9;
	v21 =	vadd.f32 v19, v8;
	v19 =	vld [tilespmem:$0x1FF90]  }
0x98: {  	v12 =	vadd.f32 v16, v12;
	v16 =	vpop (erf)  }
0x99: {  	(erf) = vpow2.f32 v49;
	v9 =	vadd.f32 v17, v9;
	v17 =	vpop (erf)  }
0x9a: {  	(erf) = vpow2.f32 v18;
	v12 =	vadd.f32 v17, v12;
	v18 =	vpop (erf)  }
0x9b: {  	v17 =	vpop (erf)  }
0x9c: {  	(erf) = vpow2.f32 v19;
	v19 =	vld [tilespmem:$0x1FFB0];
	v12 =	vadd.f32 v17, v12;
	v17 =	vpop (erf)  }
0x9d: {  	v5 =	vadd.f32 v17, v5;
	v8 =	vpop (erf);
	v17 =	vld [tilespmem:$0x1FFD0]  }
0x9e: {  	v8 =	vadd.f32 v8, v12;
	v12 =	vld [tilespmem:$0x1FFE0]  }
0x9f: {  	v7 =	vadd.f32 v42, v7;
	_ =	sdelay $0x1  }
0xa0: {  	v7 =	vadd.f32 v45, v7;
	(erf) = vpow2.f32 v19  }
0xa1: {  	v20 =	vsel vm0, $0x0, v47;
	v2 =	vadd.f32 v18, v2;
	(erf) = vpow2.f32 v17  }
0xa2: {  	v6 =	vadd.f32 v6, v21;
	v20 =	vadd.f32 v20, v9;
	v9 =	vpop (erf);
	(erf) = vpow2.f32 v12  }
0xa3: {  	v2 =	vadd.f32 v16, v2;
	v5 =	vadd.f32 v9, v5;
	v9 =	vpop (erf)  }
0xa4: {  	v8 =	vadd.f32 v9, v8;
	v17 =	vadd.f32 v20, v7;
	v7 =	vpop (erf)  }
0xa5: {  	v3 =	vadd.f32 v15, v3;
	v2 =	vadd.f32 v13, v2;
	v9 =	vpop (erf)  }
0xa6: {  	v7 =	vadd.f32 v7, v8;
	v5 =	vadd.f32 v9, v5  }
0xa7: {  	v8 =	vadd.f32 v10, v3;
	v12 =	vadd.f32 v17, v6;
	v6 =	vpop (erf)  }
0xa8: {  	v7 =	vadd.f32 v14, v7;
	v9 =	vadd.f32 v6, v5;
	v6 =	vpop (erf)  }
0xa9: {  	v2 =	vadd.f32 v11, v2;
	v0 =	vadd.f32 v0, v8;
	v3 =	vpop (erf)  }
0xaa: {  	v6 =	vadd.f32 v6, v7;
	v3 =	vadd.f32 v3, v9;
	v5 =	vpop (erf)  }
0xab: {  	v0 =	vadd.f32 v1, v0;
	v1 =	vadd.f32 v4, v2;
	v2 =	vsel vm0, $0x0, v5;
	v4 =	vpop (erf)  }
0xac: {  	v4 =	vadd.f32 v4, v6;
	v2 =	vadd.f32 v2, v3;
	_ =	sdelay $0x1  }
0xad: {  	v0 =	vadd.f32 v1, v0;
	v2 =	vadd.f32 v2, v4;
	_ =	sdelay $0x1  }
0xae: {  	s20 =	sshra.s32 s18, $0x2;
	v0 =	vadd.f32 v2, v0  }
0xaf: {  	[tilespmem:s20+$0x7E00] =	vst v12  }
0xb0: {  	s17 =	sadd.s32 $0x3E8, s17;
	[tilespmem:s20+$0x7D00] =	vst v0  }
0xb1: {  	v0 =	vld [tilespmem:s17+$0xFFFFFEA0]  }
0xb2: {  	v9 =	vld [tilespmem:s17+$0xFFFFFE10]  }
0xb3: {  	v1 =	vld [tilespmem:s17+$0xFFFFFE50]  }
0xb4: {  	v2 =	vld [tilespmem:s17+$0xFFFFFE90]  }
0xb5: {  	v16 =	vld [tilespmem:s17+$0xFFFFFE30]  }
0xb6: {  	v39 =	vld [tilespmem:s17+$0xFFFFFE40]  }
0xb7: {  	[tilespmem:$0x1FEE0] =	vst v0;
	v0 =	vld [tilespmem:s17+$0xFFFFFEE0]  }
0xb8: {  	v63 =	vld [tilespmem:s17+$0xFFFFFE70]  }
0xb9: {  	v7 =	vld [tilespmem:s17+$0xFFFFFF10]  }
0xba: {  	v57 =	vld [tilespmem:s17+$0xFFFFFEF0]  }
0xbb: {  	v50 =	vld [tilespmem:s17+$0xFFFFFF30]  }
0xbc: {  	[tilespmem:$0x1FF80] =	vst v0;
	v0 =	vld [tilespmem:s17+$0xFFFFFF20]  }
0xbd: {  	v5 =	vld [tilespmem:s17+$0xFFFFFF70]  }
0xbe: {  	v37 =	vld [tilespmem:s17+$0xFFFFFFB0]  }
0xbf: {  	v34 =	vld [tilespmem:s17+$0x30]  }
0xc0: {  	v22 =	vld [tilespmem:s17+$0x70]  }
0xc1: {  	[tilespmem:$0x1FDC0] =	vst v0;
	v0 =	vld [tilespmem:s17+$0xFFFFFF60]  }
0xc2: {  	v35 =	vld [tilespmem:s17+$0xFFFFFFF0]  }
0xc3: {  	v53 =	vld [tilespmem:s17+$0xB0];
	v24 =	vmul.f32 $1.442695020e+00, v9;
	v46 =	vmul.f32 $1.442695020e+00, v1  }
0xc4: {  	v61 =	vld [tilespmem:s17+$0xE0];
	v58 =	vmul.f32 $1.442695020e+00, v2;
	v30 =	vmul.f32 $1.442695020e+00, v16  }
0xc5: {  	v15 =	vld [tilespmem:s17+$0xC0];
	v26 =	vmul.f32 $1.442695020e+00, v39;
	v21 =	vmul.f32 $1.442695020e+00, v22  }
0xc6: {  	v31 =	vmul.f32 $1.442695020e+00, v57;
	v20 =	vmul.f32 $1.442695020e+00, v34;
	[tilespmem:$0x1FFC0] =	vst v0;
	v0 =	vld [tilespmem:s17+$0xFFFFFFA0]  }
0xc7: {  	v18 =	vld [tilespmem:s17+$0x120];
	v47 =	vmul.f32 $1.442695020e+00, v35;
	(erf) = vpow2.f32 v21  }
0xc8: {  	v32 =	vld [tilespmem:s17+$0x150];
	[tilespmem:$0x1FE20] =	vst v1;
	(erf) = vpow2.f32 v20;
	v20 =	vmul.f32 $1.442695020e+00, v53  }
0xc9: {  	[tilespmem:$0x1FD70] =	vst v2;
	v2 =	vld [tilespmem:s17+$0xFFFFFEB0];
	v41 =	vmul.f32 $1.442695020e+00, v5;
	v45 =	vmul.f32 $1.442695020e+00, v37  }
0xca: {  	v27 =	vld [tilespmem:s17+$0x190];
	(erf) = vpow2.f32 v47;
	[tilespmem:$0x1FE40] =	vst v20;
	v20 =	vmul.f32 $1.442695020e+00, v15  }
0xcb: {  	v42 =	vmul.f32 $1.442695020e+00, v50;
	(erf) = vpow2.f32 v45;
	[tilespmem:$0x1FE90] =	vst v0;
	v0 =	vld [tilespmem:s17+$0xFFFFFFE0]  }
0xcc: {  	v1 =	vld [tilespmem:s17+$0xFFFFFE80];
	(erf) = vpow2.f32 v41;
	[tilespmem:$0x1FF30] =	vst v20;
	v20 =	vmul.f32 $1.442695020e+00, v18  }
0xcd: {  	v28 =	vmul.f32 $1.442695020e+00, v61;
	(erf) = vpow2.f32 v42;
	v42 =	vld [tilespmem:s17+$0x1A0]  }
0xce: {  	v8 =	vld [tilespmem:s17+$0xFFFFFEC0];
	v29 =	vmul.f32 $1.442695020e+00, v2;
	[tilespmem:$0x1FF40] =	vst v20;
	v20 =	vmul.f32 $1.442695020e+00, v32  }
0xcf: {  	v33 =	vmul.f32 $1.442695020e+00, v63;
	[tilespmem:$0x1FF10] =	vst v28;
	v47 =	vld [tilespmem:s17+$0x1E8];
	(erf) = vpow2.f32 v31  }
0xd0: {  	(erf) = vpow2.f32 v29;
	v29 =	vmul.f32 $1.442695020e+00, v27;
	[tilespmem:$0x1FEB0] =	vst v0;
	v0 =	vld [tilespmem:s17+$0xFFFFFED0]  }
0xd1: {  	v28 =	vld [tilespmem:s17+$0x1D0];
	v25 =	vmul.f32 $1.442695020e+00, v1;
	(erf) = vpow2.f32 v33;
	[tilespmem:$0x1FEC0] =	vst v20  }
0xd2: {  	v4 =	vld [tilespmem:s17+$0xFFFFFF00];
	[tilespmem:$0x1FF70] =	vst v29;
	(erf) = vpow2.f32 v30;
	v29 =	vmul.f32 $1.442695020e+00, v42;
	v20 =	vpop (erf)  }
0xd3: {  	v3 =	vld [tilespmem:s17+$0xFFFFFF40];
	v19 =	vmul.f32 $1.442695020e+00, v8;
	(erf) = vpow2.f32 v26;
	v31 =	vpop (erf)  }
0xd4: {  	v45 =	vld [tilespmem:s17+$0x1E0];
	(erf) = vpow2.f32 v24;
	[tilespmem:$0x1FF90] =	vst v29;
	v29 =	vmul.f32 $1.442695020e+00, v47;
	v24 =	vpop (erf)  }
0xd5: {  	(erf) = vpow2.f32 v25;
	v25 =	vpop (erf);
	[tilespmem:$0x1FEA0] =	vst v0;
	v14 =	vmul.f32 $1.442695020e+00, v0;
	v0 =	vld [tilespmem:s17+$0xFFFFFFD0]  }
0xd6: {  	v6 =	vld [tilespmem:s17+$0xFFFFFF80];
	[tilespmem:$0x1FFA0] =	vst v28;
	v28 =	vmul.f32 $1.442695020e+00, v28;
	(erf) = vpow2.f32 v46;
	v26 =	vpop (erf)  }
0xd7: {  	v48 =	vld [tilespmem:s17+$0x10];
	v54 =	vmul.f32 $1.442695020e+00, v4;
	[tilespmem:$0x1FE10] =	vst v2;
	(erf) = vpow2.f32 v19;
	v19 =	vpop (erf)  }
0xd8: {  	v2 =	vld [tilespmem:s17+$0xFFFFFF90];
	[tilespmem:$0x1FFB0] =	vst v28;
	v28 =	vadd.f32 $0.0e+00, v39;
	(erf) = vpow2.f32 v58;
	v58 =	vpop (erf)  }
0xd9: {  	v44 =	vld [tilespmem:s17+$0xFFFFFFC0];
	[tilespmem:$0x1FFD0] =	vst v29;
	v29 =	vpop (erf);
	(erf) = vpow2.f32 v54;
	v54 =	vmul.f32 $1.442695020e+00, v45  }
0xda: {  	v30 =	vld [tilespmem:s17+$0x1B0];
	v28 =	vadd.f32 v1, v28;
	[tilespmem:$0x1FE60] =	vst v0;
	v0 =	vmul.f32 $1.442695020e+00, v0  }
0xdb: {  	v43 =	vld [tilespmem:s17+$0x20];
	v12 =	vmul.f32 $1.442695020e+00, v7;
	[tilespmem:$0x1FE50] =	vst v5  }
0xdc: {  	v55 =	vmul.f32 $1.442695020e+00, v3;
	v28 =	vadd.f32 v8, v28;
	[tilespmem:$0x1FDB0] =	vst v0;
	v0 =	vmul.f32 $1.442695020e+00, v48  }
0xdd: {  	v51 =	vld [tilespmem:s17+$0x50];
	v17 =	vmul.f32 $1.442695020e+00, v6;
	v10 =	vmul.f32 $1.442695020e+00, v2;
	[tilespmem:$0x1FFE0] =	vst v54;
	v54 =	vpop (erf)  }
0xde: {  	v60 =	vld [tilespmem:s17+$0xFFFFFF50];
	v8 =	vpop (erf);
	(erf) = vpow2.f32 v14;
	[tilespmem:$0x1FDF0] =	vst v0;
	v0 =	vmul.f32 $1.442695020e+00, v44  }
0xdf: {  	v49 =	vld [tilespmem:s17+$0x60];
	[tilespmem:$0x1FFF0] =	vst v30;
	v14 =	vmul.f32 $1.442695020e+00, v30;
	v30 =	vpop (erf);
	(erf) = vpow2.f32 v55;
	v55 =	vadd.f32 $0.0e+00, v8  }
0xe0: {  	v5 =	vld [tilespmem:s17+$0x0];
	v4 =	vadd.f32 v4, v28;
	v28 =	vpop (erf);
	(erf) = vpow2.f32 v12;
	[tilespmem:$0x1FD60] =	vst v0;
	v0 =	vmul.f32 $1.442695020e+00, v43  }
0xe1: {  	[tilespmem:$0x1FD80] =	vst v10;
	(erf) = vpow2.f32 v17;
	v17 =	vadd.f32 $0.0e+00, v28;
	v28 =	vadd.f32 v54, v55;
	v54 =	vmovc v2;
	v2 =	vld [tilespmem:$0x1FD60]  }
0xe2: {  	v10 =	vmul.f32 $1.442695020e+00, v51;
	[tilespmem:$0x1FDE0] =	vst v0;
	v0 =	vld [tilespmem:s17+$0x90]  }
0xe3: {  	v52 =	vld [tilespmem:s17+$0xA0];
	v11 =	vmul.f32 $1.442695020e+00, v60;
	v12 =	vadd.f32 $0.0e+00, v30  }
0xe4: {  	[tilespmem:$0x1FE30] =	vst v10;
	v10 =	vld [tilespmem:s17+$0x40];
	v30 =	vpop (erf)  }
0xe5: {  	v23 =	vld [tilespmem:s17+$0x110];
	v13 =	vmul.f32 $1.442695020e+00, v5;
	(erf) = vpow2.f32 v11;
	v55 =	vmovc v9;
	v9 =	vadd.f32 v30, v12  }
0xe6: {  	v30 =	vmov v7;
	v7 =	vadd.f32 v3, v4;
	v4 =	vpop (erf);
	(erf) = vpow2.f32 v2;
	v2 =	vld [tilespmem:$0x1FD80]  }
0xe7: {  	[tilespmem:$0x1FEF0] =	vst v0;
	v0 =	vmul.f32 $1.442695020e+00, v0  }
0xe8: {  	v59 =	vld [tilespmem:s17+$0xD0];
	[tilespmem:$0x1FD90] =	vst v13;
	v13 =	vmul.f32 $1.442695020e+00, v49  }
0xe9: {  	[tilespmem:$0x1FE80] =	vst v0;
	v0 =	vmul.f32 $1.442695020e+00, v10  }
0xea: {  	v21 =	vmul.f32 $1.442695020e+00, v23;
	[tilespmem:$0x1FDA0] =	vst v13;
	v13 =	vld [tilespmem:s17+$0x80];
	v4 =	vadd.f32 v4, v17;
	v17 =	vmovc v23;
	v23 =	vmov v16  }
0xeb: {  	v16 =	vpop (erf);
	[tilespmem:$0x1FDD0] =	vst v0;
	v0 =	vmul.f32 $1.442695020e+00, v52;
	(erf) = vpow2.f32 v2;
	v2 =	vadd.f32 v6, v7;
	v6 =	vld [tilespmem:$0x1FD90];
	_ =	sdelay $0x1  }
0xec: {  	[tilespmem:$0x1FF00] =	vst v0;
	v0 =	vmul.f32 $1.442695020e+00, v59;
	_ =	sdelay $0x1  }
0xed: {  	v36 =	vld [tilespmem:s17+$0x160];
	[tilespmem:$0x1FE70] =	vst v0;
	v0 =	vmul.f32 $1.442695020e+00, v13  }
0xee: {  	v3 =	vpop (erf);
	(erf) = vpow2.f32 v6;
	v6 =	vld [tilespmem:$0x1FDB0]  }
0xef: {  	[tilespmem:$0x1FE00] =	vst v0;
	v0 =	vld [tilespmem:s17+$0xF0]  }
0xf0: {  	v12 =	vadd.f32 v29, v28;
	_ =	sdelay $0x1  }
0xf1: {  	[tilespmem:$0x1FF20] =	vst v21;
	v21 =	vld [tilespmem:s17+$0x100];
	v3 =	vadd.f32 v3, v4;
	v4 =	vadd.f32 v58, v12  }
0xf2: {  	v11 =	vpop (erf);
	(erf) = vpow2.f32 v6;
	v6 =	vld [tilespmem:$0x1FDD0]  }
0xf3: {  	v38 =	vmul.f32 $1.442695020e+00, v36;
	v12 =	vadd.f32 v19, v4;
	v19 =	vmovc v36;
	v56 =	vmul.f32 $1.442695020e+00, v0;
	v36 =	vmovc v0;
	v0 =	vld [tilespmem:$0x1FDF0];
	_ =	sdelay $0x1  }
0xf4: {  	v40 =	vld [tilespmem:s17+$0x130]  }
0xf5: {  	v62 =	vmul.f32 $1.442695020e+00, v21;
	v39 =	vld [tilespmem:s17+$0x1C0]  }
0xf6: {  	v33 =	vld [tilespmem:s17+$0x180];
	v29 =	vmov v60;
	v60 =	vadd.f32 v16, v9;
	v9 =	vpop (erf);
	(erf) = vpow2.f32 v6  }
0xf7: {  	v3 =	vadd.f32 v9, v3;
	v9 =	vpop (erf);
	(erf) = vpow2.f32 v0;
	v0 =	vld [tilespmem:$0x1FE00]  }
0xf8: {  	[tilespmem:$0x1FF60] =	vst v62;
	v62 =	vld [tilespmem:s17+$0x170]  }
0xf9: {  	v28 =	vmov v43;
	v43 =	vld [tilespmem:$0x1FD70];
	v7 =	vadd.f32 v11, v60;
	v2 =	vadd.f32 v44, v2  }
0xfa: {  	v58 =	vld [tilespmem:$0x1FDA0]  }
0xfb: {  	v11 =	vld [tilespmem:$0x1FDC0];
	v2 =	vadd.f32 v5, v2;
	v5 =	vpop (erf);
	v6 =	vadd.f32 v9, v7  }
0xfc: {  	v4 =	vpop (erf);
	(erf) = vpow2.f32 v0;
	v0 =	vadd.f32 v5, v3;
	v5 =	vld [tilespmem:$0x1FE30]  }
0xfd: {  	v4 =	vadd.f32 v4, v6;
	v6 =	vld [tilespmem:$0x1FE40]  }
0xfe: {  	v60 =	vld [tilespmem:$0x1FDE0]  }
0xff: {  	v44 =	vmov v57;
	v57 =	vld [tilespmem:$0x1FE20]  }
0x100: {  	v16 =	vmov v32;
	v32 =	vld [tilespmem:$0x1FE70]  }
0x101: {  	v2 =	vadd.f32 v10, v2;
	[tilespmem:$0x1FF50] =	vst v56;
	v56 =	vld [tilespmem:s17+$0x140];
	(erf) = vpow2.f32 v5  }
0x102: {  	v5 =	vpop (erf);
	(erf) = vpow2.f32 v6;
	v6 =	vld [tilespmem:$0x1FE80]  }
0x103: {  	[tilespmem:$0x1FED0] =	vst v20;
	v20 =	vmul.f32 $1.442695020e+00, v40;
	v9 =	vadd.f32 v13, v2;
	v13 =	vld [tilespmem:$0x1FE90];
	v3 =	vadd.f32 v26, v12  }
0x104: {  	p0 =	sne.s32 s19, $0x3C0;
	v26 =	vmov v37;
	v37 =	vmov v48;
	v48 =	vld [tilespmem:$0x1FE10];
	v7 =	vadd.f32 v5, v0;
	v5 =	vpop (erf)  }
.Ltmp0:
0x105: {  	v1 =	vmul.f32 $1.442695020e+00, v33;
	v12 =	vld [tilespmem:$0x1FE60];
	v3 =	vadd.f32 v25, v3;
	v4 =	vadd.f32 v5, v4;
	v5 =	vpop (erf);
	(pc) =	sbr.rel @p0 .LBB2_2-.Ltmp0, $4  }
0x106: {  	v46 =	vmul.f32 $1.442695020e+00, v62;
	v8 =	vmul.f32 $1.442695020e+00, v39;
	v25 =	vmovc v35;
	v35 =	vld [tilespmem:$0x1FE50];
	v7 =	vadd.f32 v5, v7  }
0x107: {  	v0 =	vpop (erf);
	(erf) = vpow2.f32 v6;
	v6 =	vadd.f32 v24, v3;
	v24 =	vmov v34;
	v34 =	vld [tilespmem:$0x1FEA0]  }
0x108: {  	v41 =	vmul.f32 $1.442695020e+00, v56;
	v0 =	vadd.f32 v0, v4;
	v2 =	vpop (erf);
	v3 =	vadd.f32 v15, v9;
	v15 =	vld [tilespmem:$0x1FEB0]  }
0x109: {  	s18 =	smov.u32 s19;
	s19 =	sadd.s32 $0x40, s19;
	v4 =	vadd.f32 v2, v7;
	v5 =	vpop (erf);
	v2 =	vadd.f32 v31, v6;
	v31 =	vmov v49;
	v49 =	vld [tilespmem:$0x1FEC0]  }
0x10a: {  	v0 =	vadd.f32 v5, v0;
	v5 =	vpop (erf)  }
0x10b: {  	v4 =	vadd.f32 v5, v4;
	v5 =	vld [tilespmem:$0x1FED0];
	_ =	sdelay $0x2  }
0x10c: {  	v3 =	vadd.f32 v21, v3;
	v6 =	vpop (erf)  }
0x10d: {  	v0 =	vadd.f32 v6, v0  }
0x10e: {  	v6 =	vadd.f32 v56, v3;
	v2 =	vadd.f32 v5, v2;
	v5 =	vld [tilespmem:s17+$0xFFFFFE20]  }
0x10f: {  	v7 =	vadd.f32 $0.0e+00, v55  }
0x110: {  	v3 =	vpop (erf)  }
0x111: {  	v7 =	vadd.f32 v57, v7;
	v4 =	vadd.f32 v3, v4;
	v3 =	vpop (erf)  }
0x112: {  	v3 =	vadd.f32 v3, v2;
	v2 =	vadd.f32 v33, v6;
	v6 =	vpop (erf);
	(erf) = vpow2.f32 v14  }
0x113: {  	v9 =	vld [tilespmem:s17+$0xFFFFFE60];
	v4 =	vadd.f32 v6, v4;
	(erf) = vpow2.f32 v8;
	v6 =	vmul.f32 $1.442695020e+00, v5  }
0x114: {  	v7 =	vadd.f32 v43, v7;
	(erf) = vpow2.f32 v46  }
0x115: {  	(erf) = vpow2.f32 v6  }
0x116: {  	v5 =	vadd.f32 $0.0e+00, v5;
	(erf) = vpow2.f32 v1;
	v1 =	vadd.f32 v34, v7;
	v7 =	vld [tilespmem:$0x1FEE0];
	_ =	sdelay $0x1  }
0x117: {  	v6 =	vmul.f32 $1.442695020e+00, v9;
	v5 =	vadd.f32 v9, v5;
	v9 =	vld [tilespmem:$0x1FF80];
	_ =	sdelay $0x1  }
0x118: {  	v8 =	vadd.f32 $0.0e+00, v23  }
0x119: {  	v5 =	vadd.f32 v7, v5  }
0x11a: {  	v8 =	vadd.f32 v63, v8  }
0x11b: {  	v5 =	vadd.f32 v9, v5  }
0x11c: {  	(erf) = vpow2.f32 v6;
	v6 =	vmul.f32 $1.442695020e+00, v7;
	v7 =	vadd.f32 v48, v8  }
0x11d: {  	v8 =	vmul.f32 $1.442695020e+00, v9;
	v9 =	vmul.f32 $1.442695020e+00, v11;
	v5 =	vadd.f32 v11, v5;
	v11 =	vld [tilespmem:$0x1FFC0];
	_ =	sdelay $0x4  }
0x11e: {  	(erf) = vpow2.f32 v20;
	v1 =	vadd.f32 v30, v1;
	v5 =	vadd.f32 v11, v5  }
0x11f: {  	v14 =	vmov v13;
	(erf) = vpow2.f32 v6  }
0x120: {  	v1 =	vadd.f32 v29, v1;
	(erf) = vpow2.f32 v41;
	v5 =	vadd.f32 v14, v5  }
0x121: {  	v6 =	vadd.f32 v44, v7;
	v7 =	vpop (erf);
	(erf) = vpow2.f32 v8;
	v10 =	vmul.f32 $1.442695020e+00, v11  }
0x122: {  	v8 =	vpop (erf);
	(erf) = vpow2.f32 v38;
	v14 =	vmul.f32 $1.442695020e+00, v15;
	v5 =	vadd.f32 v15, v5;
	v15 =	vld [tilespmem:$0x1FF50]  }
0x123: {  	(erf) = vpow2.f32 v9;
	v9 =	vpop (erf);
	v11 =	vmul.f32 $1.442695020e+00, v13  }
0x124: {  	v1 =	vadd.f32 v54, v1;
	v13 =	vpop (erf)  }
0x125: {  	(erf) = vpow2.f32 v10;
	v10 =	vpop (erf)  }
0x126: {  	v1 =	vadd.f32 v12, v1;
	v12 =	vadd.f32 $0.0e+00, v13;
	v13 =	vpop (erf);
	(erf) = vpow2.f32 v11  }
0x127: {  	v11 =	vpop (erf);
	(erf) = vpow2.f32 v15;
	v15 =	vld [tilespmem:$0x1FF60];
	_ =	sdelay $0x3  }
0x128: {  	(erf) = vpow2.f32 v14  }
0x129: {  	v12 =	vadd.f32 v13, v12;
	(erf) = vpow2.f32 v15;
	v15 =	vld [tilespmem:$0x1FEF0]  }
0x12a: {  	v1 =	vadd.f32 v37, v1;
	v13 =	vpop (erf)  }
0x12b: {  	v12 =	vadd.f32 v13, v12;
	v13 =	vpop (erf)  }
0x12c: {  	v1 =	vadd.f32 v51, v1;
	v14 =	vpop (erf)  }
0x12d: {  	v12 =	vadd.f32 v14, v12;
	v14 =	vpop (erf)  }
0x12e: {  	v20 =	vld [tilespmem:$0x1FF30];
	v1 =	vadd.f32 v15, v1;
	v15 =	vpop (erf)  }
0x12f: {  	v12 =	vadd.f32 v15, v12  }
0x130: {  	v15 =	vpop (erf)  }
0x131: {  	v1 =	vadd.f32 v59, v1;
	v12 =	vadd.f32 v15, v12;
	v15 =	vld [tilespmem:$0x1FF00]  }
0x132: {  	v5 =	vadd.f32 v28, v5;
	(erf) = vpow2.f32 v60  }
0x133: {  	(erf) = vpow2.f32 v20;
	v1 =	vadd.f32 v17, v1;
	v17 =	vld [tilespmem:$0x1FF20]  }
0x134: {  	v5 =	vadd.f32 v31, v5;
	(erf) = vpow2.f32 v58  }
0x135: {  	v6 =	vadd.f32 v50, v6;
	(erf) = vpow2.f32 v32  }
0x136: {  	v5 =	vadd.f32 v52, v5;
	(erf) = vpow2.f32 v15;
	v15 =	vpop (erf)  }
0x137: {  	v6 =	vadd.f32 v35, v6;
	v12 =	vadd.f32 v15, v12;
	v15 =	vld [tilespmem:$0x1FF10]  }
0x138: {  	v5 =	vadd.f32 v61, v5;
	(erf) = vpow2.f32 v17;
	v17 =	vld [tilespmem:$0x1FF40]  }
0x139: {  	v6 =	vadd.f32 v26, v6  }
0x13a: {  	v5 =	vadd.f32 v18, v5;
	v18 =	vld [tilespmem:$0x1FF70]  }
0x13b: {  	v6 =	vadd.f32 v25, v6  }
0x13c: {  	(erf) = vpow2.f32 v15;
	v15 =	vpop (erf)  }
0x13d: {  	v6 =	vadd.f32 v24, v6;
	v1 =	vadd.f32 v16, v1;
	v16 =	vpop (erf);
	(erf) = vpow2.f32 v17  }
0x13e: {  	v5 =	vadd.f32 v19, v5;
	v19 =	vld [tilespmem:$0x1FF90];
	v12 =	vadd.f32 v16, v12;
	v16 =	vpop (erf);
	(erf) = vpow2.f32 v49  }
0x13f: {  	v17 =	vpop (erf);
	(erf) = vpow2.f32 v18;
	v18 =	vld [tilespmem:$0x1FFA0]  }
0x140: {  	v6 =	vadd.f32 v22, v6;
	v20 =	vld [tilespmem:$0x1FFB0];
	_ =	sdelay $0x1  }
0x141: {  	v6 =	vadd.f32 v53, v6;
	v1 =	vadd.f32 v27, v1  }
0x142: {  	v12 =	vadd.f32 v17, v12;
	v17 =	vpop (erf)  }
0x143: {  	v6 =	vadd.f32 v36, v6;
	v1 =	vadd.f32 v18, v1;
	v18 =	vpop (erf);
	(erf) = vpow2.f32 v19  }
0x144: {  	(erf) = vpow2.f32 v20;
	v20 =	vld [tilespmem:$0x1FFF0]  }
0x145: {  	v6 =	vadd.f32 v40, v6  }
0x146: {  	v19 =	vsel vm0, $0x0, v47  }
0x147: {  	v6 =	vadd.f32 v62, v6  }
0x148: {  	v12 =	vadd.f32 v18, v12;
	v18 =	vpop (erf)  }
0x149: {  	v1 =	vadd.f32 v19, v1;
	v19 =	vpop (erf);
	v6 =	vadd.f32 v20, v6;
	v20 =	vld [tilespmem:$0x1FFD0]  }
0x14a: {  	v12 =	vadd.f32 v19, v12;
	v19 =	vld [tilespmem:$0x1FFE0];
	_ =	sdelay $0x2  }
0x14b: {  	v4 =	vadd.f32 v18, v4;
	v18 =	vpop (erf)  }
0x14c: {  	v0 =	vadd.f32 v17, v0;
	v17 =	vpop (erf);
	(erf) = vpow2.f32 v20  }
0x14d: {  	v2 =	vadd.f32 v39, v2;
	v12 =	vadd.f32 v17, v12;
	(erf) = vpow2.f32 v19  }
0x14e: {  	v5 =	vadd.f32 v42, v5;
	v3 =	vadd.f32 v15, v3;
	v17 =	vpop (erf)  }
0x14f: {  	v4 =	vadd.f32 v18, v4;
	v12 =	vadd.f32 v17, v12  }
0x150: {  	v3 =	vadd.f32 v11, v3;
	v0 =	vadd.f32 v16, v0;
	v15 =	vpop (erf)  }
0x151: {  	v5 =	vadd.f32 v45, v5;
	v4 =	vadd.f32 v15, v4  }
0x152: {  	v3 =	vadd.f32 v9, v3;
	v0 =	vadd.f32 v13, v0;
	v15 =	vpop (erf)  }
0x153: {  	v11 =	vadd.f32 v14, v12;
	v4 =	vadd.f32 v15, v4;
	v12 =	vpop (erf)  }
0x154: {  	v3 =	vadd.f32 v7, v3;
	v0 =	vadd.f32 v10, v0;
	v9 =	vpop (erf)  }
0x155: {  	v10 =	vadd.f32 v12, v11;
	v4 =	vadd.f32 v9, v4;
	v9 =	vpop (erf)  }
0x156: {  	v1 =	vadd.f32 v1, v5;
	v0 =	vadd.f32 v8, v0;
	v7 =	vsel vm0, $0x0, v9;
	v8 =	vpop (erf)  }
0x157: {  	v5 =	vlaneseq.u32;
	v8 =	vadd.f32 v8, v10;
	v4 =	vadd.f32 v7, v4  }
0x158: {  	v2 =	vadd.f32 v2, v6;
	v6 =	vmul.u32 $0x10, v5  }
0x159: {  	v0 =	vadd.f32 v0, v3;
	v4 =	vadd.f32 v4, v8  }
0x15a: {  	v1 =	vadd.f32 v1, v2  }
0x15b: {  	s31 =	sshra.s32 s18, $0x2;
	v0 =	vadd.f32 v4, v0  }
0x15c: {  	[tilespmem:s31+$0x7E00] =	vst v1  }
0x15d: {  	[tilespmem:s31+$0x7D00] =	vst v0  }
0x15e: {  	v0 =	vld.idx.msk [tilespmem:v6+s12+$0x0], $0xffff;
	_ =	sdelay $0x4  }
0x15f: {  	v2 =	vor.u32 $0x1, v6;
	[tilespmem:$0x1F8D0] =	vst v0;
	v0 =	vld.idx.msk [tilespmem:v6+s13+$0x0], $0xffff;
	_ =	sdelay $0x4  }
0x160: {  	[tilespmem:$0x1F8E0] =	vst v0;
	v0 =	vld.idx.msk [tilespmem:v2+s12+$0x0], $0xffff  }
0x161: {  	v1 =	vor.u32 $0x2, v6;
	_ =	sdelay $0x3  }
0x162: {  	[tilespmem:$0x1F8F0] =	vst v0;
	v0 =	vld.idx.msk [tilespmem:v2+s13+$0x0], $0xffff  }
0x163: {  	v3 =	vor.u32 $0x3, v6;
	[tilespmem:$0x1F900] =	vst v2;
	v2 =	vld.idx.msk [tilespmem:v1+s12+$0x0], $0xffff;
	_ =	sdelay $0x3  }
0x164: {  	[tilespmem:$0x1F930] =	vst v1  }
0x165: {  	[tilespmem:$0x1F920] =	vst v2;
	v2 =	vld.idx.msk [tilespmem:v3+s12+$0x0], $0xffff  }
0x166: {  	v1 =	vld.idx.msk [tilespmem:v1+s13+$0x0], $0xffff;
	[tilespmem:$0x1F910] =	vst v0;
	v0 =	vor.u32 $0x4, v6;
	_ =	sdelay $0x2  }
0x167: {  	[tilespmem:$0x1F960] =	vst v3  }
0x168: {  	[tilespmem:$0x1F950] =	vst v2;
	v2 =	vld.idx.msk [tilespmem:v3+s13+$0x0], $0xffff  }
0x169: {  	[tilespmem:$0x1F940] =	vst v1;
	v1 =	vor.u32 $0x5, v6;
	v3 =	vld.idx.msk [tilespmem:v0+s12+$0x0], $0xffff;
	_ =	sdelay $0x2  }
0x16a: {  	[tilespmem:$0x1F990] =	vst v0  }
0x16b: {  	v0 =	vld.idx.msk [tilespmem:v0+s13+$0x0], $0xffff;
	[tilespmem:$0x1F970] =	vst v2  }
0x16c: {  	v2 =	vor.u32 $0x6, v6;
	[tilespmem:$0x1F980] =	vst v3;
	v3 =	vld.idx.msk [tilespmem:v1+s12+$0x0], $0xffff;
	_ =	sdelay $0x2  }
0x16d: {  	[tilespmem:$0x1F9C0] =	vst v1  }
0x16e: {  	[tilespmem:$0x1F9A0] =	vst v0;
	v1 =	vld.idx.msk [tilespmem:v1+s13+$0x0], $0xffff  }
0x16f: {  	v0 =	vor.u32 $0x7, v6;
	[tilespmem:$0x1F9B0] =	vst v3;
	v3 =	vld.idx.msk [tilespmem:v2+s12+$0x0], $0xffff;
	_ =	sdelay $0x2  }
0x170: {  	[tilespmem:$0x1F9F0] =	vst v2  }
0x171: {  	[tilespmem:$0x1F9D0] =	vst v1;
	v2 =	vld.idx.msk [tilespmem:v2+s13+$0x0], $0xffff  }
0x172: {  	v1 =	vor.u32 $0x8, v6;
	[tilespmem:$0x1F9E0] =	vst v3;
	v3 =	vld.idx.msk [tilespmem:v0+s12+$0x0], $0xffff;
	_ =	sdelay $0x3  }
0x173: {  	[tilespmem:$0x1FA00] =	vst v2  }
0x174: {  	v2 =	vor.u32 $0x9, v6;
	[tilespmem:$0x1FA10] =	vst v3;
	v3 =	vld.idx.msk [tilespmem:v1+s12+$0x0], $0xffff  }
0x175: {  	[tilespmem:$0x1FA20] =	vst v0;
	v0 =	vld.idx.msk [tilespmem:v0+s13+$0x0], $0xffff;
	_ =	sdelay $0x2  }
0x176: {  	[tilespmem:$0x1FA80] =	vst v2  }
0x177: {  	[tilespmem:$0x1FA40] =	vst v3;
	v3 =	vld.idx.msk [tilespmem:v2+s12+$0x0], $0xffff  }
0x178: {  	[tilespmem:$0x1FA30] =	vst v0;
	v0 =	vor.u32 $0xA, v6;
	v2 =	vld.idx.msk [tilespmem:v2+s13+$0x0], $0xffff  }
0x179: {  	[tilespmem:$0x1FA50] =	vst v1;
	v1 =	vld.idx.msk [tilespmem:v1+s13+$0x0], $0xffff;
	_ =	sdelay $0x2  }
0x17a: {  	[tilespmem:$0x1FAB0] =	vst v0  }
0x17b: {  	[tilespmem:$0x1FA90] =	vst v2;
	v2 =	vld.idx.msk [tilespmem:v0+s12+$0x0], $0xffff  }
0x17c: {  	[tilespmem:$0x1FA60] =	vst v1;
	v1 =	vor.u32 $0xB, v6;
	v0 =	vld.idx.msk [tilespmem:v0+s13+$0x0], $0xffff;
	_ =	sdelay $0x4  }
0x17d: {  	[tilespmem:$0x1FAC0] =	vst v0;
	v0 =	vld.idx.msk [tilespmem:v1+s12+$0x0], $0xffff  }
0x17e: {  	v4 =	vor.u32 $0xC, v6;
	[tilespmem:$0x1FAE0] =	vst v1;
	v1 =	vld.idx.msk [tilespmem:v1+s13+$0x0], $0xffff;
	_ =	sdelay $0x4  }
0x17f: {  	[tilespmem:$0x1FAF0] =	vst v1;
	v1 =	vld.idx.msk [tilespmem:v4+s12+$0x0], $0xffff  }
0x180: {  	[tilespmem:$0x1FA70] =	vst v3;
	v3 =	vor.u32 $0xD, v6;
	_ =	sdelay $0x1  }
0x181: {  	[tilespmem:$0x1FB10] =	vst v4  }
0x182: {  	[tilespmem:$0x1FAD0] =	vst v0;
	v0 =	vld [tilespmem:$0x7F00]  }
0x183: {  	[tilespmem:$0x1FB00] =	vst v1;
	v1 =	vld.idx.msk [tilespmem:v4+s13+$0x0], $0xffff  }
0x184: {  	[tilespmem:$0x1FB50] =	vst v3;
	v4 =	vmul.u32 $0x3E8, v5;
	v5 =	vld.idx.msk [tilespmem:v3+s12+$0x0], $0xffff  }
0x185: {  	[tilespmem:$0x1FAA0] =	vst v2;
	v2 =	vor.u32 $0xE, v6;
	v3 =	vld.idx.msk [tilespmem:v3+s13+$0x0], $0xffff;
	_ =	sdelay $0x3  }
0x186: {  	[tilespmem:$0x1FB90] =	vst v2  }
0x187: {  	v0 =	vadd.s32 v4, v0;
	[tilespmem:$0x1FB60] =	vst v3;
	v3 =	vld.idx.msk [tilespmem:v2+s12+$0x0], $0xffff  }
0x188: {  	[tilespmem:$0x1FB20] =	vst v1;
	v1 =	vor.u32 $0xF, v6;
	v2 =	vld.idx.msk [tilespmem:v2+s13+$0x0], $0xffff;
	_ =	sdelay $0x2  }
0x189: {  	s17 =	simm.s32 $0x0;
	[tilespmem:$0x1FB30] =	vst v6  }
0x18a: {  	[tilespmem:$0x1FB70] =	vst v4;
	v0 =	vld.idx.msk [tilespmem:v0+s17+$0x0], $0xffff  }
0x18b: {  	[tilespmem:$0x1FBA0] =	vst v2;
	v2 =	vld.idx.msk [tilespmem:v1+s12+$0x0], $0xffff  }
0x18c: {  	[tilespmem:$0x1FBC0] =	vst v1;
	v1 =	vld.idx.msk [tilespmem:v1+s13+$0x0], $0xffff  }
0x18d: {  	[tilespmem:$0x1FB40] =	vst v5  }
0x18e: {  	[tilespmem:$0x1FB80] =	vst v3  }
0x18f: {  	[tilespmem:$0x1FBE0] =	vst v0  }
0x190: {  	[tilespmem:$0x1FBB0] =	vst v2  }
0x191: {  	[tilespmem:$0x1FBD0] =	vst v1  }
0x192: {  	_ =	swait.ge [sflag:s14], $0x3E80  }
0x193: {  	[sflag:s14] =	ssyncset.done $0x0  }
0x194: {  	s18 =	simm.s32 $0x4070;
	[sflag:s14] =	ssyncadd.s32 $0xFFFFC180  }
0x195: {  	v23 =	vld [tilespmem:s18+$0x70]  }
0x196: {  	v25 =	vld [tilespmem:s18+$0x30]  }
0x197: {  	v27 =	vld [tilespmem:s18+$0xFFFFFFF0]  }
0x198: {  	v28 =	vld [tilespmem:s18+$0xFFFFFFB0]  }
0x199: {  	v29 =	vld [tilespmem:s18+$0xFFFFFF70]  }
0x19a: {  	v30 =	vld [tilespmem:s18+$0xFFFFFF30];
	v0 =	vmul.f32 $1.442695020e+00, v23  }
0x19b: {  	v34 =	vld [tilespmem:s18+$0xFFFFFEF0];
	v1 =	vmul.f32 $1.442695020e+00, v25  }
0x19c: {  	v48 =	vld [tilespmem:s18+$0xFFFFFEB0];
	(erf) = vpow2.f32 v0;
	v0 =	vmul.f32 $1.442695020e+00, v27  }
0x19d: {  	v40 =	vld [tilespmem:s18+$0xFFFFFE70];
	(erf) = vpow2.f32 v1;
	v1 =	vmul.f32 $1.442695020e+00, v28  }
0x19e: {  	v41 =	vld [tilespmem:s18+$0xFFFFFE30];
	(erf) = vpow2.f32 v0;
	v0 =	vmul.f32 $1.442695020e+00, v29  }
0x19f: {  	v2 =	vld [tilespmem:s18+$0xFFFFFE40];
	(erf) = vpow2.f32 v1;
	v1 =	vmul.f32 $1.442695020e+00, v30  }
0x1a0: {  	v21 =	vld [tilespmem:s18+$0xFFFFFE10];
	(erf) = vpow2.f32 v0;
	v0 =	vmul.f32 $1.442695020e+00, v34  }
0x1a1: {  	(erf) = vpow2.f32 v1;
	v1 =	vmul.f32 $1.442695020e+00, v48  }
0x1a2: {  	v3 =	vld [tilespmem:s18+$0xFFFFFE80];
	(erf) = vpow2.f32 v0;
	v0 =	vmul.f32 $1.442695020e+00, v40  }
0x1a3: {  	v12 =	vld [tilespmem:s18+$0xFFFFFE50];
	(erf) = vpow2.f32 v1;
	v1 =	vmul.f32 $1.442695020e+00, v41  }
0x1a4: {  	v4 =	vld [tilespmem:s18+$0xFFFFFEC0];
	(erf) = vpow2.f32 v0;
	v0 =	vmul.f32 $1.442695020e+00, v2  }
0x1a5: {  	v39 =	vld [tilespmem:s18+$0xFFFFFE90];
	(erf) = vpow2.f32 v1;
	v1 =	vmul.f32 $1.442695020e+00, v21  }
0x1a6: {  	v5 =	vld [tilespmem:s18+$0xFFFFFF00];
	v8 =	vpop (erf)  }
0x1a7: {  	v32 =	vld [tilespmem:s18+$0xFFFFFED0];
	[tilespmem:$0x1FBF0] =	vst v8;
	(erf) = vpow2.f32 v0;
	v8 =	vmul.f32 $1.442695020e+00, v3  }
0x1a8: {  	v6 =	vld [tilespmem:s18+$0xFFFFFF40];
	v9 =	vmul.f32 $1.442695020e+00, v12;
	v0 =	vpop (erf);
	(erf) = vpow2.f32 v1  }
0x1a9: {  	v50 =	vld [tilespmem:s18+$0xFFFFFF10];
	v1 =	vpop (erf);
	(erf) = vpow2.f32 v8;
	v8 =	vmul.f32 $1.442695020e+00, v4  }
0x1aa: {  	v11 =	vpop (erf);
	(erf) = vpow2.f32 v9;
	v9 =	vmul.f32 $1.442695020e+00, v39  }
0x1ab: {  	v2 =	vadd.f32 $0.0e+00, v2;
	v22 =	vpop (erf);
	(erf) = vpow2.f32 v8;
	v8 =	vmul.f32 $1.442695020e+00, v5  }
0x1ac: {  	v14 =	vpop (erf);
	(erf) = vpow2.f32 v9;
	v9 =	vmul.f32 $1.442695020e+00, v32  }
0x1ad: {  	v7 =	vld [tilespmem:s18+$0xFFFFFF80];
	v2 =	vadd.f32 v3, v2;
	v3 =	vmul.f32 $1.442695020e+00, v6;
	(erf) = vpow2.f32 v8  }
0x1ae: {  	v56 =	vld [tilespmem:s18+$0xFFFFFF50];
	v15 =	vpop (erf);
	(erf) = vpow2.f32 v9;
	v9 =	vmul.f32 $1.442695020e+00, v50  }
0x1af: {  	v10 =	vld [tilespmem:s18+$0xFFFFFFC0];
	v8 =	vpop (erf)  }
0x1b0: {  	v2 =	vadd.f32 v4, v2;
	v20 =	vpop (erf)  }
0x1b1: {  	v55 =	vld [tilespmem:s18+$0xFFFFFF90];
	(erf) = vpow2.f32 v3;
	v3 =	vpop (erf)  }
0x1b2: {  	v13 =	vld [tilespmem:s18+$0x0];
	v4 =	vmul.f32 $1.442695020e+00, v7;
	v2 =	vadd.f32 v5, v2;
	(erf) = vpow2.f32 v9;
	v9 =	vpop (erf)  }
0x1b3: {  	v44 =	vld [tilespmem:s18+$0xFFFFFFD0];
	v3 =	vadd.f32 $0.0e+00, v3;
	v5 =	vadd.f32 $0.0e+00, v9;
	v9 =	vmul.f32 $1.442695020e+00, v56  }
0x1b4: {  	v2 =	vadd.f32 v6, v2;
	(erf) = vpow2.f32 v4;
	v4 =	vmul.f32 $1.442695020e+00, v10;
	v19 =	vpop (erf)  }
0x1b5: {  	v16 =	vld [tilespmem:s18+$0x40];
	v3 =	vadd.f32 v20, v3;
	v20 =	vpop (erf);
	(erf) = vpow2.f32 v9;
	v9 =	vadd.f32 $0.0e+00, v19  }
0x1b6: {  	v33 =	vld [tilespmem:s18+$0x10];
	v5 =	vadd.f32 v20, v5;
	v6 =	vpop (erf);
	(erf) = vpow2.f32 v4;
	v4 =	vmul.f32 $1.442695020e+00, v55  }
0x1b7: {  	v18 =	vld [tilespmem:s18+$0x80];
	v3 =	vadd.f32 v8, v3;
	v8 =	vmul.f32 $1.442695020e+00, v13;
	v19 =	vpop (erf);
	v6 =	vadd.f32 v6, v9  }
0x1b8: {  	(erf) = vpow2.f32 v4;
	v4 =	vadd.f32 v19, v5;
	v5 =	vmul.f32 $1.442695020e+00, v44  }
0x1b9: {  	v47 =	vld [tilespmem:s18+$0x50];
	v2 =	vadd.f32 v7, v2;
	v19 =	vpop (erf);
	v3 =	vadd.f32 v15, v3;
	(erf) = vpow2.f32 v8  }
0x1ba: {  	v62 =	vld [tilespmem:s18+$0xB0];
	v6 =	vadd.f32 v19, v6;
	v7 =	vpop (erf);
	(erf) = vpow2.f32 v5;
	v5 =	vmul.f32 $1.442695020e+00, v16  }
0x1bb: {  	v31 =	vld [tilespmem:s18+$0x20];
	v4 =	vadd.f32 v7, v4;
	v7 =	vmul.f32 $1.442695020e+00, v33;
	v8 =	vpop (erf);
	v3 =	vadd.f32 v14, v3  }
0x1bc: {  	v36 =	vld [tilespmem:s18+$0x60];
	(erf) = vpow2.f32 v5;
	v5 =	vadd.f32 v8, v6;
	v6 =	vmul.f32 $1.442695020e+00, v18  }
0x1bd: {  	v8 =	vpop (erf);
	(erf) = vpow2.f32 v7  }
0x1be: {  	v49 =	vld [tilespmem:s18+$0xA0];
	v7 =	vmul.f32 $1.442695020e+00, v47;
	v4 =	vadd.f32 v8, v4;
	v8 =	vpop (erf);
	(erf) = vpow2.f32 v6  }
0x1bf: {  	v57 =	vld [tilespmem:s18+$0x90];
	v6 =	vmul.f32 $1.442695020e+00, v62;
	v5 =	vadd.f32 v8, v5;
	v8 =	vadd.f32 v22, v3;
	v3 =	vpop (erf)  }
0x1c0: {  	v59 =	vld [tilespmem:s18+$0xD0];
	(erf) = vpow2.f32 v7;
	v4 =	vadd.f32 v3, v4;
	v3 =	vmul.f32 $1.442695020e+00, v31  }
0x1c1: {  	v61 =	vld [tilespmem:s18+$0x120];
	(erf) = vpow2.f32 v6;
	v6 =	vmul.f32 $1.442695020e+00, v36  }
0x1c2: {  	v58 =	vld [tilespmem:s18+$0xE0]  }
0x1c3: {  	v63 =	vld [tilespmem:s18+$0x150];
	[tilespmem:$0x1FC10] =	vst v6;
	v6 =	vmul.f32 $1.442695020e+00, v49  }
0x1c4: {  	v60 =	vld [tilespmem:s18+$0x110];
	v7 =	vmul.f32 $1.442695020e+00, v57;
	[tilespmem:$0x1FC00] =	vst v3;
	v3 =	vpop (erf)  }
0x1c5: {  	v51 =	vld [tilespmem:s18+$0xF0];
	[tilespmem:$0x1FC20] =	vst v6;
	v6 =	vadd.f32 v3, v5;
	v5 =	vmul.f32 $1.442695020e+00, v59  }
0x1c6: {  	v9 =	vld [tilespmem:s18+$0xC0];
	(erf) = vpow2.f32 v7;
	v7 =	vadd.f32 v11, v8;
	v8 =	vmul.f32 $1.442695020e+00, v61  }
0x1c7: {  	v52 =	vld [tilespmem:s18+$0x100];
	[tilespmem:$0x1FC30] =	vst v5;
	v5 =	vmul.f32 $1.442695020e+00, v58  }
0x1c8: {  	[tilespmem:$0x1FC70] =	vst v8;
	v8 =	vmul.f32 $1.442695020e+00, v63  }
0x1c9: {  	[tilespmem:$0x1FC40] =	vst v5;
	v5 =	vmul.f32 $1.442695020e+00, v60  }
0x1ca: {  	v54 =	vld [tilespmem:s18+$0x140];
	v2 =	vadd.f32 v10, v2;
	[tilespmem:$0x1FC80] =	vst v8;
	v8 =	vmul.f32 $1.442695020e+00, v51  }
0x1cb: {  	v10 =	vld [tilespmem:s18+$0x160];
	[tilespmem:$0x1FC50] =	vst v5;
	v5 =	vmul.f32 $1.442695020e+00, v9  }
0x1cc: {  	v2 =	vadd.f32 v13, v2;
	v20 =	vld [tilespmem:s18+$0x170];
	[tilespmem:$0x1FC90] =	vst v8;
	v8 =	vmul.f32 $1.442695020e+00, v52  }
0x1cd: {  	v13 =	vld [tilespmem:s18+$0x1A0]  }
0x1ce: {  	v2 =	vadd.f32 v16, v2;
	v15 =	vld [tilespmem:s18+$0x130]  }
0x1cf: {  	v19 =	vld [tilespmem:s18+$0x1D0];
	[tilespmem:$0x1FC60] =	vst v5;
	v5 =	vpop (erf)  }
0x1d0: {  	v42 =	vld [tilespmem:s18+$0x180];
	v2 =	vadd.f32 v18, v2;
	[tilespmem:$0x1FCA0] =	vst v8;
	v4 =	vadd.f32 v5, v4;
	v8 =	vpop (erf)  }
0x1d1: {  	v16 =	vld [tilespmem:s18+$0x1E8];
	[tilespmem:$0x1FD30] =	vst v20;
	v18 =	vmul.f32 $1.442695020e+00, v10;
	v3 =	vmov v10;
	v10 =	vadd.f32 v1, v7;
	v1 =	vpop (erf)  }
0x1d2: {  	v14 =	vld [tilespmem:s18+$0x190];
	[tilespmem:$0x1FCD0] =	vst v13;
	v1 =	vadd.f32 v1, v4;
	v4 =	vmul.f32 $1.442695020e+00, v13  }
0x1d3: {  	[tilespmem:$0x1FCC0] =	vst v15;
	v11 =	vld [tilespmem:s18+$0x1E0]  }
0x1d4: {  	v37 =	vld [tilespmem:s18+$0x1B0];
	[tilespmem:$0x1FCE0] =	vst v4;
	v4 =	vmul.f32 $1.442695020e+00, v19  }
0x1d5: {  	v26 =	vld [tilespmem:s18+$0xFFFFFEA0];
	[tilespmem:$0x1FCF0] =	vst v19  }
0x1d6: {  	v43 =	vld [tilespmem:s18+$0x1C0];
	[tilespmem:$0x1FD00] =	vst v4;
	v4 =	vmul.f32 $1.442695020e+00, v16  }
0x1d7: {  	v17 =	vld [tilespmem:s18+$0xFFFFFEE0];
	v35 =	vmul.f32 $1.442695020e+00, v54;
	[tilespmem:$0x1FD10] =	vst v16;
	v6 =	vadd.f32 v8, v6;
	v8 =	vmul.f32 $1.442695020e+00, v14  }
0x1d8: {  	v45 =	vmul.f32 $1.442695020e+00, v42;
	v53 =	vmul.f32 $1.442695020e+00, v15;
	v15 =	vld [tilespmem:s18+$0xFFFFFF20];
	[tilespmem:$0x1FD40] =	vst v11  }
0x1d9: {  	v24 =	vmul.f32 $1.442695020e+00, v37;
	v7 =	vld [tilespmem:s18+$0xFFFFFF60];
	[tilespmem:$0x1FCB0] =	vst v8;
	v8 =	vmul.f32 $1.442695020e+00, v11  }
0x1da: {  	v46 =	vmul.f32 $1.442695020e+00, v20;
	v2 =	vadd.f32 v9, v2;
	v0 =	vadd.f32 v0, v10;
	v19 =	vld [tilespmem:s18+$0xFFFFFFE0];
	[tilespmem:$0x1FD20] =	vst v4;
	v4 =	vpop (erf)  }
0x1db: {  	s19 =	simm.s32 $0x40;
	v5 =	vmov v14;
	v11 =	vmul.f32 $1.442695020e+00, v43;
	[tilespmem:$0x1FD50] =	vst v8;
	v6 =	vadd.f32 v4, v6;
	v4 =	vld [tilespmem:s18+$0xFFFFFFA0];
	v9 =	vpop (erf)  }
.LBB2_4:
0x1dc: {  	v8 =	vld [tilespmem:$0x1FBF0];
	_ =	sdelay $0x1  }
0x1dd: {  	v1 =	vadd.f32 v9, v1;
	v9 =	vpop (erf)  }
0x1de: {  	v14 =	vld [tilespmem:s18+$0xFFFFFE20];
	v10 =	vadd.f32 v52, v2;
	v13 =	vadd.f32 v9, v6;
	v9 =	vpop (erf)  }
0x1df: {  	v20 =	vadd.f32 v9, v1;
	v9 =	vadd.f32 $0.0e+00, v21  }
0x1e0: {  	v2 =	vpop (erf);
	v21 =	vld [tilespmem:s18+$0xFFFFFE60];
	v0 =	vadd.f32 v8, v0;
	v8 =	vadd.f32 v54, v10  }
0x1e1: {  	v2 =	vadd.f32 v2, v13;
	v6 =	vpop (erf)  }
0x1e2: {  	v10 =	vadd.f32 v6, v0;
	v0 =	vadd.f32 v42, v8;
	v1 =	vpop (erf)  }
0x1e3: {  	(erf) = vpow2.f32 v24;
	v6 =	vadd.f32 v1, v2;
	v2 =	vadd.f32 $0.0e+00, v14  }
0x1e4: {  	v22 =	vadd.f32 v12, v9;
	(erf) = vpow2.f32 v11;
	v9 =	vadd.f32 v43, v0  }
0x1e5: {  	v1 =	vmul.f32 $1.442695020e+00, v14;
	v0 =	vadd.f32 $0.0e+00, v41;
	v2 =	vadd.f32 v21, v2  }
0x1e6: {  	v11 =	vadd.f32 v39, v22;
	v14 =	vmul.f32 $1.442695020e+00, v21;
	(erf) = vpow2.f32 v46  }
0x1e7: {  	(erf) = vpow2.f32 v1;
	v0 =	vadd.f32 v40, v0;
	v2 =	vadd.f32 v26, v2  }
0x1e8: {  	v1 =	vadd.f32 v32, v11;
	v11 =	vmul.f32 $1.442695020e+00, v26;
	(erf) = vpow2.f32 v45  }
0x1e9: {  	(erf) = vpow2.f32 v14;
	v8 =	vadd.f32 v48, v0;
	v2 =	vadd.f32 v17, v2  }
0x1ea: {  	v12 =	vadd.f32 v50, v1;
	(erf) = vpow2.f32 v53  }
0x1eb: {  	(erf) = vpow2.f32 v11;
	v11 =	vadd.f32 v34, v8;
	v8 =	vadd.f32 v15, v2  }
0x1ec: {  	v16 =	vadd.f32 v56, v12  }
0x1ed: {  	v14 =	vmul.f32 $1.442695020e+00, v17;
	v0 =	vpop (erf);
	v8 =	vadd.f32 v7, v8  }
0x1ee: {  	v21 =	vmul.f32 $1.442695020e+00, v15;
	(erf) = vpow2.f32 v35;
	v1 =	vpop (erf)  }
0x1ef: {  	v13 =	vmul.f32 $1.442695020e+00, v4;
	(erf) = vpow2.f32 v14;
	v2 =	vpop (erf);
	v4 =	vadd.f32 v4, v8;
	v8 =	vld [tilespmem:$0x1FC90]  }
0x1f0: {  	v12 =	vadd.f32 v55, v16;
	v14 =	vmul.f32 $1.442695020e+00, v7;
	(erf) = vpow2.f32 v18;
	v16 =	vpop (erf)  }
0x1f1: {  	(erf) = vpow2.f32 v21;
	v7 =	vpop (erf)  }
0x1f2: {  	(erf) = vpow2.f32 v14;
	v16 =	vadd.f32 $0.0e+00, v16;
	v21 =	vpop (erf)  }
0x1f3: {  	(erf) = vpow2.f32 v13;
	v15 =	vpop (erf)  }
0x1f4: {  	v16 =	vadd.f32 v21, v16;
	v21 =	vpop (erf);
	(erf) = vpow2.f32 v8;
	v8 =	vld [tilespmem:$0x1FCA0];
	_ =	sdelay $0x1  }
0x1f5: {  	v17 =	vmul.f32 $1.442695020e+00, v19;
	_ =	sdelay $0x1  }
0x1f6: {  	v14 =	vpop (erf);
	(erf) = vpow2.f32 v17  }
0x1f7: {  	v4 =	vadd.f32 v19, v4;
	v19 =	vpop (erf);
	(erf) = vpow2.f32 v8;
	v8 =	vld [tilespmem:$0x1FC00];
	_ =	sdelay $0x4  }
0x1f8: {  	(erf) = vpow2.f32 v8;
	v8 =	vld [tilespmem:$0x1FC60];
	_ =	sdelay $0x2  }
0x1f9: {  	v16 =	vadd.f32 v21, v16  }
0x1fa: {  	v18 =	vpop (erf)  }
0x1fb: {  	v16 =	vadd.f32 v19, v16;
	v19 =	vpop (erf);
	(erf) = vpow2.f32 v8;
	v8 =	vld [tilespmem:$0x1FC10];
	_ =	sdelay $0x4  }
0x1fc: {  	(erf) = vpow2.f32 v8;
	v8 =	vld [tilespmem:$0x1FC30];
	_ =	sdelay $0x4  }
0x1fd: {  	v17 =	vpop (erf);
	(erf) = vpow2.f32 v8;
	v8 =	vld [tilespmem:$0x1FC20];
	_ =	sdelay $0x3  }
0x1fe: {  	v11 =	vadd.f32 v30, v11  }
0x1ff: {  	v12 =	vadd.f32 v44, v12;
	(erf) = vpow2.f32 v8;
	v8 =	vld [tilespmem:$0x1FC50]  }
0x200: {  	v11 =	vadd.f32 v29, v11  }
0x201: {  	v12 =	vadd.f32 v33, v12  }
0x202: {  	v11 =	vadd.f32 v28, v11;
	v16 =	vadd.f32 v19, v16  }
0x203: {  	v12 =	vadd.f32 v47, v12  }
0x204: {  	v11 =	vadd.f32 v27, v11;
	v16 =	vadd.f32 v17, v16;
	v17 =	vpop (erf);
	(erf) = vpow2.f32 v8;
	v8 =	vld [tilespmem:$0x1FC40];
	_ =	sdelay $0x1  }
0x205: {  	v12 =	vadd.f32 v57, v12;
	v11 =	vadd.f32 v25, v11;
	_ =	sdelay $0x1  }
0x206: {  	v12 =	vadd.f32 v59, v12;
	v11 =	vadd.f32 v23, v11  }
0x207: {  	(erf) = vpow2.f32 v8;
	v8 =	vld [tilespmem:$0x1FCC0]  }
0x208: {  	v12 =	vadd.f32 v60, v12;
	v11 =	vadd.f32 v62, v11;
	_ =	sdelay $0x1  }
0x209: {  	v12 =	vadd.f32 v63, v12;
	v11 =	vadd.f32 v51, v11  }
0x20a: {  	v4 =	vadd.f32 v31, v4  }
0x20b: {  	v11 =	vadd.f32 v8, v11;
	v8 =	vadd.f32 v5, v12;
	v5 =	vld [tilespmem:$0x1FC70]  }
0x20c: {  	v4 =	vadd.f32 v36, v4;
	_ =	sdelay $0x1  }
0x20d: {  	v4 =	vadd.f32 v49, v4  }
0x20e: {  	v16 =	vadd.f32 v17, v16;
	v17 =	vpop (erf)  }
0x20f: {  	v4 =	vadd.f32 v58, v4;
	v19 =	vpop (erf);
	(erf) = vpow2.f32 v5;
	v5 =	vld [tilespmem:$0x1FCF0];
	_ =	sdelay $0x1  }
0x210: {  	v4 =	vadd.f32 v61, v4;
	_ =	sdelay $0x1  }
0x211: {  	v4 =	vadd.f32 v3, v4;
	v3 =	vld [tilespmem:$0x1FC80]  }
0x212: {  	v8 =	vadd.f32 v5, v8;
	v5 =	vld [tilespmem:$0x1FCB0];
	_ =	sdelay $0x3  }
0x213: {  	v16 =	vadd.f32 v19, v16;
	v19 =	vpop (erf);
	(erf) = vpow2.f32 v3  }
0x214: {  	v12 =	vpop (erf);
	(erf) = vpow2.f32 v5;
	v5 =	vld [tilespmem:$0x1FCD0];
	_ =	sdelay $0x4  }
0x215: {  	v4 =	vadd.f32 v5, v4;
	v5 =	vld [tilespmem:$0x1FD10];
	_ =	sdelay $0x4  }
0x216: {  	v13 =	vadd.f32 v12, v16;
	v3 =	vld [tilespmem:$0x1FD30];
	v16 =	vsel vm0, $0x0, v5  }
0x217: {  	v16 =	vadd.f32 v16, v8;
	v8 =	vld [tilespmem:$0x1FCE0];
	_ =	sdelay $0x3  }
0x218: {  	v21 =	vpop (erf)  }
0x219: {  	v3 =	vadd.f32 v3, v11;
	v11 =	vpop (erf);
	(erf) = vpow2.f32 v8;
	v8 =	vld [tilespmem:$0x1FD40];
	_ =	sdelay $0x4  }
0x21a: {  	v4 =	vadd.f32 v8, v4;
	v8 =	vld [tilespmem:$0x1FD00];
	_ =	sdelay $0x4  }
0x21b: {  	v12 =	vpop (erf);
	(erf) = vpow2.f32 v8;
	v8 =	vld [tilespmem:$0x1FD20];
	_ =	sdelay $0x1  }
0x21c: {  	v3 =	vadd.f32 v37, v3  }
0x21d: {  	v11 =	vadd.f32 v11, v13  }
0x21e: {  	v3 =	vadd.f32 v9, v3;
	v9 =	vpop (erf)  }
0x21f: {  	(erf) = vpow2.f32 v8;
	v8 =	vadd.f32 v9, v11;
	v9 =	vld [tilespmem:$0x1FD50];
	_ =	sdelay $0x3  }
0x220: {  	v12 =	vadd.f32 v12, v6  }
0x221: {  	v5 =	vpop (erf);
	v11 =	vadd.f32 v16, v4;
	(erf) = vpow2.f32 v9  }
0x222: {  	v5 =	vadd.f32 v5, v12;
	v6 =	vpop (erf);
	v9 =	vadd.f32 v21, v20  }
0x223: {  	v4 =	vpop (erf);
	v6 =	vadd.f32 v6, v8;
	v11 =	vadd.f32 v11, v3  }
0x224: {  	v8 =	vadd.f32 v17, v10;
	v10 =	vpop (erf);
	v9 =	vadd.f32 v19, v9  }
0x225: {  	v10 =	vadd.f32 v10, v5;
	v4 =	vadd.f32 v4, v6  }
0x226: {  	v3 =	vpop (erf);
	v6 =	vadd.f32 v15, v8;
	v8 =	vadd.f32 v14, v9  }
0x227: {  	v5 =	vpop (erf);
	v3 =	vadd.f32 v3, v10;
	v4 =	vadd.f32 v18, v4  }
0x228: {  	v2 =	vadd.f32 v2, v6;
	v6 =	vadd.f32 v7, v8;
	v7 =	vpop (erf)  }
0x229: {  	v4 =	vadd.f32 v5, v4;
	v3 =	vadd.f32 v7, v3;
	v5 =	vpop (erf)  }
0x22a: {  	v0 =	vadd.f32 v0, v2;
	v1 =	vadd.f32 v1, v6;
	v2 =	vsel vm0, $0x0, v5;
	v5 =	vpop (erf)  }
0x22b: {  	v2 =	vadd.f32 v2, v3;
	v4 =	vadd.f32 v5, v4;
	_ =	sdelay $0x1  }
0x22c: {  	v0 =	vadd.f32 v1, v0;
	v2 =	vadd.f32 v2, v4;
	_ =	sdelay $0x1  }
0x22d: {  	s20 =	sshra.s32 s17, $0x2;
	v0 =	vadd.f32 v2, v0  }
0x22e: {  	[tilespmem:s20+$0x7E00] =	vst v11  }
0x22f: {  	s18 =	sadd.s32 $0x3E8, s18;
	[tilespmem:s20+$0x7D00] =	vst v0  }
0x230: {  	v0 =	vld [tilespmem:s18+$0xFFFFFEA0];
	_ =	sdelay $0x4  }
0x231: {  	[tilespmem:$0x1F880] =	vst v0;
	v0 =	vld [tilespmem:s18+$0xFFFFFEE0];
	_ =	sdelay $0x3  }
0x232: {  	v6 =	vld [tilespmem:s18+$0xFFFFFE10]  }
0x233: {  	[tilespmem:$0x1F780] =	vst v0;
	v0 =	vld [tilespmem:s18+$0xFFFFFF20]  }
0x234: {  	v2 =	vld [tilespmem:s18+$0xFFFFFE50]  }
0x235: {  	v1 =	vld [tilespmem:s18+$0xFFFFFE30]  }
0x236: {  	v8 =	vld [tilespmem:s18+$0xFFFFFE40]  }
0x237: {  	v34 =	vld [tilespmem:s18+$0xFFFFFED0]  }
0x238: {  	[tilespmem:$0x1F7B0] =	vst v0;
	v0 =	vld [tilespmem:s18+$0xFFFFFF60]  }
0x239: {  	v13 =	vld [tilespmem:s18+$0xFFFFFE80]  }
0x23a: {  	v12 =	vld [tilespmem:s18+$0xFFFFFEB0]  }
0x23b: {  	v58 =	vld [tilespmem:s18+$0xFFFFFEC0]  }
0x23c: {  	v16 =	vld [tilespmem:s18+$0xFFFFFF50]  }
0x23d: {  	[tilespmem:$0x1F7F0] =	vst v0;
	v0 =	vld [tilespmem:s18+$0xFFFFFFA0]  }
0x23e: {  	v41 =	vld [tilespmem:s18+$0xFFFFFF30]  }
0x23f: {  	v40 =	vld [tilespmem:s18+$0xFFFFFF70]  }
0x240: {  	v39 =	vld [tilespmem:s18+$0xFFFFFFB0]  }
0x241: {  	v22 =	vld [tilespmem:s18+$0xFFFFFFF0]  }
0x242: {  	[tilespmem:$0x1F8B0] =	vst v0;
	v0 =	vld [tilespmem:s18+$0xFFFFFFE0]  }
0x243: {  	v25 =	vld [tilespmem:s18+$0x30]  }
0x244: {  	v23 =	vld [tilespmem:s18+$0x70]  }
0x245: {  	v61 =	vld [tilespmem:s18+$0x120]  }
0x246: {  	v32 =	vld [tilespmem:s18+$0x130]  }
0x247: {  	v28 =	vmul.f32 $1.442695020e+00, v6;
	[tilespmem:$0x1F770] =	vst v0;
	v0 =	vld [tilespmem:s18+$0xFFFFFE90]  }
0x248: {  	v31 =	vld [tilespmem:s18+$0x1A0];
	v43 =	vmul.f32 $1.442695020e+00, v2;
	v27 =	vmul.f32 $1.442695020e+00, v1  }
0x249: {  	v63 =	vld [tilespmem:s18+$0x150];
	[tilespmem:$0x1F860] =	vst v1;
	v42 =	vmul.f32 $1.442695020e+00, v8;
	v1 =	vmul.f32 $1.442695020e+00, v34  }
0x24a: {  	[tilespmem:$0x1F7E0] =	vst v2;
	v2 =	vld [tilespmem:s18+$0xFFFFFE70];
	v30 =	vmul.f32 $1.442695020e+00, v12;
	v19 =	vmul.f32 $1.442695020e+00, v41  }
0x24b: {  	v54 =	vmul.f32 $1.442695020e+00, v23;
	[tilespmem:$0x1FCC0] =	vst v32;
	v53 =	vmul.f32 $1.442695020e+00, v32;
	v32 =	vld [tilespmem:s18+$0x1E0]  }
0x24c: {  	v5 =	vmul.f32 $1.442695020e+00, v61;
	[tilespmem:$0x1F8C0] =	vst v0;
	v45 =	vmul.f32 $1.442695020e+00, v0;
	v0 =	vld [tilespmem:s18+$0xFFFFFF10]  }
0x24d: {  	v51 =	vld [tilespmem:s18+$0xF0];
	v37 =	vmul.f32 $1.442695020e+00, v39;
	v26 =	vmul.f32 $1.442695020e+00, v25;
	[tilespmem:$0x1FCD0] =	vst v31  }
0x24e: {  	v52 =	vld [tilespmem:s18+$0x100];
	v17 =	vmul.f32 $1.442695020e+00, v22;
	(erf) = vpow2.f32 v54;
	[tilespmem:$0x1FC70] =	vst v5  }
0x24f: {  	(erf) = vpow2.f32 v26;
	[tilespmem:$0x1F890] =	vst v2;
	v29 =	vmul.f32 $1.442695020e+00, v2;
	v2 =	vld [tilespmem:s18+$0xFFFFFEF0]  }
0x250: {  	v10 =	vld [tilespmem:s18+$0xFFFFFF90];
	(erf) = vpow2.f32 v17;
	v17 =	vmul.f32 $1.442695020e+00, v63;
	[tilespmem:$0x1FD40] =	vst v32  }
0x251: {  	v38 =	vmul.f32 $1.442695020e+00, v40;
	v5 =	vld [tilespmem:s18+$0x190];
	[tilespmem:$0x1F830] =	vst v0;
	v0 =	vmul.f32 $1.442695020e+00, v0  }
0x252: {  	v7 =	vld [tilespmem:s18+$0xFFFFFFD0];
	(erf) = vpow2.f32 v37;
	[tilespmem:$0x1FC80] =	vst v17;
	v17 =	vmul.f32 $1.442695020e+00, v51  }
0x253: {  	v49 =	vld [tilespmem:s18+$0xFFFFFF00];
	(erf) = vpow2.f32 v38;
	[tilespmem:$0x1F790] =	vst v0;
	v0 =	vmul.f32 $1.442695020e+00, v16  }
0x254: {  	v33 =	vld [tilespmem:s18+$0x10];
	[tilespmem:$0x1FC90] =	vst v17;
	v17 =	vmul.f32 $1.442695020e+00, v52;
	v18 =	vmul.f32 $1.442695020e+00, v2  }
0x255: {  	v56 =	vld [tilespmem:s18+$0xFFFFFF40];
	(erf) = vpow2.f32 v19;
	[tilespmem:$0x1F7A0] =	vst v0;
	v0 =	vmul.f32 $1.442695020e+00, v10  }
0x256: {  	v44 =	vld [tilespmem:s18+$0x20];
	[tilespmem:$0x1FCA0] =	vst v17;
	v17 =	vmul.f32 $1.442695020e+00, v5;
	(erf) = vpow2.f32 v18  }
0x257: {  	v37 =	vld [tilespmem:s18+$0x1E8];
	(erf) = vpow2.f32 v30;
	[tilespmem:$0x1F7C0] =	vst v0;
	v0 =	vmul.f32 $1.442695020e+00, v7  }
0x258: {  	v47 =	vld [tilespmem:s18+$0x50];
	v24 =	vmul.f32 $1.442695020e+00, v13;
	[tilespmem:$0x1FCB0] =	vst v17;
	(erf) = vpow2.f32 v29  }
0x259: {  	v50 =	vld [tilespmem:s18+$0x0];
	(erf) = vpow2.f32 v27;
	v27 =	vpop (erf);
	[tilespmem:$0x1F800] =	vst v0;
	v0 =	vmul.f32 $1.442695020e+00, v33  }
0x25a: {  	v46 =	vmul.f32 $1.442695020e+00, v58;
	v38 =	vld [tilespmem:s18+$0x170];
	v17 =	vmul.f32 $1.442695020e+00, v31;
	[tilespmem:$0x1FBF0] =	vst v27  }
0x25b: {  	v31 =	vld [tilespmem:s18+$0x1B0];
	(erf) = vpow2.f32 v42;
	v27 =	vpop (erf);
	[tilespmem:$0x1F820] =	vst v0;
	v0 =	vmul.f32 $1.442695020e+00, v44  }
0x25c: {  	v36 =	vld [tilespmem:s18+$0x60];
	v11 =	vmul.f32 $1.442695020e+00, v49;
	[tilespmem:$0x1FD10] =	vst v37;
	(erf) = vpow2.f32 v28;
	v28 =	vpop (erf)  }
0x25d: {  	v48 =	vld [tilespmem:s18+$0xFFFFFF80];
	v32 =	vmul.f32 $1.442695020e+00, v32;
	v29 =	vpop (erf);
	[tilespmem:$0x1FC00] =	vst v0;
	v0 =	vmul.f32 $1.442695020e+00, v47  }
0x25e: {  	v15 =	vld [tilespmem:s18+$0x90];
	[tilespmem:$0x1FCE0] =	vst v17;
	v17 =	vmul.f32 $1.442695020e+00, v37;
	(erf) = vpow2.f32 v24;
	v30 =	vpop (erf)  }
0x25f: {  	v20 =	vld [tilespmem:s18+$0x40];
	v24 =	vadd.f32 $0.0e+00, v8;
	(erf) = vpow2.f32 v43;
	v8 =	vpop (erf);
	[tilespmem:$0x1F870] =	vst v0;
	v0 =	vmul.f32 $1.442695020e+00, v50  }
0x260: {  	[tilespmem:$0x1FD30] =	vst v38;
	v37 =	vmov v31;
	(erf) = vpow2.f32 v46;
	v46 =	vmul.f32 $1.442695020e+00, v38;
	v31 =	vpop (erf);
	v38 =	vld [tilespmem:$0x1F790]  }
0x261: {  	v57 =	vld [tilespmem:s18+$0xA0];
	v24 =	vadd.f32 v13, v24;
	v13 =	vpop (erf);
	(erf) = vpow2.f32 v45;
	[tilespmem:$0x1F7D0] =	vst v0;
	v0 =	vmul.f32 $1.442695020e+00, v36  }
0x262: {  	v21 =	vmul.f32 $1.442695020e+00, v56;
	[tilespmem:$0x1FD50] =	vst v32;
	v32 =	vpop (erf);
	(erf) = vpow2.f32 v11  }
0x263: {  	v59 =	vld [tilespmem:s18+$0xD0];
	v11 =	vpop (erf);
	(erf) = vpow2.f32 v1;
	[tilespmem:$0x1FC10] =	vst v0;
	v0 =	vmul.f32 $1.442695020e+00, v15  }
0x264: {  	v14 =	vmul.f32 $1.442695020e+00, v48;
	v1 =	vadd.f32 v58, v24;
	v58 =	vpop (erf);
	(erf) = vpow2.f32 v21  }
0x265: {  	v4 =	vld [tilespmem:s18+$0x80];
	(erf) = vpow2.f32 v38;
	v38 =	vadd.f32 $0.0e+00, v58;
	v58 =	vpop (erf);
	[tilespmem:$0x1F8A0] =	vst v0;
	v0 =	vmul.f32 $1.442695020e+00, v20  }
0x266: {  	v3 =	vmul.f32 $1.442695020e+00, v57;
	(erf) = vpow2.f32 v14;
	v14 =	vadd.f32 $0.0e+00, v58;
	v58 =	vld [tilespmem:$0x1F7A0]  }
0x267: {  	[tilespmem:$0x1F810] =	vst v0;
	v0 =	vld [tilespmem:s18+$0xE0]  }
0x268: {  	[tilespmem:$0x1FC20] =	vst v3;
	v3 =	vmul.f32 $1.442695020e+00, v59  }
0x269: {  	v55 =	vld [tilespmem:s18+$0xFFFFFFC0];
	v21 =	vadd.f32 $0.0e+00, v11  }
0x26a: {  	[tilespmem:$0x1FC30] =	vst v3;
	v3 =	vmul.f32 $1.442695020e+00, v4  }
0x26b: {  	v21 =	vadd.f32 v32, v21  }
0x26c: {  	[tilespmem:$0x1F840] =	vst v3;
	v32 =	vpop (erf);
	(erf) = vpow2.f32 v58;
	v3 =	vmul.f32 $1.442695020e+00, v0;
	v58 =	vmov v0;
	v0 =	vld [tilespmem:$0x1F7C0];
	_ =	sdelay $0x1  }
0x26d: {  	[tilespmem:$0x1F850] =	vst v2;
	v2 =	vmul.f32 $1.442695020e+00, v55;
	_ =	sdelay $0x1  }
0x26e: {  	v38 =	vadd.f32 v32, v38;
	v32 =	vpop (erf);
	(erf) = vpow2.f32 v2  }
0x26f: {  	v2 =	vadd.f32 v32, v14;
	v14 =	vpop (erf);
	(erf) = vpow2.f32 v0;
	v0 =	vld [tilespmem:$0x1F7D0];
	_ =	sdelay $0x3  }
0x270: {  	v13 =	vadd.f32 v13, v21  }
0x271: {  	v21 =	vmov v6;
	v6 =	vadd.f32 v14, v38;
	v14 =	vpop (erf);
	(erf) = vpow2.f32 v0;
	v0 =	vld [tilespmem:$0x1F800];
	_ =	sdelay $0x4  }
0x272: {  	v2 =	vadd.f32 v14, v2;
	v14 =	vpop (erf);
	(erf) = vpow2.f32 v0;
	v0 =	vld [tilespmem:$0x1F810];
	_ =	sdelay $0x2  }
0x273: {  	v60 =	vld [tilespmem:s18+$0x110]  }
0x274: {  	v19 =	vld [tilespmem:s18+$0x1D0]  }
0x275: {  	v6 =	vadd.f32 v14, v6;
	v14 =	vpop (erf);
	(erf) = vpow2.f32 v0;
	v0 =	vld [tilespmem:$0x1F820]  }
0x276: {  	v62 =	vld [tilespmem:s18+$0xB0]  }
0x277: {  	v9 =	vld [tilespmem:s18+$0xC0];
	v1 =	vadd.f32 v49, v1  }
0x278: {  	v54 =	vld [tilespmem:s18+$0x140]  }
0x279: {  	v42 =	vld [tilespmem:s18+$0x180];
	v1 =	vadd.f32 v56, v1  }
0x27a: {  	[tilespmem:$0x1FCF0] =	vst v19;
	v56 =	vmov v16;
	v16 =	vadd.f32 v31, v13;
	v13 =	vpop (erf);
	(erf) = vpow2.f32 v0;
	v0 =	vld [tilespmem:$0x1F840]  }
0x27b: {  	v19 =	vmul.f32 $1.442695020e+00, v19;
	[tilespmem:$0x1FD20] =	vst v17;
	v17 =	vld [tilespmem:$0x1F780]  }
0x27c: {  	v43 =	vld [tilespmem:s18+$0x1C0];
	v1 =	vadd.f32 v48, v1  }
0x27d: {  	[tilespmem:$0x1FD00] =	vst v19;
	v19 =	vld [tilespmem:$0x1F770]  }
0x27e: {  	v48 =	vmov v12;
	v12 =	vld [tilespmem:$0x1F7E0];
	v1 =	vadd.f32 v55, v1;
	v8 =	vadd.f32 v8, v16  }
0x27f: {  	v55 =	vmov v10;
	v10 =	vpop (erf);
	[tilespmem:$0x1FC40] =	vst v3;
	v3 =	vmul.f32 $1.442695020e+00, v60;
	(erf) = vpow2.f32 v0;
	v0 =	vld [tilespmem:$0x1F870]  }
0x280: {  	v26 =	vmul.f32 $1.442695020e+00, v62;
	v35 =	vmul.f32 $1.442695020e+00, v54;
	v31 =	vmovc v44;
	v44 =	vmovc v7;
	v7 =	vld [tilespmem:$0x1F7F0];
	v8 =	vadd.f32 v30, v8  }
0x281: {  	v45 =	vmul.f32 $1.442695020e+00, v42;
	v30 =	vmov v41;
	v41 =	vld [tilespmem:$0x1F860];
	[tilespmem:$0x1FC50] =	vst v3;
	v3 =	vmul.f32 $1.442695020e+00, v9  }
0x282: {  	v24 =	vmul.f32 $1.442695020e+00, v37;
	v8 =	vadd.f32 v29, v8;
	v29 =	vmovc v40;
	v40 =	vld [tilespmem:$0x1F890];
	v2 =	vadd.f32 v14, v2  }
0x283: {  	v11 =	vmul.f32 $1.442695020e+00, v43;
	v1 =	vadd.f32 v50, v1;
	v6 =	vadd.f32 v13, v6;
	[tilespmem:$0x1FC60] =	vst v3;
	v3 =	vld [tilespmem:s18+$0x160]  }
0x284: {  	v49 =	vmov v57;
	v2 =	vadd.f32 v10, v2;
	v10 =	vpop (erf);
	(erf) = vpow2.f32 v0;
	v0 =	vld [tilespmem:$0x1F8A0]  }
0x285: {  	p0 =	sne.s32 s19, $0x3C0;
	v57 =	vmov v15;
	v50 =	vld [tilespmem:$0x1F830];
	v13 =	vadd.f32 v20, v1;
	v6 =	vadd.f32 v10, v6;
	v10 =	vpop (erf)  }
.Ltmp1:
0x286: {  	v8 =	vadd.f32 v28, v8;
	v28 =	vmov v39;
	v39 =	vld [tilespmem:$0x1F8C0];
	v2 =	vadd.f32 v10, v2;
	v10 =	vpop (erf);
	(pc) =	sbr.rel @p0 .LBB2_4-.Ltmp1, $4  }
0x287: {  	v32 =	vmov v34;
	v34 =	vld [tilespmem:$0x1F850];
	v14 =	vadd.f32 v10, v6;
	v6 =	vadd.f32 v4, v13;
	v1 =	vpop (erf)  }
0x288: {  	v15 =	vld [tilespmem:$0x1F7B0];
	v18 =	vmul.f32 $1.442695020e+00, v3;
	v10 =	vadd.f32 v1, v2;
	v1 =	vpop (erf);
	(erf) = vpow2.f32 v26  }
0x289: {  	v4 =	vld [tilespmem:$0x1F8B0];
	v2 =	vadd.f32 v9, v6;
	v1 =	vadd.f32 v1, v14;
	(erf) = vpow2.f32 v0;
	v0 =	vpop (erf)  }
0x28a: {  	s17 =	smov.u32 s19;
	s19 =	sadd.s32 $0x40, s19;
	v26 =	vld [tilespmem:$0x1F880];
	v6 =	vadd.f32 v0, v10;
	v0 =	vadd.f32 v27, v8;
	v27 =	vmov v22;
	v9 =	vpop (erf)  }
0x28b: {  	v38 =	vld [tilespmem:s18+$0xFFFFFE20];
	_ =	sdelay $0x2  }
0x28c: {  	v1 =	vadd.f32 v9, v1;
	v2 =	vadd.f32 v52, v2;
	v8 =	vpop (erf)  }
0x28d: {  	v10 =	vadd.f32 $0.0e+00, v21;
	v13 =	vld [tilespmem:s18+$0xFFFFFE60];
	(erf) = vpow2.f32 v24;
	v6 =	vadd.f32 v8, v6  }
0x28e: {  	v22 =	vld [tilespmem:$0x1FBF0];
	v52 =	vpop (erf);
	v24 =	vmul.f32 $1.442695020e+00, v38;
	v8 =	vadd.f32 $0.0e+00, v38;
	v38 =	vadd.f32 $0.0e+00, v41  }
0x28f: {  	(erf) = vpow2.f32 v11;
	v54 =	vadd.f32 v54, v2;
	v16 =	vpop (erf);
	v10 =	vadd.f32 v12, v10  }
0x290: {  	(erf) = vpow2.f32 v46;
	v6 =	vadd.f32 v16, v6;
	v11 =	vadd.f32 v40, v38  }
0x291: {  	v21 =	vadd.f32 v42, v54;
	v10 =	vadd.f32 v39, v10;
	v42 =	vmul.f32 $1.442695020e+00, v15  }
0x292: {  	v39 =	vmul.f32 $1.442695020e+00, v13;
	v8 =	vadd.f32 v13, v8;
	v11 =	vadd.f32 v48, v11  }
0x293: {  	v0 =	vadd.f32 v22, v0;
	v41 =	vmul.f32 $1.442695020e+00, v17;
	v20 =	vpop (erf);
	(erf) = vpow2.f32 v24  }
0x294: {  	v22 =	vpop (erf);
	(erf) = vpow2.f32 v45;
	v8 =	vadd.f32 v26, v8;
	v11 =	vadd.f32 v34, v11  }
0x295: {  	v10 =	vadd.f32 v32, v10;
	v40 =	vmul.f32 $1.442695020e+00, v26;
	(erf) = vpow2.f32 v39  }
0x296: {  	(erf) = vpow2.f32 v53;
	v8 =	vadd.f32 v17, v8;
	v11 =	vadd.f32 v30, v11  }
0x297: {  	v2 =	vadd.f32 v20, v0;
	v10 =	vadd.f32 v50, v10;
	(erf) = vpow2.f32 v40  }
0x298: {  	(erf) = vpow2.f32 v35;
	v8 =	vadd.f32 v15, v8;
	v11 =	vadd.f32 v29, v11  }
0x299: {  	v16 =	vld [tilespmem:$0x1FC90];
	v0 =	vadd.f32 v43, v21;
	v12 =	vpop (erf);
	v10 =	vadd.f32 v56, v10;
	(erf) = vpow2.f32 v41  }
0x29a: {  	v20 =	vld [tilespmem:$0x1FC00];
	v13 =	vpop (erf);
	(erf) = vpow2.f32 v18;
	v8 =	vadd.f32 v7, v8;
	v50 =	vadd.f32 v28, v11  }
0x29b: {  	v43 =	vmul.f32 $1.442695020e+00, v7;
	v21 =	vld [tilespmem:$0x1FC60];
	v9 =	vpop (erf);
	v10 =	vadd.f32 v55, v10;
	(erf) = vpow2.f32 v42  }
0x29c: {  	v46 =	vmul.f32 $1.442695020e+00, v4;
	v24 =	vld [tilespmem:$0x1FC30];
	v14 =	vpop (erf);
	v48 =	vadd.f32 v4, v8;
	v8 =	vadd.f32 v27, v50  }
0x29d: {  	v55 =	vld [tilespmem:$0x1FCA0];
	v10 =	vadd.f32 v44, v10;
	(erf) = vpow2.f32 v43;
	v45 =	vadd.f32 $0.0e+00, v14;
	v15 =	vpop (erf)  }
0x29e: {  	v1 =	vadd.f32 v52, v1;
	v38 =	vld [tilespmem:$0x1FD30];
	v53 =	vmul.f32 $1.442695020e+00, v19;
	v52 =	vpop (erf);
	v8 =	vadd.f32 v25, v8  }
0x29f: {  	v26 =	vld [tilespmem:$0x1FC20];
	v10 =	vadd.f32 v33, v10;
	(erf) = vpow2.f32 v46;
	v7 =	vadd.f32 v52, v45;
	v14 =	vpop (erf)  }
0x2a0: {  	(erf) = vpow2.f32 v16;
	v54 =	vpop (erf);
	v8 =	vadd.f32 v23, v8;
	v23 =	vld [tilespmem:$0x1FC10]  }
0x2a1: {  	v39 =	vld [tilespmem:$0x1FCB0];
	v10 =	vadd.f32 v47, v10;
	(erf) = vpow2.f32 v53;
	v7 =	vadd.f32 v54, v7;
	v11 =	vpop (erf)  }
0x2a2: {  	v34 =	vld [tilespmem:$0x1FC80];
	v4 =	vadd.f32 v19, v48;
	(erf) = vpow2.f32 v55;
	v56 =	vpop (erf)  }
0x2a3: {  	v27 =	vld [tilespmem:$0x1FC50];
	v10 =	vadd.f32 v57, v10;
	(erf) = vpow2.f32 v20;
	v7 =	vadd.f32 v56, v7;
	v16 =	vpop (erf)  }
0x2a4: {  	v6 =	vadd.f32 v22, v6;
	v29 =	vld [tilespmem:$0x1FC40];
	v4 =	vadd.f32 v31, v4;
	(erf) = vpow2.f32 v21;
	v22 =	vpop (erf)  }
0x2a5: {  	v31 =	vld [tilespmem:$0x1FC70];
	v10 =	vadd.f32 v59, v10;
	v7 =	vadd.f32 v22, v7;
	(erf) = vpow2.f32 v23  }
0x2a6: {  	v41 =	vld [tilespmem:$0x1FCF0];
	v4 =	vadd.f32 v36, v4;
	v25 =	vpop (erf);
	(erf) = vpow2.f32 v24  }
0x2a7: {  	v46 =	vld [tilespmem:$0x1FD10];
	v10 =	vadd.f32 v60, v10;
	v7 =	vadd.f32 v25, v7;
	(erf) = vpow2.f32 v26  }
0x2a8: {  	v33 =	vld [tilespmem:$0x1FCC0];
	v4 =	vadd.f32 v49, v4;
	v8 =	vadd.f32 v62, v8;
	v28 =	vpop (erf);
	(erf) = vpow2.f32 v27  }
0x2a9: {  	v43 =	vld [tilespmem:$0x1FCE0];
	v10 =	vadd.f32 v63, v10;
	v30 =	vpop (erf);
	v7 =	vadd.f32 v28, v7;
	(erf) = vpow2.f32 v29  }
0x2aa: {  	v45 =	vld [tilespmem:$0x1FD00];
	v4 =	vadd.f32 v58, v4;
	v8 =	vadd.f32 v51, v8;
	v32 =	vpop (erf);
	(erf) = vpow2.f32 v31  }
0x2ab: {  	v48 =	vld [tilespmem:$0x1FD20];
	v10 =	vadd.f32 v5, v10;
	v35 =	vpop (erf);
	v7 =	vadd.f32 v32, v7;
	(erf) = vpow2.f32 v34  }
0x2ac: {  	v50 =	vld [tilespmem:$0x1FD50];
	v47 =	vsel vm0, $0x0, v46;
	v2 =	vadd.f32 v30, v2;
	v4 =	vadd.f32 v61, v4;
	v36 =	vpop (erf)  }
0x2ad: {  	v17 =	vld [tilespmem:$0x1FB10];
	v8 =	vadd.f32 v33, v8;
	v40 =	vpop (erf);
	v7 =	vadd.f32 v36, v7;
	(erf) = vpow2.f32 v39  }
0x2ae: {  	v18 =	vld [tilespmem:$0x1FAB0];
	v10 =	vadd.f32 v41, v10;
	v2 =	vadd.f32 v14, v2;
	(erf) = vpow2.f32 v43;
	v44 =	vpop (erf)  }
0x2af: {  	v42 =	vld [tilespmem:$0x1FCD0];
	v4 =	vadd.f32 v3, v4;
	(erf) = vpow2.f32 v45;
	v7 =	vadd.f32 v44, v7;
	v20 =	vpop (erf)  }
0x2b0: {  	v52 =	vld [tilespmem:$0x1FD40];
	v3 =	vadd.f32 v38, v8;
	v5 =	vadd.f32 v47, v10;
	(erf) = vpow2.f32 v48;
	v49 =	vpop (erf)  }
0x2b1: {  	v22 =	vld [tilespmem:$0x1F8D0];
	v6 =	vadd.f32 v20, v6;
	(erf) = vpow2.f32 v50;
	v7 =	vadd.f32 v49, v7;
	v51 =	vpop (erf)  }
0x2b2: {  	v63 =	vld [tilespmem:$0x1FB30];
	v2 =	vadd.f32 v9, v2;
	v1 =	vadd.f32 v40, v1;
	v53 =	vpop (erf)  }
0x2b3: {  	v23 =	vld [tilespmem:$0x1F8F0];
	v6 =	vadd.f32 v51, v6;
	v7 =	vadd.f32 v53, v7;
	v54 =	vpop (erf)  }
0x2b4: {  	v24 =	vld [tilespmem:$0x1F900];
	v4 =	vadd.f32 v42, v4;
	v1 =	vadd.f32 v35, v1;
	v55 =	vpop (erf)  }
0x2b5: {  	v28 =	vld [tilespmem:$0x1F950];
	v7 =	vadd.f32 v54, v7;
	v6 =	vadd.f32 v55, v6  }
0x2b6: {  	v33 =	vld [tilespmem:$0x1F9B0];
	v3 =	vadd.f32 v37, v3;
	v1 =	vadd.f32 v11, v1;
	v56 =	vpop (erf)  }
0x2b7: {  	v26 =	vld [tilespmem:$0x1F920];
	v57 =	vpop (erf);
	v7 =	vadd.f32 v16, v7;
	v6 =	vadd.f32 v56, v6  }
0x2b8: {  	v14 =	vld [tilespmem:$0x1FBC0];
	v2 =	vadd.f32 v12, v2;
	v1 =	vadd.f32 v15, v1;
	v58 =	vpop (erf)  }
0x2b9: {  	v29 =	vld [tilespmem:$0x1F960];
	v59 =	vpop (erf);
	v7 =	vadd.f32 v57, v7;
	v6 =	vadd.f32 v58, v6  }
0x2ba: {  	v9 =	vld [tilespmem:$0x1F990];
	v4 =	vadd.f32 v52, v4;
	v1 =	vadd.f32 v13, v1;
	v8 =	vsel vm0, $0x0, v59;
	v60 =	vpop (erf)  }
0x2bb: {  	v47 =	vld [tilespmem:$0x1FAA0];
	v7 =	vadd.f32 v60, v7;
	v6 =	vadd.f32 v8, v6  }
0x2bc: {  	v31 =	vld [tilespmem:$0x1F980];
	v0 =	vadd.f32 v0, v3;
	v61 =	vadd.f32 v5, v4  }
0x2bd: {  	v1 =	vadd.f32 v1, v2;
	v8 =	vld [tilespmem:$0x1F930];
	v62 =	vadd.f32 v6, v7  }
0x2be: {  	v36 =	vld [tilespmem:$0x1F9E0];
	v0 =	vadd.f32 v61, v0  }
0x2bf: {  	s17 =	sshra.s32 s17, $0x2;
	v37 =	vld [tilespmem:$0x1F9F0];
	v1 =	vadd.f32 v62, v1  }
0x2c0: {  	v40 =	vld [tilespmem:$0x1FA20];
	[tilespmem:s17+$0x7E00] =	vst v0  }
0x2c1: {  	v34 =	vld [tilespmem:$0x1F9C0];
	[tilespmem:s17+$0x7D00] =	vst v1  }
0x2c2: {  	v0 =	vld.idx.msk [tilespmem:v63+s12+$0x0], $0xffff  }
0x2c3: {  	v25 =	vld.idx.msk [tilespmem:v24+s12+$0x0], $0xffff  }
0x2c4: {  	v42 =	vld [tilespmem:$0x1FA40]  }
0x2c5: {  	v27 =	vld.idx.msk [tilespmem:v8+s12+$0x0], $0xffff  }
0x2c6: {  	v12 =	vld [tilespmem:$0x1FA80];
	v1 =	vadd.f32 v23, v22  }
0x2c7: {  	v30 =	vld.idx.msk [tilespmem:v29+s12+$0x0], $0xffff  }
0x2c8: {  	v43 =	vld [tilespmem:$0x1FA50];
	v1 =	vadd.f32 v26, v1;
	v0 =	vadd.f32 v25, v0  }
0x2c9: {  	v32 =	vld.idx.msk [tilespmem:v9+s12+$0x0], $0xffff  }
0x2ca: {  	v39 =	vld [tilespmem:$0x1FA10];
	v1 =	vadd.f32 v28, v1;
	v0 =	vadd.f32 v27, v0  }
0x2cb: {  	v35 =	vld.idx.msk [tilespmem:v34+s12+$0x0], $0xffff  }
0x2cc: {  	v45 =	vld [tilespmem:$0x1FA70];
	v1 =	vadd.f32 v31, v1;
	v0 =	vadd.f32 v30, v0  }
0x2cd: {  	v38 =	vld.idx.msk [tilespmem:v37+s12+$0x0], $0xffff  }
0x2ce: {  	v13 =	vld [tilespmem:$0x1FAE0];
	v1 =	vadd.f32 v33, v1;
	v0 =	vadd.f32 v32, v0  }
0x2cf: {  	v41 =	vld.idx.msk [tilespmem:v40+s12+$0x0], $0xffff  }
0x2d0: {  	v15 =	vld [tilespmem:$0x1FB90];
	v1 =	vadd.f32 v36, v1;
	v0 =	vadd.f32 v35, v0  }
0x2d1: {  	v44 =	vld.idx.msk [tilespmem:v43+s12+$0x0], $0xffff  }
0x2d2: {  	v16 =	vld [tilespmem:$0x1FB50];
	v1 =	vadd.f32 v39, v1;
	v0 =	vadd.f32 v38, v0  }
0x2d3: {  	v46 =	vld.idx.msk [tilespmem:v12+s12+$0x0], $0xffff  }
0x2d4: {  	v49 =	vld [tilespmem:$0x1FAD0];
	v1 =	vadd.f32 v42, v1;
	v0 =	vadd.f32 v41, v0  }
0x2d5: {  	v48 =	vld.idx.msk [tilespmem:v18+s12+$0x0], $0xffff  }
0x2d6: {  	v51 =	vld [tilespmem:$0x1FB00];
	v1 =	vadd.f32 v45, v1;
	v0 =	vadd.f32 v44, v0  }
0x2d7: {  	v50 =	vld.idx.msk [tilespmem:v13+s12+$0x0], $0xffff  }
0x2d8: {  	v53 =	vld [tilespmem:$0x1FB40];
	v1 =	vadd.f32 v47, v1;
	v0 =	vadd.f32 v46, v0  }
0x2d9: {  	v52 =	vld.idx.msk [tilespmem:v17+s12+$0x0], $0xffff  }
0x2da: {  	v55 =	vld [tilespmem:$0x1FB80];
	v1 =	vadd.f32 v49, v1;
	v0 =	vadd.f32 v48, v0  }
0x2db: {  	v54 =	vld.idx.msk [tilespmem:v16+s12+$0x0], $0xffff  }
0x2dc: {  	v57 =	vld [tilespmem:$0x1FBB0];
	v1 =	vadd.f32 v51, v1;
	v0 =	vadd.f32 v50, v0  }
0x2dd: {  	v56 =	vld.idx.msk [tilespmem:v15+s12+$0x0], $0xffff  }
0x2de: {  	v1 =	vadd.f32 v53, v1;
	v0 =	vadd.f32 v52, v0  }
0x2df: {  	v58 =	vld.idx.msk [tilespmem:v14+s12+$0x0], $0xffff  }
0x2e0: {  	v61 =	vld [tilespmem:$0x1F8E0];
	v1 =	vadd.f32 v55, v1;
	v0 =	vadd.f32 v54, v0  }
0x2e1: {  	v62 =	vld [tilespmem:$0x1F940]  }
0x2e2: {  	v22 =	vld [tilespmem:$0x1F910];
	v1 =	vadd.f32 v57, v1;
	v0 =	vadd.f32 v56, v0  }
0x2e3: {  	v23 =	vld [tilespmem:$0x1F970]  }
0x2e4: {  	v63 =	vld.idx.msk [tilespmem:v63+s13+$0x0], $0xffff;
	v59 =	vand.u32 $0x7FFFFF, v1;
	v0 =	vadd.f32 v58, v0  }
0x2e5: {  	v24 =	vld.idx.msk [tilespmem:v24+s13+$0x0], $0xffff;
	v2 =	vor.u32 $0x3F800000, v59  }
0x2e6: {  	v29 =	vld.idx.msk [tilespmem:v29+s13+$0x0], $0xffff;
	v60 =	vadd.f32 $1.000000000e+00, v2;
	v4 =	vand.u32 $0x7FFFFF, v0  }
0x2e7: {  	v26 =	vld [tilespmem:$0x1F9A0];
	v5 =	vadd.f32 v22, v61;
	v4 =	vor.u32 $0x3F800000, v4  }
0x2e8: {  	v27 =	vld.idx.msk [tilespmem:v8+s13+$0x0], $0xffff;
	(erf) = vrcp.f32 v60;
	v25 =	vadd.f32 $1.000000000e+00, v4  }
0x2e9: {  	v9 =	vld.idx.msk [tilespmem:v9+s13+$0x0], $0xffff;
	v3 =	vadd.f32 v62, v5  }
0x2ea: {  	v28 =	vld [tilespmem:$0x1F9D0];
	(erf) = vrcp.f32 v25  }
0x2eb: {  	v40 =	vld.idx.msk [tilespmem:v40+s13+$0x0], $0xffff;
	v5 =	vadd.f32 v24, v63;
	v3 =	vadd.f32 v23, v3  }
0x2ec: {  	v30 =	vld [tilespmem:$0x1FA00]  }
0x2ed: {  	v33 =	vld.idx.msk [tilespmem:v34+s13+$0x0], $0xffff;
	v3 =	vadd.f32 v26, v3;
	v5 =	vadd.f32 v27, v5  }
0x2ee: {  	v32 =	vld [tilespmem:$0x1FA30]  }
0x2ef: {  	v36 =	vld.idx.msk [tilespmem:v37+s13+$0x0], $0xffff;
	v3 =	vadd.f32 v28, v3;
	v5 =	vadd.f32 v29, v5  }
0x2f0: {  	v35 =	vld [tilespmem:$0x1FA60];
	v2 =	vadd.f32 $-1.000000000e+00, v2  }
0x2f1: {  	v43 =	vld.idx.msk [tilespmem:v43+s13+$0x0], $0xffff;
	v3 =	vadd.f32 v30, v3;
	v5 =	vadd.f32 v9, v5;
	v31 =	vpop (erf)  }
0x2f2: {  	v39 =	vld [tilespmem:$0x1FA90];
	v4 =	vadd.f32 $-1.000000000e+00, v4;
	v2 =	vmul.f32 v31, v2  }
0x2f3: {  	v13 =	vld.idx.msk [tilespmem:v13+s13+$0x0], $0xffff;
	v3 =	vadd.f32 v32, v3;
	v5 =	vadd.f32 v33, v5;
	v38 =	vpop (erf)  }
0x2f4: {  	v42 =	vld [tilespmem:$0x1FAC0];
	v34 =	vmul.f32 v2, v2;
	v4 =	vmul.f32 v38, v4  }
0x2f5: {  	v45 =	vld [tilespmem:$0x1FAF0];
	v3 =	vadd.f32 v35, v3;
	v5 =	vadd.f32 v36, v5  }
0x2f6: {  	v46 =	vld.idx.msk [tilespmem:v12+s13+$0x0], $0xffff;
	v37 =	vmul.f32 $1.111111120e-01, v34;
	v44 =	vmul.f32 v4, v4  }
0x2f7: {  	v49 =	vld.idx.msk [tilespmem:v18+s13+$0x0], $0xffff;
	v3 =	vadd.f32 v39, v3;
	v5 =	vadd.f32 v40, v5  }
0x2f8: {  	v48 =	vld [tilespmem:$0x1FB20];
	v41 =	vadd.f32 $1.428571490e-01, v37;
	v47 =	vmul.f32 $1.111111120e-01, v44  }
0x2f9: {  	v51 =	vld [tilespmem:$0x1FB60];
	v3 =	vadd.f32 v42, v3;
	v5 =	vadd.f32 v43, v5  }
0x2fa: {  	v50 =	vld [tilespmem:$0x7F10];
	v6 =	vmul.f32 v41, v34;
	v12 =	vadd.f32 $1.428571490e-01, v47  }
0x2fb: {  	v3 =	vadd.f32 v45, v3;
	v5 =	vadd.f32 v46, v5;
	v54 =	vld [tilespmem:$0x1FB70]  }
0x2fc: {  	v53 =	vld [tilespmem:$0x1FBA0];
	v6 =	vadd.f32 $2.000000030e-01, v6;
	v12 =	vmul.f32 v12, v44  }
0x2fd: {  	v3 =	vadd.f32 v48, v3;
	v5 =	vadd.f32 v49, v5  }
0x2fe: {  	v52 =	vld.idx.msk [tilespmem:v17+s13+$0x0], $0xffff;
	v1 =	vshrl.u32 v1, $0x17;
	v6 =	vmul.f32 v6, v34;
	v12 =	vadd.f32 $2.000000030e-01, v12  }
0x2ff: {  	v61 =	vld [tilespmem:$0x1FBE0];
	v3 =	vadd.f32 v51, v3;
	v5 =	vadd.f32 v13, v5;
	v1 =	vand.u32 $0xFF, v1  }
0x300: {  	v55 =	vld.idx.msk [tilespmem:v16+s13+$0x0], $0xffff;
	v7 =	vadd.s32 v54, v50;
	v6 =	vadd.f32 $3.333333430e-01, v6;
	v56 =	vmul.f32 v12, v44  }
0x301: {  	v62 =	vld [tilespmem:$0x1FBD0];
	v1 =	vadd.s32 $0xFFFFFF81, v1;
	v3 =	vadd.f32 v53, v3;
	v0 =	vshrl.u32 v0, $0x17  }
0x302: {  	v57 =	vld.idx.msk [tilespmem:v15+s13+$0x0], $0xffff;
	v0 =	vand.u32 $0xFF, v0;
	v6 =	vmul.f32 v6, v34;
	v10 =	vadd.f32 $3.333333430e-01, v56  }
0x303: {  	v5 =	vadd.f32 v52, v5;
	v1 =	vcvt.s32.f32 v1;
	v0 =	vadd.s32 $0xFFFFFF81, v0  }
0x304: {  	v59 =	vld.idx.msk [tilespmem:v14+s13+$0x0], $0xffff;
	v2 =	vadd.f32 v2, v2;
	v6 =	vadd.f32 $1.000000000e+00, v6;
	v58 =	vmul.f32 v10, v44  }
0x305: {  	v5 =	vadd.f32 v55, v5;
	v1 =	vmul.f32 $6.931471820e-01, v1;
	v0 =	vcvt.s32.f32 v0;
	v7 =	vld.idx.msk [tilespmem:v7+s10+$0x0], $0xffff  }
0x306: {  	v4 =	vadd.f32 v4, v4;
	v2 =	vmul.f32 v6, v2;
	v6 =	vadd.f32 $1.000000000e+00, v58  }
0x307: {  	v3 =	vadd.f32 v62, v3;
	v60 =	vadd.f32 v57, v5;
	v5 =	vmul.f32 $8.998998990e-01, v61  }
0x308: {  	v0 =	vmul.f32 $6.931471820e-01, v0;
	v1 =	vadd.f32 v2, v1;
	v4 =	vmul.f32 v6, v4  }
0x309: {  	v3 =	vmul.f32 $1.001001000e-04, v3;
	v2 =	vadd.f32 v59, v60  }
0x30a: {  	v63 =	vmul.f32 $8.998998990e-01, v7;
	v1 =	vsub.f32 v1, v5;
	v0 =	vadd.f32 v4, v0;
	_ =	sdelay $0x1  }
0x30b: {  	v2 =	vmul.f32 $1.001001000e-04, v2;
	v1 =	vsub.f32 v1, v3;
	v0 =	vsub.f32 v0, v63;
	_ =	sdelay $0x1  }
0x30c: {  	v1 =	vadd.f32 $0.0e+00, v1;
	v0 =	vsub.f32 v0, v2;
	_ =	sdelay $0x1  }
0x30d: {  	s16 =	sadd.s32 $0x1, s16;
	v0 =	vadd.f32 v0, v1  }
0x30e: {  	p0 =	sne.s32 s16, s7  }
.Ltmp2:
0x30f: {  	[tilespmem:$0x7F20] =	vst v0;
	(pc) =	sbr.rel @p0 .LBB2_1-.Ltmp2, $4  }
0x310: {  	[hbm4b:s6+s2] =	stream.linear.scatter [tilespmem:s15], [sflag:$0x3], $0x10, $0x38;
	[tilespmem:$0x7F30] =	vst v63  }
0x311: {  	_ =	swait.ge [sflag:s9], $0x10  }
0x312: {  	[sflag:s9] =	ssyncset.done $0x0  }
0x313: {  	[sflag:s9] =	ssyncadd.s32 $0xFFFFFFF0  }
0x314: {  	_ =	sfence.sel $0x180000  }
0x315: {  	[bflag:$0x0] =	sbarrier.arrive $0xFFFF  }
0x316: {  	p0 =	sne.s32 s1, $0x0;
	_ =	strace $0x90000047  }
0x317: {  	s0 =	sadd.s32 @!p0 $0x100000, s0;
	[bflag:$0x2] =	sbarrier.arrive $0xFFFF  }
0x318: {  	[sflag:s0] =	ssyncadd.tile.s32 @!p0 $0x1;
	_ =	shalt  }
.Lfunc_end2:
_tile_overlayer_lowered:
.L_overlay_start_2:
0x319: {  	(tag) =	ssettag $0x2  }
0x31a: {  	s0 =	rddreg [dreg:$0x0];
	s2 =	stileid.u32  }
0x31b: {  	s1 =	rddreg [dreg:$0x1];
	p0 =	sne.s32 s2, $0x0  }
0x31c: {  	s3 =	rddreg [dreg:$0x2];
	[bflag:$0x3] =	sbarrier.arrive $0xFFFF;
	s2 =	simm.s32 @!p0 $0x1C03  }
0x31d: {  	[timem:s3], [sflag:s2] =	dma.local @!p0 [hbm:s0], s1  }
0x31e: {  	s0 =	simm.s32 @!p0 $0x3  }
0x31f: {  	_ =	swait.ge @!p0 [sflag:s0], s1  }
0x320: {  	s1 =	ssub.s32 @!p0 $0x0, s1;
	[sflag:s0] =	ssyncset.done @!p0 $0x0  }
0x321: {  	[sflag:s0] =	ssyncadd.s32 @!p0 s1  }
0x322: {  	[bflag:$0x3] =	sbarrier.arrive $0xFFFF  }
0x323: {  	_ =	shalt  }

</sc_bundles>
